<compile_context>
chip_gen: v7x
topology: tpu7x:2x2x1
jax: 0.10.2.dev20260603
libtpu: 0.0.44.dev20260713+nightly
codegen_flags: <defaults>
</compile_context>

<pallas_src>
import jax
import jax.numpy as jnp
import numpy as np
from jax import lax
from jax.experimental import pallas as pl
from jax.experimental.pallas import tpu as pltpu
from jax.experimental.pallas import tpu_sc as plsc

N = 262144
F = 64
B = 256
NC = 2
NS = 16
NW = NC * NS
SAMP = N // NW
CHUNK = 128
NCHUNK = SAMP // CHUNK
NFG = F // 16
GSZ = 16 * B
NHB = 4 * NFG
ROW_UNROLL = 8
BS = 2048


XTS = 65


def _sc_body(x_hbm, g_hbm, h_hbm, out_hbm, x_buf, x_t, g_v, h_v, *rest):
    hbufs = rest[:NHB]
    sems = rest[NHB:]
    c = lax.axis_index("c")
    s = lax.axis_index("s")
    wid = s * NC + c
    base = wid * SAMP

    def start_x(ci, b):
        pltpu.make_async_copy(
            x_hbm.at[:, pl.ds(base + ci * CHUNK, CHUNK)], x_buf.at[b], sems[b]
        ).start()

    def wait_x(b):
        pltpu.make_async_copy(
            x_hbm.at[:, pl.ds(base, CHUNK)], x_buf.at[b], sems[b]
        ).wait()

    start_x(0, 0)
    start_x(1, 1)
    pltpu.sync_copy(g_hbm.at[pl.ds(base, SAMP)], g_v)
    pltpu.sync_copy(h_hbm.at[pl.ds(base, SAMP)], h_v)

    zeros = jnp.zeros((16,), jnp.float32)

    def zero_body(i, carry):
        for hb in hbufs:
            hb[pl.ds(i * 16, 16)] = zeros
        return carry

    lax.fori_loop(0, GSZ // 16, zero_body, 0)

    lane_off = lax.iota(jnp.int32, 16) * B
    lane16 = lax.iota(jnp.int32, 16)
    tsg = [lane16 * XTS + sg * 16 * XTS for sg in range(CHUNK // 16)]

    def transpose_chunk(b):
        def tbody(f2, carry):
            for u in range(2):
                f = f2 * 2 + u
                fb = jnp.full((16,), f, jnp.int32)
                xvs = [
                    x_buf[b, f, pl.ds(sg * 16, 16)]
                    for sg in range(CHUNK // 16)
                ]
                idxv = [tsg[sg] + fb for sg in range(CHUNK // 16)]
                for sg in range(CHUNK // 16):
                    plsc.store_scatter(x_t, [idxv[sg]], xvs[sg])
            return carry

        lax.fori_loop(0, F // 2, tbody, 0)

    def compute_chunk(ci, b):
        transpose_chunk(b)

        def rows_body(r8, carry):
            rows = []
            for u in range(ROW_UNROLL):
                r = r8 * ROW_UNROLL + u
                gi = ci * CHUNK + r
                gidx = jnp.full((16,), gi, jnp.int32)
                gs = plsc.load_gather(g_v, [gidx])
                hs = plsc.load_gather(h_v, [gidx])
                idxs = [
                    x_t[pl.ds(r * XTS + fg * 16, 16)] + lane_off
                    for fg in range(NFG)
                ]
                rows.append((gs, hs, idxs))
            for u, (gs, hs, idxs) in enumerate(rows):
                par = (u % 2) * 2 * NFG
                for fg in range(NFG):
                    plsc.addupdate_scatter(hbufs[par + fg], [idxs[fg]], gs)
                    plsc.addupdate_scatter(hbufs[par + NFG + fg], [idxs[fg]], hs)
            return carry

        lax.fori_loop(0, CHUNK // ROW_UNROLL, rows_body, 0)

    def step_body(si, carry):
        for b in range(2):
            ci = si * 2 + b
            wait_x(b)
            compute_chunk(ci, b)

            @pl.when(ci + 2 < NCHUNK)
            def _():
                start_x(ci + 2, b)

        return carry

    lax.fori_loop(0, NCHUNK // 2, step_body, 0)

    for k, hb in enumerate(hbufs):
        pltpu.sync_copy(hb, out_hbm.at[wid, k])


_sc_hist = pl.kernel(
    _sc_body,
    out_type=jax.ShapeDtypeStruct((NW, NHB, GSZ), jnp.float32),
    mesh=plsc.VectorSubcoreMesh(
        core_axis_name="c", subcore_axis_name="s", num_cores=NC, num_subcores=NS
    ),
    compiler_params=pltpu.CompilerParams(needs_layout_passes=False),
    scratch_types=[
        pltpu.VMEM((2, F, CHUNK), jnp.int32),
        pltpu.VMEM((CHUNK * XTS,), jnp.int32),
        pltpu.VMEM((SAMP,), jnp.float32),
        pltpu.VMEM((SAMP,), jnp.float32),
    ]
    + [pltpu.VMEM((GSZ,), jnp.float32) for _ in range(NHB)]
    + [
        pltpu.SemaphoreType.DMA,
        pltpu.SemaphoreType.DMA,
    ],
)


def _tc_body(p_ref, o_ref):
    acc = jnp.sum(p_ref[...], axis=0)
    bi = lax.broadcasted_iota(jnp.int32, (B, B), 0)
    ki = lax.broadcasted_iota(jnp.int32, (B, B), 1)
    m = (bi > ki).astype(jnp.float32)
    for L in range(16):
        blk = acc[:, L * B:(L + 1) * B]
        o_ref[pl.ds(L * 8, 8), :] = lax.dot(
            blk, m, precision=lax.Precision.HIGHEST
        )


_tc_finish = pl.pallas_call(
    _tc_body,
    out_shape=jax.ShapeDtypeStruct((2 * F, B), jnp.float32),
)

_PG = np.array([(f % 16) * 8 + f // 16 for f in range(F)], np.int32)
_PH = _PG + 4


@jax.jit
def kernel(X, gradient, hessian):
    partials = _sc_hist(X.T, gradient, hessian)
    out2 = _tc_finish(partials.reshape(2 * NW, NHB // 2, GSZ))
    return (out2[_PG][None], out2[_PH][None])

# --- scband reference (transcript-rebuilt; emitter-appended) ---
"""Pipeline reference for scband-pgbm-19670950215706 (READ-ONLY COPY).

The authoritative reference and input builder live on the scoring server;
editing this copy changes nothing except your own understanding.
"""

import jax, jax.numpy as jnp
import numpy as np

MAX_BIN = 256


def setup_inputs(seed: int = 0) -> dict:
    key = jax.random.key(seed)
    k1, k2, k3 = jax.random.split(key, 3)
    N, F = 262144, 64
    X = jax.random.randint(k1, (N, F), 0, MAX_BIN, dtype=jnp.int32)
    gradient = jax.random.normal(k2, (N,), dtype=jnp.float32)
    hessian = jax.random.uniform(k3, (N,), dtype=jnp.float32)
    return {"X": X, "gradient": gradient, "hessian": hessian}


def reference(X, gradient, hessian):
    # Faithful to PGBM's split-decision histogram (_split_decision.forward /
    # the CPU einsum path in _create_tree):
    #   Gl[j, k] = sum_i gradient[i] * (X[i, j] > k)
    #   Hl[j, k] = sum_i hessian[i]  * (X[i, j] > k)
    # Implemented as a per-feature scatter-add histogram over bin indices
    # followed by an exclusive reverse cumulative sum (same math as the
    # dense torch.gt + einsum formulation, but memory-bound like the CUDA
    # parallelsum kernel).
    Xt = X.T  # [n_features, n_samples]; forward receives X and does X.T

    def per_feature(xrow):
        gh = jnp.zeros((MAX_BIN,), jnp.float32).at[xrow].add(gradient)
        hh = jnp.zeros((MAX_BIN,), jnp.float32).at[xrow].add(hessian)
        return gh, hh

    gh, hh = jax.vmap(per_feature)(Xt)  # [F, MAX_BIN] each
    # sum over bins strictly greater than k  ==  (reverse inclusive cumsum) - own bin
    Gl = jnp.flip(jnp.cumsum(jnp.flip(gh, axis=-1), axis=-1), axis=-1) - gh
    Hl = jnp.flip(jnp.cumsum(jnp.flip(hh, axis=-1), axis=-1), axis=-1) - hh
    # _split_decision.forward returns (Gl.unsqueeze(0), Hl.unsqueeze(0))
    return (Gl[None], Hl[None])

if __name__ == "__main__":
    import jax
    _d = setup_inputs()
    print(jax.jit(kernel)(*tuple(_d.values())))

</pallas_src>

<mosaic_0001>
#map = affine_map<(d0, d1) -> (0, 0)>
#map1 = affine_map<(d0, d1) -> (0)>
#map2 = affine_map<(d0, d1) -> (0, 0, 0)>
module attributes {stable_mosaic.version = 14 : i64} {
  func.func @_sc_body(%arg0: i32, %arg1: i32, %arg2: memref<64x262144xi32, #tpu.memory_space<hbm>>, %arg3: memref<262144xf32, #tpu.memory_space<hbm>>, %arg4: memref<262144xf32, #tpu.memory_space<hbm>>, %arg5: memref<32x16x4096xf32, #tpu.memory_space<hbm>>, %arg6: memref<2x64x128xi32, #tpu.memory_space<vmem>>, %arg7: memref<8320xi32, #tpu.memory_space<vmem>>, %arg8: memref<8192xf32, #tpu.memory_space<vmem>>, %arg9: memref<8192xf32, #tpu.memory_space<vmem>>, %arg10: memref<4096xf32, #tpu.memory_space<vmem>>, %arg11: memref<4096xf32, #tpu.memory_space<vmem>>, %arg12: memref<4096xf32, #tpu.memory_space<vmem>>, %arg13: memref<4096xf32, #tpu.memory_space<vmem>>, %arg14: memref<4096xf32, #tpu.memory_space<vmem>>, %arg15: memref<4096xf32, #tpu.memory_space<vmem>>, %arg16: memref<4096xf32, #tpu.memory_space<vmem>>, %arg17: memref<4096xf32, #tpu.memory_space<vmem>>, %arg18: memref<4096xf32, #tpu.memory_space<vmem>>, %arg19: memref<4096xf32, #tpu.memory_space<vmem>>, %arg20: memref<4096xf32, #tpu.memory_space<vmem>>, %arg21: memref<4096xf32, #tpu.memory_space<vmem>>, %arg22: memref<4096xf32, #tpu.memory_space<vmem>>, %arg23: memref<4096xf32, #tpu.memory_space<vmem>>, %arg24: memref<4096xf32, #tpu.memory_space<vmem>>, %arg25: memref<4096xf32, #tpu.memory_space<vmem>>, %arg26: memref<!tpu.dma_semaphore, #tpu.memory_space<semaphore_mem>>, %arg27: memref<!tpu.dma_semaphore, #tpu.memory_space<semaphore_mem>>) attributes {dimension_semantics = [#tpu.dimension_semantics<core_parallel>, #tpu.dimension_semantics<subcore_parallel>], iteration_bounds = array<i64: 2, 16>, scalar_prefetch = 0 : i64, scratch_operands = 22 : i64, tpu.core_type = #tpu.core_type<sc_vector_subcore>, window_params = [{transform_indices = #map}, {transform_indices = #map1}, {transform_indices = #map1}, {transform_indices = #map2}]} {
    %mul3A = arith.constant 2 : i32
    %mul3A_0 = arith.muli %arg1, %mul3A : i32
    %add3A = arith.addi %mul3A_0, %arg0 : i32
    %mul3A_1 = arith.constant 8192 : i32
    %mul3A_2 = arith.muli %add3A, %mul3A_1 : i32
    %add3A_3 = arith.constant 0 : i32
    %add3A_4 = arith.addi %mul3A_2, %add3A_3 : i32
    %dma_start3A = arith.constant 0 : i32
    %dma_start3A_5 = arith.constant 0 : i32
    %dma_start3A_6 = arith.constant 0 : i32
    %dma_start3A_7 = tpu.memref_slice %arg6[%dma_start3A, %dma_start3A_5, %dma_start3A_6] : memref<2x64x128xi32, #tpu.memory_space<vmem>> -> memref<1x64x128xi32, #tpu.memory_space<vmem>>
    %dma_start3A_8 = tpu.memref_squeeze %dma_start3A_7 : memref<1x64x128xi32, #tpu.memory_space<vmem>> -> memref<64x128xi32, #tpu.memory_space<vmem>>
    %dma_start3A_9 = arith.constant 0 : i32
    %dma_start3A_10 = tpu.memref_slice %arg2[%dma_start3A_9, %add3A_4] : memref<64x262144xi32, #tpu.memory_space<hbm>> -> memref<64x128xi32, #tpu.memory_space<hbm>>
    %dma_start3A_11 = arith.constant 0 : i32
    %dma_start3A_12 = arith.constant 0 : i32
    %dma_start3A_13 = tpu.memref_slice %arg6[%dma_start3A, %dma_start3A_11, %dma_start3A_12] : memref<2x64x128xi32, #tpu.memory_space<vmem>> -> memref<1x64x128xi32, #tpu.memory_space<vmem>>
    %dma_start3A_14 = tpu.memref_squeeze %dma_start3A_13 : memref<1x64x128xi32, #tpu.memory_space<vmem>> -> memref<64x128xi32, #tpu.memory_space<vmem>>
    %dma_start3A_15 = arith.constant 0 : i32
    %dma_start3A_16 = tpu.memref_slice %arg2[%dma_start3A_15, %add3A_4] : memref<64x262144xi32, #tpu.memory_space<hbm>> -> memref<64x128xi32, #tpu.memory_space<hbm>>
    tpu.enqueue_dma source(%dma_start3A_16 : memref<64x128xi32, #tpu.memory_space<hbm>>) target(%dma_start3A_14 : memref<64x128xi32, #tpu.memory_space<vmem>>) target_semaphore(%arg26 : memref<!tpu.dma_semaphore, #tpu.memory_space<semaphore_mem>>)
    %add3A_17 = arith.constant 128 : i32
    %add3A_18 = arith.addi %mul3A_2, %add3A_17 : i32
    %dma_start3A_19 = arith.constant 1 : i32
    %dma_start3A_20 = arith.constant 0 : i32
    %dma_start3A_21 = arith.constant 0 : i32
    %dma_start3A_22 = tpu.memref_slice %arg6[%dma_start3A_19, %dma_start3A_20, %dma_start3A_21] : memref<2x64x128xi32, #tpu.memory_space<vmem>> -> memref<1x64x128xi32, #tpu.memory_space<vmem>>
    %dma_start3A_23 = tpu.memref_squeeze %dma_start3A_22 : memref<1x64x128xi32, #tpu.memory_space<vmem>> -> memref<64x128xi32, #tpu.memory_space<vmem>>
    %dma_start3A_24 = arith.constant 0 : i32
    %dma_start3A_25 = tpu.memref_slice %arg2[%dma_start3A_24, %add3A_18] : memref<64x262144xi32, #tpu.memory_space<hbm>> -> memref<64x128xi32, #tpu.memory_space<hbm>>
    %dma_start3A_26 = arith.constant 0 : i32
    %dma_start3A_27 = arith.constant 0 : i32
    %dma_start3A_28 = tpu.memref_slice %arg6[%dma_start3A_19, %dma_start3A_26, %dma_start3A_27] : memref<2x64x128xi32, #tpu.memory_space<vmem>> -> memref<1x64x128xi32, #tpu.memory_space<vmem>>
    %dma_start3A_29 = tpu.memref_squeeze %dma_start3A_28 : memref<1x64x128xi32, #tpu.memory_space<vmem>> -> memref<64x128xi32, #tpu.memory_space<vmem>>
    %dma_start3A_30 = arith.constant 0 : i32
    %dma_start3A_31 = tpu.memref_slice %arg2[%dma_start3A_30, %add3A_18] : memref<64x262144xi32, #tpu.memory_space<hbm>> -> memref<64x128xi32, #tpu.memory_space<hbm>>
    tpu.enqueue_dma source(%dma_start3A_31 : memref<64x128xi32, #tpu.memory_space<hbm>>) target(%dma_start3A_29 : memref<64x128xi32, #tpu.memory_space<vmem>>) target_semaphore(%arg27 : memref<!tpu.dma_semaphore, #tpu.memory_space<semaphore_mem>>)
    "tpu.region"() ({
      %run_scoped3A_111 = tpu.sem_alloc : memref<!tpu.dma_semaphore, #tpu.memory_space<semaphore_mem>>
      %dma_start3A_112 = tpu.memref_slice %arg3[%mul3A_2] : memref<262144xf32, #tpu.memory_space<hbm>> -> memref<8192xf32, #tpu.memory_space<hbm>>
      %dma_start3A_113 = tpu.memref_slice %arg3[%mul3A_2] : memref<262144xf32, #tpu.memory_space<hbm>> -> memref<8192xf32, #tpu.memory_space<hbm>>
      tpu.enqueue_dma source(%dma_start3A_113 : memref<8192xf32, #tpu.memory_space<hbm>>) target(%arg8 : memref<8192xf32, #tpu.memory_space<vmem>>) target_semaphore(%run_scoped3A_111 : memref<!tpu.dma_semaphore, #tpu.memory_space<semaphore_mem>>)
      %dma_wait3A = tpu.memref_slice %arg3[%mul3A_2] : memref<262144xf32, #tpu.memory_space<hbm>> -> memref<8192xf32, #tpu.memory_space<hbm>>
      %dma_wait3A_114 = tpu.memref_slice %arg3[%mul3A_2] : memref<262144xf32, #tpu.memory_space<hbm>> -> memref<8192xf32, #tpu.memory_space<hbm>>
      tpu.wait_dma2 semaphore(%run_scoped3A_111 : memref<!tpu.dma_semaphore, #tpu.memory_space<semaphore_mem>>) src(%dma_wait3A_114 : memref<8192xf32, #tpu.memory_space<hbm>>) dst(%arg8 : memref<8192xf32, #tpu.memory_space<vmem>>)
      tpu.yield
    }) : () -> ()
    "tpu.region"() ({
      %run_scoped3A_111 = tpu.sem_alloc : memref<!tpu.dma_semaphore, #tpu.memory_space<semaphore_mem>>
      %dma_start3A_112 = tpu.memref_slice %arg4[%mul3A_2] : memref<262144xf32, #tpu.memory_space<hbm>> -> memref<8192xf32, #tpu.memory_space<hbm>>
      %dma_start3A_113 = tpu.memref_slice %arg4[%mul3A_2] : memref<262144xf32, #tpu.memory_space<hbm>> -> memref<8192xf32, #tpu.memory_space<hbm>>
      tpu.enqueue_dma source(%dma_start3A_113 : memref<8192xf32, #tpu.memory_space<hbm>>) target(%arg9 : memref<8192xf32, #tpu.memory_space<vmem>>) target_semaphore(%run_scoped3A_111 : memref<!tpu.dma_semaphore, #tpu.memory_space<semaphore_mem>>)
      %dma_wait3A = tpu.memref_slice %arg4[%mul3A_2] : memref<262144xf32, #tpu.memory_space<hbm>> -> memref<8192xf32, #tpu.memory_space<hbm>>
      %dma_wait3A_114 = tpu.memref_slice %arg4[%mul3A_2] : memref<262144xf32, #tpu.memory_space<hbm>> -> memref<8192xf32, #tpu.memory_space<hbm>>
      tpu.wait_dma2 semaphore(%run_scoped3A_111 : memref<!tpu.dma_semaphore, #tpu.memory_space<semaphore_mem>>) src(%dma_wait3A_114 : memref<8192xf32, #tpu.memory_space<hbm>>) dst(%arg9 : memref<8192xf32, #tpu.memory_space<vmem>>)
      tpu.yield
    }) : () -> ()
    %broadcast_in_dim3A = arith.constant 0.000000e+00 : f32
    %broadcast_in_dim3A_32 = vector.broadcast %broadcast_in_dim3A : f32 to vector<16xf32>
    %scan3A = arith.constant 0 : i32
    %scan3A_33 = arith.constant 0 : i32
    %scan3A_34 = arith.constant 256 : i32
    %scan3A_35 = arith.addi %scan3A_33, %scan3A_34 : i32
    %scan3A_36 = arith.constant 1 : i32
    scf.for %scan3A_111 = %scan3A_33 to %scan3A_35 step %scan3A_36  : i32 {
      %mul3A_112 = arith.constant 16 : i32
      %mul3A_113 = arith.muli %scan3A_111, %mul3A_112 : i32
      %swap3A = arith.index_cast %mul3A_113 : i32 to index
      %swap3A_114 = tpu.vector_load %arg10[%swap3A] {strides = array<i32>} : memref<4096xf32, #tpu.memory_space<vmem>>, vector<16xf32>,
      tpu.vector_store %arg10[%swap3A], %broadcast_in_dim3A_32 {strides = array<i32>} : memref<4096xf32, #tpu.memory_space<vmem>>, vector<16xf32>,
      %mul3A_115 = arith.constant 16 : i32
      %mul3A_116 = arith.muli %scan3A_111, %mul3A_115 : i32
      %swap3A_117 = arith.index_cast %mul3A_116 : i32 to index
      %swap3A_118 = tpu.vector_load %arg11[%swap3A_117] {strides = array<i32>} : memref<4096xf32, #tpu.memory_space<vmem>>, vector<16xf32>,
      tpu.vector_store %arg11[%swap3A_117], %broadcast_in_dim3A_32 {strides = array<i32>} : memref<4096xf32, #tpu.memory_space<vmem>>, vector<16xf32>,
      %mul3A_119 = arith.constant 16 : i32
      %mul3A_120 = arith.muli %scan3A_111, %mul3A_119 : i32
      %swap3A_121 = arith.index_cast %mul3A_120 : i32 to index
      %swap3A_122 = tpu.vector_load %arg12[%swap3A_121] {strides = array<i32>} : memref<4096xf32, #tpu.memory_space<vmem>>, vector<16xf32>,
      tpu.vector_store %arg12[%swap3A_121], %broadcast_in_dim3A_32 {strides = array<i32>} : memref<4096xf32, #tpu.memory_space<vmem>>, vector<16xf32>,
      %mul3A_123 = arith.constant 16 : i32
      %mul3A_124 = arith.muli %scan3A_111, %mul3A_123 : i32
      %swap3A_125 = arith.index_cast %mul3A_124 : i32 to index
      %swap3A_126 = tpu.vector_load %arg13[%swap3A_125] {strides = array<i32>} : memref<4096xf32, #tpu.memory_space<vmem>>, vector<16xf32>,
      tpu.vector_store %arg13[%swap3A_125], %broadcast_in_dim3A_32 {strides = array<i32>} : memref<4096xf32, #tpu.memory_space<vmem>>, vector<16xf32>,
      %mul3A_127 = arith.constant 16 : i32
      %mul3A_128 = arith.muli %scan3A_111, %mul3A_127 : i32
      %swap3A_129 = arith.index_cast %mul3A_128 : i32 to index
      %swap3A_130 = tpu.vector_load %arg14[%swap3A_129] {strides = array<i32>} : memref<4096xf32, #tpu.memory_space<vmem>>, vector<16xf32>,
      tpu.vector_store %arg14[%swap3A_129], %broadcast_in_dim3A_32 {strides = array<i32>} : memref<4096xf32, #tpu.memory_space<vmem>>, vector<16xf32>,
      %mul3A_131 = arith.constant 16 : i32
      %mul3A_132 = arith.muli %scan3A_111, %mul3A_131 : i32
      %swap3A_133 = arith.index_cast %mul3A_132 : i32 to index
      %swap3A_134 = tpu.vector_load %arg15[%swap3A_133] {strides = array<i32>} : memref<4096xf32, #tpu.memory_space<vmem>>, vector<16xf32>,
      tpu.vector_store %arg15[%swap3A_133], %broadcast_in_dim3A_32 {strides = array<i32>} : memref<4096xf32, #tpu.memory_space<vmem>>, vector<16xf32>,
      %mul3A_135 = arith.constant 16 : i32
      %mul3A_136 = arith.muli %scan3A_111, %mul3A_135 : i32
      %swap3A_137 = arith.index_cast %mul3A_136 : i32 to index
      %swap3A_138 = tpu.vector_load %arg16[%swap3A_137] {strides = array<i32>} : memref<4096xf32, #tpu.memory_space<vmem>>, vector<16xf32>,
      tpu.vector_store %arg16[%swap3A_137], %broadcast_in_dim3A_32 {strides = array<i32>} : memref<4096xf32, #tpu.memory_space<vmem>>, vector<16xf32>,
      %mul3A_139 = arith.constant 16 : i32
      %mul3A_140 = arith.muli %scan3A_111, %mul3A_139 : i32
      %swap3A_141 = arith.index_cast %mul3A_140 : i32 to index
      %swap3A_142 = tpu.vector_load %arg17[%swap3A_141] {strides = array<i32>} : memref<4096xf32, #tpu.memory_space<vmem>>, vector<16xf32>,
      tpu.vector_store %arg17[%swap3A_141], %broadcast_in_dim3A_32 {strides = array<i32>} : memref<4096xf32, #tpu.memory_space<vmem>>, vector<16xf32>,
      %mul3A_143 = arith.constant 16 : i32
      %mul3A_144 = arith.muli %scan3A_111, %mul3A_143 : i32
      %swap3A_145 = arith.index_cast %mul3A_144 : i32 to index
      %swap3A_146 = tpu.vector_load %arg18[%swap3A_145] {strides = array<i32>} : memref<4096xf32, #tpu.memory_space<vmem>>, vector<16xf32>,
      tpu.vector_store %arg18[%swap3A_145], %broadcast_in_dim3A_32 {strides = array<i32>} : memref<4096xf32, #tpu.memory_space<vmem>>, vector<16xf32>,
      %mul3A_147 = arith.constant 16 : i32
      %mul3A_148 = arith.muli %scan3A_111, %mul3A_147 : i32
      %swap3A_149 = arith.index_cast %mul3A_148 : i32 to index
      %swap3A_150 = tpu.vector_load %arg19[%swap3A_149] {strides = array<i32>} : memref<4096xf32, #tpu.memory_space<vmem>>, vector<16xf32>,
      tpu.vector_store %arg19[%swap3A_149], %broadcast_in_dim3A_32 {strides = array<i32>} : memref<4096xf32, #tpu.memory_space<vmem>>, vector<16xf32>,
      %mul3A_151 = arith.constant 16 : i32
      %mul3A_152 = arith.muli %scan3A_111, %mul3A_151 : i32
      %swap3A_153 = arith.index_cast %mul3A_152 : i32 to index
      %swap3A_154 = tpu.vector_load %arg20[%swap3A_153] {strides = array<i32>} : memref<4096xf32, #tpu.memory_space<vmem>>, vector<16xf32>,
      tpu.vector_store %arg20[%swap3A_153], %broadcast_in_dim3A_32 {strides = array<i32>} : memref<4096xf32, #tpu.memory_space<vmem>>, vector<16xf32>,
      %mul3A_155 = arith.constant 16 : i32
      %mul3A_156 = arith.muli %scan3A_111, %mul3A_155 : i32
      %swap3A_157 = arith.index_cast %mul3A_156 : i32 to index
      %swap3A_158 = tpu.vector_load %arg21[%swap3A_157] {strides = array<i32>} : memref<4096xf32, #tpu.memory_space<vmem>>, vector<16xf32>,
      tpu.vector_store %arg21[%swap3A_157], %broadcast_in_dim3A_32 {strides = array<i32>} : memref<4096xf32, #tpu.memory_space<vmem>>, vector<16xf32>,
      %mul3A_159 = arith.constant 16 : i32
      %mul3A_160 = arith.muli %scan3A_111, %mul3A_159 : i32
      %swap3A_161 = arith.index_cast %mul3A_160 : i32 to index
      %swap3A_162 = tpu.vector_load %arg22[%swap3A_161] {strides = array<i32>} : memref<4096xf32, #tpu.memory_space<vmem>>, vector<16xf32>,
      tpu.vector_store %arg22[%swap3A_161], %broadcast_in_dim3A_32 {strides = array<i32>} : memref<4096xf32, #tpu.memory_space<vmem>>, vector<16xf32>,
      %mul3A_163 = arith.constant 16 : i32
      %mul3A_164 = arith.muli %scan3A_111, %mul3A_163 : i32
      %swap3A_165 = arith.index_cast %mul3A_164 : i32 to index
      %swap3A_166 = tpu.vector_load %arg23[%swap3A_165] {strides = array<i32>} : memref<4096xf32, #tpu.memory_space<vmem>>, vector<16xf32>,
      tpu.vector_store %arg23[%swap3A_165], %broadcast_in_dim3A_32 {strides = array<i32>} : memref<4096xf32, #tpu.memory_space<vmem>>, vector<16xf32>,
      %mul3A_167 = arith.constant 16 : i32
      %mul3A_168 = arith.muli %scan3A_111, %mul3A_167 : i32
      %swap3A_169 = arith.index_cast %mul3A_168 : i32 to index
      %swap3A_170 = tpu.vector_load %arg24[%swap3A_169] {strides = array<i32>} : memref<4096xf32, #tpu.memory_space<vmem>>, vector<16xf32>,
      tpu.vector_store %arg24[%swap3A_169], %broadcast_in_dim3A_32 {strides = array<i32>} : memref<4096xf32, #tpu.memory_space<vmem>>, vector<16xf32>,
      %mul3A_171 = arith.constant 16 : i32
      %mul3A_172 = arith.muli %scan3A_111, %mul3A_171 : i32
      %swap3A_173 = arith.index_cast %mul3A_172 : i32 to index
      %swap3A_174 = tpu.vector_load %arg25[%swap3A_173] {strides = array<i32>} : memref<4096xf32, #tpu.memory_space<vmem>>, vector<16xf32>,
      tpu.vector_store %arg25[%swap3A_173], %broadcast_in_dim3A_32 {strides = array<i32>} : memref<4096xf32, #tpu.memory_space<vmem>>, vector<16xf32>,
    }
    %scan3A_37 = arith.constant 256 : i32
    %iota3A = tpu.iota {dimensions = array<i32: 0>} : vector<16xi32>
    %mul3A_38 = arith.constant 256 : i32
    %mul3A_39 = vector.broadcast %mul3A_38 : i32 to vector<16xi32>
    %mul3A_40 = arith.muli %iota3A, %mul3A_39 : vector<16xi32>
    %iota3A_41 = tpu.iota {dimensions = array<i32: 0>} : vector<16xi32>
    %mul3A_42 = arith.constant 65 : i32
    %mul3A_43 = vector.broadcast %mul3A_42 : i32 to vector<16xi32>
    %mul3A_44 = arith.muli %iota3A_41, %mul3A_43 : vector<16xi32>
    %add3A_45 = arith.constant 0 : i32
    %add3A_46 = vector.broadcast %add3A_45 : i32 to vector<16xi32>
    %add3A_47 = arith.addi %mul3A_44, %add3A_46 : vector<16xi32>
    %mul3A_48 = arith.constant 65 : i32
    %mul3A_49 = vector.broadcast %mul3A_48 : i32 to vector<16xi32>
    %mul3A_50 = arith.muli %iota3A_41, %mul3A_49 : vector<16xi32>
    %add3A_51 = arith.constant 1040 : i32
    %add3A_52 = vector.broadcast %add3A_51 : i32 to vector<16xi32>
    %add3A_53 = arith.addi %mul3A_50, %add3A_52 : vector<16xi32>
    %mul3A_54 = arith.constant 65 : i32
    %mul3A_55 = vector.broadcast %mul3A_54 : i32 to vector<16xi32>
    %mul3A_56 = arith.muli %iota3A_41, %mul3A_55 : vector<16xi32>
    %add3A_57 = arith.constant 2080 : i32
    %add3A_58 = vector.broadcast %add3A_57 : i32 to vector<16xi32>
    %add3A_59 = arith.addi %mul3A_56, %add3A_58 : vector<16xi32>
    %mul3A_60 = arith.constant 65 : i32
    %mul3A_61 = vector.broadcast %mul3A_60 : i32 to vector<16xi32>
    %mul3A_62 = arith.muli %iota3A_41, %mul3A_61 : vector<16xi32>
    %add3A_63 = arith.constant 3120 : i32
    %add3A_64 = vector.broadcast %add3A_63 : i32 to vector<16xi32>
    %add3A_65 = arith.addi %mul3A_62, %add3A_64 : vector<16xi32>
    %mul3A_66 = arith.constant 65 : i32
    %mul3A_67 = vector.broadcast %mul3A_66 : i32 to vector<16xi32>
    %mul3A_68 = arith.muli %iota3A_41, %mul3A_67 : vector<16xi32>
    %add3A_69 = arith.constant 4160 : i32
    %add3A_70 = vector.broadcast %add3A_69 : i32 to vector<16xi32>
    %add3A_71 = arith.addi %mul3A_68, %add3A_70 : vector<16xi32>
    %mul3A_72 = arith.constant 65 : i32
    %mul3A_73 = vector.broadcast %mul3A_72 : i32 to vector<16xi32>
    %mul3A_74 = arith.muli %iota3A_41, %mul3A_73 : vector<16xi32>
    %add3A_75 = arith.constant 5200 : i32
    %add3A_76 = vector.broadcast %add3A_75 : i32 to vector<16xi32>
    %add3A_77 = arith.addi %mul3A_74, %add3A_76 : vector<16xi32>
    %mul3A_78 = arith.constant 65 : i32
    %mul3A_79 = vector.broadcast %mul3A_78 : i32 to vector<16xi32>
    %mul3A_80 = arith.muli %iota3A_41, %mul3A_79 : vector<16xi32>
    %add3A_81 = arith.constant 6240 : i32
    %add3A_82 = vector.broadcast %add3A_81 : i32 to vector<16xi32>
    %add3A_83 = arith.addi %mul3A_80, %add3A_82 : vector<16xi32>
    %mul3A_84 = arith.constant 65 : i32
    %mul3A_85 = vector.broadcast %mul3A_84 : i32 to vector<16xi32>
    %mul3A_86 = arith.muli %iota3A_41, %mul3A_85 : vector<16xi32>
    %add3A_87 = arith.constant 7280 : i32
    %add3A_88 = vector.broadcast %add3A_87 : i32 to vector<16xi32>
    %add3A_89 = arith.addi %mul3A_86, %add3A_88 : vector<16xi32>
    %scan3A_90 = arith.constant 0 : i32
    %scan3A_91 = arith.constant 0 : i32
    %scan3A_92 = arith.constant 32 : i32
    %scan3A_93 = arith.addi %scan3A_91, %scan3A_92 : i32
    %scan3A_94 = arith.constant 1 : i32
    scf.for %scan3A_111 = %scan3A_91 to %scan3A_93 step %scan3A_94  : i32 {
      %mul3A_112 = arith.constant 2 : i32
      %mul3A_113 = arith.muli %scan3A_111, %mul3A_112 : i32
      %add3A_114 = arith.constant 0 : i32
      %add3A_115 = arith.addi %mul3A_113, %add3A_114 : i32
      %dma_wait3A = arith.constant 0 : i32
      %dma_wait3A_116 = arith.constant 0 : i32
      %dma_wait3A_117 = arith.constant 0 : i32
      %dma_wait3A_118 = tpu.memref_slice %arg6[%dma_wait3A, %dma_wait3A_116, %dma_wait3A_117] : memref<2x64x128xi32, #tpu.memory_space<vmem>> -> memref<1x64x128xi32, #tpu.memory_space<vmem>>
      %dma_wait3A_119 = tpu.memref_squeeze %dma_wait3A_118 : memref<1x64x128xi32, #tpu.memory_space<vmem>> -> memref<64x128xi32, #tpu.memory_space<vmem>>
      %dma_wait3A_120 = arith.constant 0 : i32
      %dma_wait3A_121 = tpu.memref_slice %arg2[%dma_wait3A_120, %mul3A_2] : memref<64x262144xi32, #tpu.memory_space<hbm>> -> memref<64x128xi32, #tpu.memory_space<hbm>>
      %dma_wait3A_122 = arith.constant 0 : i32
      %dma_wait3A_123 = arith.constant 0 : i32
      %dma_wait3A_124 = tpu.memref_slice %arg6[%dma_wait3A, %dma_wait3A_122, %dma_wait3A_123] : memref<2x64x128xi32, #tpu.memory_space<vmem>> -> memref<1x64x128xi32, #tpu.memory_space<vmem>>
      %dma_wait3A_125 = tpu.memref_squeeze %dma_wait3A_124 : memref<1x64x128xi32, #tpu.memory_space<vmem>> -> memref<64x128xi32, #tpu.memory_space<vmem>>
      %dma_wait3A_126 = arith.constant 0 : i32
      %dma_wait3A_127 = tpu.memref_slice %arg2[%dma_wait3A_126, %mul3A_2] : memref<64x262144xi32, #tpu.memory_space<hbm>> -> memref<64x128xi32, #tpu.memory_space<hbm>>
      tpu.wait_dma2 semaphore(%arg26 : memref<!tpu.dma_semaphore, #tpu.memory_space<semaphore_mem>>) src(%dma_wait3A_127 : memref<64x128xi32, #tpu.memory_space<hbm>>) dst(%dma_wait3A_125 : memref<64x128xi32, #tpu.memory_space<vmem>>)
      %scan3A_128 = arith.constant 0 : i32
      %scan3A_129 = arith.constant 0 : i32
      %scan3A_130 = arith.constant 32 : i32
      %scan3A_131 = arith.addi %scan3A_129, %scan3A_130 : i32
      %scan3A_132 = arith.constant 1 : i32
      scf.for %scan3A_180 = %scan3A_129 to %scan3A_131 step %scan3A_132  : i32 {
        %mul3A_181 = arith.constant 2 : i32
        %mul3A_182 = arith.muli %scan3A_180, %mul3A_181 : i32
        %add3A_183 = arith.constant 0 : i32
        %add3A_184 = arith.addi %mul3A_182, %add3A_183 : i32
        %broadcast_in_dim3A_185 = vector.broadcast %add3A_184 : i32 to vector<16xi32>
        %get3A = arith.constant 0 : i32
        %get3A_186 = arith.index_cast %get3A : i32 to index
        %get3A_187 = arith.index_cast %add3A_184 : i32 to index
        %get3A_188 = arith.constant 0 : index
        %get3A_189 = tpu.vector_load %arg6[%get3A_186, %get3A_187, %get3A_188] {strides = array<i32>} : memref<2x64x128xi32, #tpu.memory_space<vmem>>, vector<16xi32>,
        %get3A_190 = arith.constant 0 : i32
        %get3A_191 = arith.index_cast %get3A_190 : i32 to index
        %get3A_192 = arith.index_cast %add3A_184 : i32 to index
        %get3A_193 = arith.constant 16 : index
        %get3A_194 = tpu.vector_load %arg6[%get3A_191, %get3A_192, %get3A_193] {strides = array<i32>} : memref<2x64x128xi32, #tpu.memory_space<vmem>>, vector<16xi32>,
        %get3A_195 = arith.constant 0 : i32
        %get3A_196 = arith.index_cast %get3A_195 : i32 to index
        %get3A_197 = arith.index_cast %add3A_184 : i32 to index
        %get3A_198 = arith.constant 32 : index
        %get3A_199 = tpu.vector_load %arg6[%get3A_196, %get3A_197, %get3A_198] {strides = array<i32>} : memref<2x64x128xi32, #tpu.memory_space<vmem>>, vector<16xi32>,
        %get3A_200 = arith.constant 0 : i32
        %get3A_201 = arith.index_cast %get3A_200 : i32 to index
        %get3A_202 = arith.index_cast %add3A_184 : i32 to index
        %get3A_203 = arith.constant 48 : index
        %get3A_204 = tpu.vector_load %arg6[%get3A_201, %get3A_202, %get3A_203] {strides = array<i32>} : memref<2x64x128xi32, #tpu.memory_space<vmem>>, vector<16xi32>,
        %get3A_205 = arith.constant 0 : i32
        %get3A_206 = arith.index_cast %get3A_205 : i32 to index
        %get3A_207 = arith.index_cast %add3A_184 : i32 to index
        %get3A_208 = arith.constant 64 : index
        %get3A_209 = tpu.vector_load %arg6[%get3A_206, %get3A_207, %get3A_208] {strides = array<i32>} : memref<2x64x128xi32, #tpu.memory_space<vmem>>, vector<16xi32>,
        %get3A_210 = arith.constant 0 : i32
        %get3A_211 = arith.index_cast %get3A_210 : i32 to index
        %get3A_212 = arith.index_cast %add3A_184 : i32 to index
        %get3A_213 = arith.constant 80 : index
        %get3A_214 = tpu.vector_load %arg6[%get3A_211, %get3A_212, %get3A_213] {strides = array<i32>} : memref<2x64x128xi32, #tpu.memory_space<vmem>>, vector<16xi32>,
        %get3A_215 = arith.constant 0 : i32
        %get3A_216 = arith.index_cast %get3A_215 : i32 to index
        %get3A_217 = arith.index_cast %add3A_184 : i32 to index
        %get3A_218 = arith.constant 96 : index
        %get3A_219 = tpu.vector_load %arg6[%get3A_216, %get3A_217, %get3A_218] {strides = array<i32>} : memref<2x64x128xi32, #tpu.memory_space<vmem>>, vector<16xi32>,
        %get3A_220 = arith.constant 0 : i32
        %get3A_221 = arith.index_cast %get3A_220 : i32 to index
        %get3A_222 = arith.index_cast %add3A_184 : i32 to index
        %get3A_223 = arith.constant 112 : index
        %get3A_224 = tpu.vector_load %arg6[%get3A_221, %get3A_222, %get3A_223] {strides = array<i32>} : memref<2x64x128xi32, #tpu.memory_space<vmem>>, vector<16xi32>,
        %add3A_225 = arith.addi %add3A_47, %broadcast_in_dim3A_185 : vector<16xi32>
        %add3A_226 = arith.addi %add3A_53, %broadcast_in_dim3A_185 : vector<16xi32>
        %add3A_227 = arith.addi %add3A_59, %broadcast_in_dim3A_185 : vector<16xi32>
        %add3A_228 = arith.addi %add3A_65, %broadcast_in_dim3A_185 : vector<16xi32>
        %add3A_229 = arith.addi %add3A_71, %broadcast_in_dim3A_185 : vector<16xi32>
        %add3A_230 = arith.addi %add3A_77, %broadcast_in_dim3A_185 : vector<16xi32>
        %add3A_231 = arith.addi %add3A_83, %broadcast_in_dim3A_185 : vector<16xi32>
        %add3A_232 = arith.addi %add3A_89, %broadcast_in_dim3A_185 : vector<16xi32>
        tpu.vector_store_idx %arg7[%add3A_225], %get3A_189 : memref<8320xi32, #tpu.memory_space<vmem>>[vector<16xi32>], vector<16xi32>,
        tpu.vector_store_idx %arg7[%add3A_226], %get3A_194 : memref<8320xi32, #tpu.memory_space<vmem>>[vector<16xi32>], vector<16xi32>,
        tpu.vector_store_idx %arg7[%add3A_227], %get3A_199 : memref<8320xi32, #tpu.memory_space<vmem>>[vector<16xi32>], vector<16xi32>,
        tpu.vector_store_idx %arg7[%add3A_228], %get3A_204 : memref<8320xi32, #tpu.memory_space<vmem>>[vector<16xi32>], vector<16xi32>,
        tpu.vector_store_idx %arg7[%add3A_229], %get3A_209 : memref<8320xi32, #tpu.memory_space<vmem>>[vector<16xi32>], vector<16xi32>,
        tpu.vector_store_idx %arg7[%add3A_230], %get3A_214 : memref<8320xi32, #tpu.memory_space<vmem>>[vector<16xi32>], vector<16xi32>,
        tpu.vector_store_idx %arg7[%add3A_231], %get3A_219 : memref<8320xi32, #tpu.memory_space<vmem>>[vector<16xi32>], vector<16xi32>,
        tpu.vector_store_idx %arg7[%add3A_232], %get3A_224 : memref<8320xi32, #tpu.memory_space<vmem>>[vector<16xi32>], vector<16xi32>,
        %mul3A_233 = arith.constant 2 : i32
        %mul3A_234 = arith.muli %scan3A_180, %mul3A_233 : i32
        %add3A_235 = arith.constant 1 : i32
        %add3A_236 = arith.addi %mul3A_234, %add3A_235 : i32
        %broadcast_in_dim3A_237 = vector.broadcast %add3A_236 : i32 to vector<16xi32>
        %get3A_238 = arith.constant 0 : i32
        %get3A_239 = arith.index_cast %get3A_238 : i32 to index
        %get3A_240 = arith.index_cast %add3A_236 : i32 to index
        %get3A_241 = arith.constant 0 : index
        %get3A_242 = tpu.vector_load %arg6[%get3A_239, %get3A_240, %get3A_241] {strides = array<i32>} : memref<2x64x128xi32, #tpu.memory_space<vmem>>, vector<16xi32>,
        %get3A_243 = arith.constant 0 : i32
        %get3A_244 = arith.index_cast %get3A_243 : i32 to index
        %get3A_245 = arith.index_cast %add3A_236 : i32 to index
        %get3A_246 = arith.constant 16 : index
        %get3A_247 = tpu.vector_load %arg6[%get3A_244, %get3A_245, %get3A_246] {strides = array<i32>} : memref<2x64x128xi32, #tpu.memory_space<vmem>>, vector<16xi32>,
        %get3A_248 = arith.constant 0 : i32
        %get3A_249 = arith.index_cast %get3A_248 : i32 to index
        %get3A_250 = arith.index_cast %add3A_236 : i32 to index
        %get3A_251 = arith.constant 32 : index
        %get3A_252 = tpu.vector_load %arg6[%get3A_249, %get3A_250, %get3A_251] {strides = array<i32>} : memref<2x64x128xi32, #tpu.memory_space<vmem>>, vector<16xi32>,
        %get3A_253 = arith.constant 0 : i32
        %get3A_254 = arith.index_cast %get3A_253 : i32 to index
        %get3A_255 = arith.index_cast %add3A_236 : i32 to index
        %get3A_256 = arith.constant 48 : index
        %get3A_257 = tpu.vector_load %arg6[%get3A_254, %get3A_255, %get3A_256] {strides = array<i32>} : memref<2x64x128xi32, #tpu.memory_space<vmem>>, vector<16xi32>,
        %get3A_258 = arith.constant 0 : i32
        %get3A_259 = arith.index_cast %get3A_258 : i32 to index
        %get3A_260 = arith.index_cast %add3A_236 : i32 to index
        %get3A_261 = arith.constant 64 : index
        %get3A_262 = tpu.vector_load %arg6[%get3A_259, %get3A_260, %get3A_261] {strides = array<i32>} : memref<2x64x128xi32, #tpu.memory_space<vmem>>, vector<16xi32>,
        %get3A_263 = arith.constant 0 : i32
        %get3A_264 = arith.index_cast %get3A_263 : i32 to index
        %get3A_265 = arith.index_cast %add3A_236 : i32 to index
        %get3A_266 = arith.constant 80 : index
        %get3A_267 = tpu.vector_load %arg6[%get3A_264, %get3A_265, %get3A_266] {strides = array<i32>} : memref<2x64x128xi32, #tpu.memory_space<vmem>>, vector<16xi32>,
        %get3A_268 = arith.constant 0 : i32
        %get3A_269 = arith.index_cast %get3A_268 : i32 to index
        %get3A_270 = arith.index_cast %add3A_236 : i32 to index
        %get3A_271 = arith.constant 96 : index
        %get3A_272 = tpu.vector_load %arg6[%get3A_269, %get3A_270, %get3A_271] {strides = array<i32>} : memref<2x64x128xi32, #tpu.memory_space<vmem>>, vector<16xi32>,
        %get3A_273 = arith.constant 0 : i32
        %get3A_274 = arith.index_cast %get3A_273 : i32 to index
        %get3A_275 = arith.index_cast %add3A_236 : i32 to index
        %get3A_276 = arith.constant 112 : index
        %get3A_277 = tpu.vector_load %arg6[%get3A_274, %get3A_275, %get3A_276] {strides = array<i32>} : memref<2x64x128xi32, #tpu.memory_space<vmem>>, vector<16xi32>,
        %add3A_278 = arith.addi %add3A_47, %broadcast_in_dim3A_237 : vector<16xi32>
        %add3A_279 = arith.addi %add3A_53, %broadcast_in_dim3A_237 : vector<16xi32>
        %add3A_280 = arith.addi %add3A_59, %broadcast_in_dim3A_237 : vector<16xi32>
        %add3A_281 = arith.addi %add3A_65, %broadcast_in_dim3A_237 : vector<16xi32>
        %add3A_282 = arith.addi %add3A_71, %broadcast_in_dim3A_237 : vector<16xi32>
        %add3A_283 = arith.addi %add3A_77, %broadcast_in_dim3A_237 : vector<16xi32>
        %add3A_284 = arith.addi %add3A_83, %broadcast_in_dim3A_237 : vector<16xi32>
        %add3A_285 = arith.addi %add3A_89, %broadcast_in_dim3A_237 : vector<16xi32>
        tpu.vector_store_idx %arg7[%add3A_278], %get3A_242 : memref<8320xi32, #tpu.memory_space<vmem>>[vector<16xi32>], vector<16xi32>,
        tpu.vector_store_idx %arg7[%add3A_279], %get3A_247 : memref<8320xi32, #tpu.memory_space<vmem>>[vector<16xi32>], vector<16xi32>,
        tpu.vector_store_idx %arg7[%add3A_280], %get3A_252 : memref<8320xi32, #tpu.memory_space<vmem>>[vector<16xi32>], vector<16xi32>,
        tpu.vector_store_idx %arg7[%add3A_281], %get3A_257 : memref<8320xi32, #tpu.memory_space<vmem>>[vector<16xi32>], vector<16xi32>,
        tpu.vector_store_idx %arg7[%add3A_282], %get3A_262 : memref<8320xi32, #tpu.memory_space<vmem>>[vector<16xi32>], vector<16xi32>,
        tpu.vector_store_idx %arg7[%add3A_283], %get3A_267 : memref<8320xi32, #tpu.memory_space<vmem>>[vector<16xi32>], vector<16xi32>,
        tpu.vector_store_idx %arg7[%add3A_284], %get3A_272 : memref<8320xi32, #tpu.memory_space<vmem>>[vector<16xi32>], vector<16xi32>,
        tpu.vector_store_idx %arg7[%add3A_285], %get3A_277 : memref<8320xi32, #tpu.memory_space<vmem>>[vector<16xi32>], vector<16xi32>,
      }
      %scan3A_133 = arith.constant 32 : i32
      %scan3A_134 = arith.constant 0 : i32
      %scan3A_135 = arith.constant 0 : i32
      %scan3A_136 = arith.constant 16 : i32
      %scan3A_137 = arith.addi %scan3A_135, %scan3A_136 : i32
      %scan3A_138 = arith.constant 1 : i32
      scf.for %scan3A_180 = %scan3A_135 to %scan3A_137 step %scan3A_138  : i32 {
        %mul3A_181 = arith.constant 8 : i32
        %mul3A_182 = arith.muli %scan3A_180, %mul3A_181 : i32
        %add3A_183 = arith.constant 0 : i32
        %add3A_184 = arith.addi %mul3A_182, %add3A_183 : i32
        %mul3A_185 = arith.constant 128 : i32
        %mul3A_186 = arith.muli %add3A_115, %mul3A_185 : i32
        %add3A_187 = arith.addi %mul3A_186, %add3A_184 : i32
        %broadcast_in_dim3A_188 = vector.broadcast %add3A_187 : i32 to vector<16xi32>
        %gather3A = tpu.vector_load_idx %arg8[%broadcast_in_dim3A_188] : memref<8192xf32, #tpu.memory_space<vmem>>[vector<16xi32>], vector<16xf32>,
        %gather3A_189 = tpu.vector_load_idx %arg9[%broadcast_in_dim3A_188] : memref<8192xf32, #tpu.memory_space<vmem>>[vector<16xi32>], vector<16xf32>,
        %mul3A_190 = arith.constant 65 : i32
        %mul3A_191 = arith.muli %add3A_184, %mul3A_190 : i32
        %add3A_192 = arith.constant 0 : i32
        %add3A_193 = arith.addi %mul3A_191, %add3A_192 : i32
        %get3A = arith.index_cast %add3A_193 : i32 to index
        %get3A_194 = tpu.vector_load %arg7[%get3A] {strides = array<i32>} : memref<8320xi32, #tpu.memory_space<vmem>>, vector<16xi32>,
        %add3A_195 = arith.addi %get3A_194, %mul3A_40 : vector<16xi32>
        %mul3A_196 = arith.constant 65 : i32
        %mul3A_197 = arith.muli %add3A_184, %mul3A_196 : i32
        %add3A_198 = arith.constant 16 : i32
        %add3A_199 = arith.addi %mul3A_197, %add3A_198 : i32
        %get3A_200 = arith.index_cast %add3A_199 : i32 to index
        %get3A_201 = tpu.vector_load %arg7[%get3A_200] {strides = array<i32>} : memref<8320xi32, #tpu.memory_space<vmem>>, vector<16xi32>,
        %add3A_202 = arith.addi %get3A_201, %mul3A_40 : vector<16xi32>
        %mul3A_203 = arith.constant 65 : i32
        %mul3A_204 = arith.muli %add3A_184, %mul3A_203 : i32
        %add3A_205 = arith.constant 32 : i32
        %add3A_206 = arith.addi %mul3A_204, %add3A_205 : i32
        %get3A_207 = arith.index_cast %add3A_206 : i32 to index
        %get3A_208 = tpu.vector_load %arg7[%get3A_207] {strides = array<i32>} : memref<8320xi32, #tpu.memory_space<vmem>>, vector<16xi32>,
        %add3A_209 = arith.addi %get3A_208, %mul3A_40 : vector<16xi32>
        %mul3A_210 = arith.constant 65 : i32
        %mul3A_211 = arith.muli %add3A_184, %mul3A_210 : i32
        %add3A_212 = arith.constant 48 : i32
        %add3A_213 = arith.addi %mul3A_211, %add3A_212 : i32
        %get3A_214 = arith.index_cast %add3A_213 : i32 to index
        %get3A_215 = tpu.vector_load %arg7[%get3A_214] {strides = array<i32>} : memref<8320xi32, #tpu.memory_space<vmem>>, vector<16xi32>,
        %add3A_216 = arith.addi %get3A_215, %mul3A_40 : vector<16xi32>
        %mul3A_217 = arith.constant 8 : i32
        %mul3A_218 = arith.muli %scan3A_180, %mul3A_217 : i32
        %add3A_219 = arith.constant 1 : i32
        %add3A_220 = arith.addi %mul3A_218, %add3A_219 : i32
        %mul3A_221 = arith.constant 128 : i32
        %mul3A_222 = arith.muli %add3A_115, %mul3A_221 : i32
        %add3A_223 = arith.addi %mul3A_222, %add3A_220 : i32
        %broadcast_in_dim3A_224 = vector.broadcast %add3A_223 : i32 to vector<16xi32>
        %gather3A_225 = tpu.vector_load_idx %arg8[%broadcast_in_dim3A_224] : memref<8192xf32, #tpu.memory_space<vmem>>[vector<16xi32>], vector<16xf32>,
        %gather3A_226 = tpu.vector_load_idx %arg9[%broadcast_in_dim3A_224] : memref<8192xf32, #tpu.memory_space<vmem>>[vector<16xi32>], vector<16xf32>,
        %mul3A_227 = arith.constant 65 : i32
        %mul3A_228 = arith.muli %add3A_220, %mul3A_227 : i32
        %add3A_229 = arith.constant 0 : i32
        %add3A_230 = arith.addi %mul3A_228, %add3A_229 : i32
        %get3A_231 = arith.index_cast %add3A_230 : i32 to index
        %get3A_232 = tpu.vector_load %arg7[%get3A_231] {strides = array<i32>} : memref<8320xi32, #tpu.memory_space<vmem>>, vector<16xi32>,
        %add3A_233 = arith.addi %get3A_232, %mul3A_40 : vector<16xi32>
        %mul3A_234 = arith.constant 65 : i32
        %mul3A_235 = arith.muli %add3A_220, %mul3A_234 : i32
        %add3A_236 = arith.constant 16 : i32
        %add3A_237 = arith.addi %mul3A_235, %add3A_236 : i32
        %get3A_238 = arith.index_cast %add3A_237 : i32 to index
        %get3A_239 = tpu.vector_load %arg7[%get3A_238] {strides = array<i32>} : memref<8320xi32, #tpu.memory_space<vmem>>, vector<16xi32>,
        %add3A_240 = arith.addi %get3A_239, %mul3A_40 : vector<16xi32>
        %mul3A_241 = arith.constant 65 : i32
        %mul3A_242 = arith.muli %add3A_220, %mul3A_241 : i32
        %add3A_243 = arith.constant 32 : i32
        %add3A_244 = arith.addi %mul3A_242, %add3A_243 : i32
        %get3A_245 = arith.index_cast %add3A_244 : i32 to index
        %get3A_246 = tpu.vector_load %arg7[%get3A_245] {strides = array<i32>} : memref<8320xi32, #tpu.memory_space<vmem>>, vector<16xi32>,
        %add3A_247 = arith.addi %get3A_246, %mul3A_40 : vector<16xi32>
        %mul3A_248 = arith.constant 65 : i32
        %mul3A_249 = arith.muli %add3A_220, %mul3A_248 : i32
        %add3A_250 = arith.constant 48 : i32
        %add3A_251 = arith.addi %mul3A_249, %add3A_250 : i32
        %get3A_252 = arith.index_cast %add3A_251 : i32 to index
        %get3A_253 = tpu.vector_load %arg7[%get3A_252] {strides = array<i32>} : memref<8320xi32, #tpu.memory_space<vmem>>, vector<16xi32>,
        %add3A_254 = arith.addi %get3A_253, %mul3A_40 : vector<16xi32>
        %mul3A_255 = arith.constant 8 : i32
        %mul3A_256 = arith.muli %scan3A_180, %mul3A_255 : i32
        %add3A_257 = arith.constant 2 : i32
        %add3A_258 = arith.addi %mul3A_256, %add3A_257 : i32
        %mul3A_259 = arith.constant 128 : i32
        %mul3A_260 = arith.muli %add3A_115, %mul3A_259 : i32
        %add3A_261 = arith.addi %mul3A_260, %add3A_258 : i32
        %broadcast_in_dim3A_262 = vector.broadcast %add3A_261 : i32 to vector<16xi32>
        %gather3A_263 = tpu.vector_load_idx %arg8[%broadcast_in_dim3A_262] : memref<8192xf32, #tpu.memory_space<vmem>>[vector<16xi32>], vector<16xf32>,
        %gather3A_264 = tpu.vector_load_idx %arg9[%broadcast_in_dim3A_262] : memref<8192xf32, #tpu.memory_space<vmem>>[vector<16xi32>], vector<16xf32>,
        %mul3A_265 = arith.constant 65 : i32
        %mul3A_266 = arith.muli %add3A_258, %mul3A_265 : i32
        %add3A_267 = arith.constant 0 : i32
        %add3A_268 = arith.addi %mul3A_266, %add3A_267 : i32
        %get3A_269 = arith.index_cast %add3A_268 : i32 to index
        %get3A_270 = tpu.vector_load %arg7[%get3A_269] {strides = array<i32>} : memref<8320xi32, #tpu.memory_space<vmem>>, vector<16xi32>,
        %add3A_271 = arith.addi %get3A_270, %mul3A_40 : vector<16xi32>
        %mul3A_272 = arith.constant 65 : i32
        %mul3A_273 = arith.muli %add3A_258, %mul3A_272 : i32
        %add3A_274 = arith.constant 16 : i32
        %add3A_275 = arith.addi %mul3A_273, %add3A_274 : i32
        %get3A_276 = arith.index_cast %add3A_275 : i32 to index
        %get3A_277 = tpu.vector_load %arg7[%get3A_276] {strides = array<i32>} : memref<8320xi32, #tpu.memory_space<vmem>>, vector<16xi32>,
        %add3A_278 = arith.addi %get3A_277, %mul3A_40 : vector<16xi32>
        %mul3A_279 = arith.constant 65 : i32
        %mul3A_280 = arith.muli %add3A_258, %mul3A_279 : i32
        %add3A_281 = arith.constant 32 : i32
        %add3A_282 = arith.addi %mul3A_280, %add3A_281 : i32
        %get3A_283 = arith.index_cast %add3A_282 : i32 to index
        %get3A_284 = tpu.vector_load %arg7[%get3A_283] {strides = array<i32>} : memref<8320xi32, #tpu.memory_space<vmem>>, vector<16xi32>,
        %add3A_285 = arith.addi %get3A_284, %mul3A_40 : vector<16xi32>
        %mul3A_286 = arith.constant 65 : i32
        %mul3A_287 = arith.muli %add3A_258, %mul3A_286 : i32
        %add3A_288 = arith.constant 48 : i32
        %add3A_289 = arith.addi %mul3A_287, %add3A_288 : i32
        %get3A_290 = arith.index_cast %add3A_289 : i32 to index
        %get3A_291 = tpu.vector_load %arg7[%get3A_290] {strides = array<i32>} : memref<8320xi32, #tpu.memory_space<vmem>>, vector<16xi32>,
        %add3A_292 = arith.addi %get3A_291, %mul3A_40 : vector<16xi32>
        %mul3A_293 = arith.constant 8 : i32
        %mul3A_294 = arith.muli %scan3A_180, %mul3A_293 : i32
        %add3A_295 = arith.constant 3 : i32
        %add3A_296 = arith.addi %mul3A_294, %add3A_295 : i32
        %mul3A_297 = arith.constant 128 : i32
        %mul3A_298 = arith.muli %add3A_115, %mul3A_297 : i32
        %add3A_299 = arith.addi %mul3A_298, %add3A_296 : i32
        %broadcast_in_dim3A_300 = vector.broadcast %add3A_299 : i32 to vector<16xi32>
        %gather3A_301 = tpu.vector_load_idx %arg8[%broadcast_in_dim3A_300] : memref<8192xf32, #tpu.memory_space<vmem>>[vector<16xi32>], vector<16xf32>,
        %gather3A_302 = tpu.vector_load_idx %arg9[%broadcast_in_dim3A_300] : memref<8192xf32, #tpu.memory_space<vmem>>[vector<16xi32>], vector<16xf32>,
        %mul3A_303 = arith.constant 65 : i32
        %mul3A_304 = arith.muli %add3A_296, %mul3A_303 : i32
        %add3A_305 = arith.constant 0 : i32
        %add3A_306 = arith.addi %mul3A_304, %add3A_305 : i32
        %get3A_307 = arith.index_cast %add3A_306 : i32 to index
        %get3A_308 = tpu.vector_load %arg7[%get3A_307] {strides = array<i32>} : memref<8320xi32, #tpu.memory_space<vmem>>, vector<16xi32>,
        %add3A_309 = arith.addi %get3A_308, %mul3A_40 : vector<16xi32>
        %mul3A_310 = arith.constant 65 : i32
        %mul3A_311 = arith.muli %add3A_296, %mul3A_310 : i32
        %add3A_312 = arith.constant 16 : i32
        %add3A_313 = arith.addi %mul3A_311, %add3A_312 : i32
        %get3A_314 = arith.index_cast %add3A_313 : i32 to index
        %get3A_315 = tpu.vector_load %arg7[%get3A_314] {strides = array<i32>} : memref<8320xi32, #tpu.memory_space<vmem>>, vector<16xi32>,
        %add3A_316 = arith.addi %get3A_315, %mul3A_40 : vector<16xi32>
        %mul3A_317 = arith.constant 65 : i32
        %mul3A_318 = arith.muli %add3A_296, %mul3A_317 : i32
        %add3A_319 = arith.constant 32 : i32
        %add3A_320 = arith.addi %mul3A_318, %add3A_319 : i32
        %get3A_321 = arith.index_cast %add3A_320 : i32 to index
        %get3A_322 = tpu.vector_load %arg7[%get3A_321] {strides = array<i32>} : memref<8320xi32, #tpu.memory_space<vmem>>, vector<16xi32>,
        %add3A_323 = arith.addi %get3A_322, %mul3A_40 : vector<16xi32>
        %mul3A_324 = arith.constant 65 : i32
        %mul3A_325 = arith.muli %add3A_296, %mul3A_324 : i32
        %add3A_326 = arith.constant 48 : i32
        %add3A_327 = arith.addi %mul3A_325, %add3A_326 : i32
        %get3A_328 = arith.index_cast %add3A_327 : i32 to index
        %get3A_329 = tpu.vector_load %arg7[%get3A_328] {strides = array<i32>} : memref<8320xi32, #tpu.memory_space<vmem>>, vector<16xi32>,
        %add3A_330 = arith.addi %get3A_329, %mul3A_40 : vector<16xi32>
        %mul3A_331 = arith.constant 8 : i32
        %mul3A_332 = arith.muli %scan3A_180, %mul3A_331 : i32
        %add3A_333 = arith.constant 4 : i32
        %add3A_334 = arith.addi %mul3A_332, %add3A_333 : i32
        %mul3A_335 = arith.constant 128 : i32
        %mul3A_336 = arith.muli %add3A_115, %mul3A_335 : i32
        %add3A_337 = arith.addi %mul3A_336, %add3A_334 : i32
        %broadcast_in_dim3A_338 = vector.broadcast %add3A_337 : i32 to vector<16xi32>
        %gather3A_339 = tpu.vector_load_idx %arg8[%broadcast_in_dim3A_338] : memref<8192xf32, #tpu.memory_space<vmem>>[vector<16xi32>], vector<16xf32>,
        %gather3A_340 = tpu.vector_load_idx %arg9[%broadcast_in_dim3A_338] : memref<8192xf32, #tpu.memory_space<vmem>>[vector<16xi32>], vector<16xf32>,
        %mul3A_341 = arith.constant 65 : i32
        %mul3A_342 = arith.muli %add3A_334, %mul3A_341 : i32
        %add3A_343 = arith.constant 0 : i32
        %add3A_344 = arith.addi %mul3A_342, %add3A_343 : i32
        %get3A_345 = arith.index_cast %add3A_344 : i32 to index
        %get3A_346 = tpu.vector_load %arg7[%get3A_345] {strides = array<i32>} : memref<8320xi32, #tpu.memory_space<vmem>>, vector<16xi32>,
        %add3A_347 = arith.addi %get3A_346, %mul3A_40 : vector<16xi32>
        %mul3A_348 = arith.constant 65 : i32
        %mul3A_349 = arith.muli %add3A_334, %mul3A_348 : i32
        %add3A_350 = arith.constant 16 : i32
        %add3A_351 = arith.addi %mul3A_349, %add3A_350 : i32
        %get3A_352 = arith.index_cast %add3A_351 : i32 to index
        %get3A_353 = tpu.vector_load %arg7[%get3A_352] {strides = array<i32>} : memref<8320xi32, #tpu.memory_space<vmem>>, vector<16xi32>,
        %add3A_354 = arith.addi %get3A_353, %mul3A_40 : vector<16xi32>
        %mul3A_355 = arith.constant 65 : i32
        %mul3A_356 = arith.muli %add3A_334, %mul3A_355 : i32
        %add3A_357 = arith.constant 32 : i32
        %add3A_358 = arith.addi %mul3A_356, %add3A_357 : i32
        %get3A_359 = arith.index_cast %add3A_358 : i32 to index
        %get3A_360 = tpu.vector_load %arg7[%get3A_359] {strides = array<i32>} : memref<8320xi32, #tpu.memory_space<vmem>>, vector<16xi32>,
        %add3A_361 = arith.addi %get3A_360, %mul3A_40 : vector<16xi32>
        %mul3A_362 = arith.constant 65 : i32
        %mul3A_363 = arith.muli %add3A_334, %mul3A_362 : i32
        %add3A_364 = arith.constant 48 : i32
        %add3A_365 = arith.addi %mul3A_363, %add3A_364 : i32
        %get3A_366 = arith.index_cast %add3A_365 : i32 to index
        %get3A_367 = tpu.vector_load %arg7[%get3A_366] {strides = array<i32>} : memref<8320xi32, #tpu.memory_space<vmem>>, vector<16xi32>,
        %add3A_368 = arith.addi %get3A_367, %mul3A_40 : vector<16xi32>
        %mul3A_369 = arith.constant 8 : i32
        %mul3A_370 = arith.muli %scan3A_180, %mul3A_369 : i32
        %add3A_371 = arith.constant 5 : i32
        %add3A_372 = arith.addi %mul3A_370, %add3A_371 : i32
        %mul3A_373 = arith.constant 128 : i32
        %mul3A_374 = arith.muli %add3A_115, %mul3A_373 : i32
        %add3A_375 = arith.addi %mul3A_374, %add3A_372 : i32
        %broadcast_in_dim3A_376 = vector.broadcast %add3A_375 : i32 to vector<16xi32>
        %gather3A_377 = tpu.vector_load_idx %arg8[%broadcast_in_dim3A_376] : memref<8192xf32, #tpu.memory_space<vmem>>[vector<16xi32>], vector<16xf32>,
        %gather3A_378 = tpu.vector_load_idx %arg9[%broadcast_in_dim3A_376] : memref<8192xf32, #tpu.memory_space<vmem>>[vector<16xi32>], vector<16xf32>,
        %mul3A_379 = arith.constant 65 : i32
        %mul3A_380 = arith.muli %add3A_372, %mul3A_379 : i32
        %add3A_381 = arith.constant 0 : i32
        %add3A_382 = arith.addi %mul3A_380, %add3A_381 : i32
        %get3A_383 = arith.index_cast %add3A_382 : i32 to index
        %get3A_384 = tpu.vector_load %arg7[%get3A_383] {strides = array<i32>} : memref<8320xi32, #tpu.memory_space<vmem>>, vector<16xi32>,
        %add3A_385 = arith.addi %get3A_384, %mul3A_40 : vector<16xi32>
        %mul3A_386 = arith.constant 65 : i32
        %mul3A_387 = arith.muli %add3A_372, %mul3A_386 : i32
        %add3A_388 = arith.constant 16 : i32
        %add3A_389 = arith.addi %mul3A_387, %add3A_388 : i32
        %get3A_390 = arith.index_cast %add3A_389 : i32 to index
        %get3A_391 = tpu.vector_load %arg7[%get3A_390] {strides = array<i32>} : memref<8320xi32, #tpu.memory_space<vmem>>, vector<16xi32>,
        %add3A_392 = arith.addi %get3A_391, %mul3A_40 : vector<16xi32>
        %mul3A_393 = arith.constant 65 : i32
        %mul3A_394 = arith.muli %add3A_372, %mul3A_393 : i32
        %add3A_395 = arith.constant 32 : i32
        %add3A_396 = arith.addi %mul3A_394, %add3A_395 : i32
        %get3A_397 = arith.index_cast %add3A_396 : i32 to index
        %get3A_398 = tpu.vector_load %arg7[%get3A_397] {strides = array<i32>} : memref<8320xi32, #tpu.memory_space<vmem>>, vector<16xi32>,
        %add3A_399 = arith.addi %get3A_398, %mul3A_40 : vector<16xi32>
        %mul3A_400 = arith.constant 65 : i32
        %mul3A_401 = arith.muli %add3A_372, %mul3A_400 : i32
        %add3A_402 = arith.constant 48 : i32
        %add3A_403 = arith.addi %mul3A_401, %add3A_402 : i32
        %get3A_404 = arith.index_cast %add3A_403 : i32 to index
        %get3A_405 = tpu.vector_load %arg7[%get3A_404] {strides = array<i32>} : memref<8320xi32, #tpu.memory_space<vmem>>, vector<16xi32>,
        %add3A_406 = arith.addi %get3A_405, %mul3A_40 : vector<16xi32>
        %mul3A_407 = arith.constant 8 : i32
        %mul3A_408 = arith.muli %scan3A_180, %mul3A_407 : i32
        %add3A_409 = arith.constant 6 : i32
        %add3A_410 = arith.addi %mul3A_408, %add3A_409 : i32
        %mul3A_411 = arith.constant 128 : i32
        %mul3A_412 = arith.muli %add3A_115, %mul3A_411 : i32
        %add3A_413 = arith.addi %mul3A_412, %add3A_410 : i32
        %broadcast_in_dim3A_414 = vector.broadcast %add3A_413 : i32 to vector<16xi32>
        %gather3A_415 = tpu.vector_load_idx %arg8[%broadcast_in_dim3A_414] : memref<8192xf32, #tpu.memory_space<vmem>>[vector<16xi32>], vector<16xf32>,
        %gather3A_416 = tpu.vector_load_idx %arg9[%broadcast_in_dim3A_414] : memref<8192xf32, #tpu.memory_space<vmem>>[vector<16xi32>], vector<16xf32>,
        %mul3A_417 = arith.constant 65 : i32
        %mul3A_418 = arith.muli %add3A_410, %mul3A_417 : i32
        %add3A_419 = arith.constant 0 : i32
        %add3A_420 = arith.addi %mul3A_418, %add3A_419 : i32
        %get3A_421 = arith.index_cast %add3A_420 : i32 to index
        %get3A_422 = tpu.vector_load %arg7[%get3A_421] {strides = array<i32>} : memref<8320xi32, #tpu.memory_space<vmem>>, vector<16xi32>,
        %add3A_423 = arith.addi %get3A_422, %mul3A_40 : vector<16xi32>
        %mul3A_424 = arith.constant 65 : i32
        %mul3A_425 = arith.muli %add3A_410, %mul3A_424 : i32
        %add3A_426 = arith.constant 16 : i32
        %add3A_427 = arith.addi %mul3A_425, %add3A_426 : i32
        %get3A_428 = arith.index_cast %add3A_427 : i32 to index
        %get3A_429 = tpu.vector_load %arg7[%get3A_428] {strides = array<i32>} : memref<8320xi32, #tpu.memory_space<vmem>>, vector<16xi32>,
        %add3A_430 = arith.addi %get3A_429, %mul3A_40 : vector<16xi32>
        %mul3A_431 = arith.constant 65 : i32
        %mul3A_432 = arith.muli %add3A_410, %mul3A_431 : i32
        %add3A_433 = arith.constant 32 : i32
        %add3A_434 = arith.addi %mul3A_432, %add3A_433 : i32
        %get3A_435 = arith.index_cast %add3A_434 : i32 to index
        %get3A_436 = tpu.vector_load %arg7[%get3A_435] {strides = array<i32>} : memref<8320xi32, #tpu.memory_space<vmem>>, vector<16xi32>,
        %add3A_437 = arith.addi %get3A_436, %mul3A_40 : vector<16xi32>
        %mul3A_438 = arith.constant 65 : i32
        %mul3A_439 = arith.muli %add3A_410, %mul3A_438 : i32
        %add3A_440 = arith.constant 48 : i32
        %add3A_441 = arith.addi %mul3A_439, %add3A_440 : i32
        %get3A_442 = arith.index_cast %add3A_441 : i32 to index
        %get3A_443 = tpu.vector_load %arg7[%get3A_442] {strides = array<i32>} : memref<8320xi32, #tpu.memory_space<vmem>>, vector<16xi32>,
        %add3A_444 = arith.addi %get3A_443, %mul3A_40 : vector<16xi32>
        %mul3A_445 = arith.constant 8 : i32
        %mul3A_446 = arith.muli %scan3A_180, %mul3A_445 : i32
        %add3A_447 = arith.constant 7 : i32
        %add3A_448 = arith.addi %mul3A_446, %add3A_447 : i32
        %mul3A_449 = arith.constant 128 : i32
        %mul3A_450 = arith.muli %add3A_115, %mul3A_449 : i32
        %add3A_451 = arith.addi %mul3A_450, %add3A_448 : i32
        %broadcast_in_dim3A_452 = vector.broadcast %add3A_451 : i32 to vector<16xi32>
        %gather3A_453 = tpu.vector_load_idx %arg8[%broadcast_in_dim3A_452] : memref<8192xf32, #tpu.memory_space<vmem>>[vector<16xi32>], vector<16xf32>,
        %gather3A_454 = tpu.vector_load_idx %arg9[%broadcast_in_dim3A_452] : memref<8192xf32, #tpu.memory_space<vmem>>[vector<16xi32>], vector<16xf32>,
        %mul3A_455 = arith.constant 65 : i32
        %mul3A_456 = arith.muli %add3A_448, %mul3A_455 : i32
        %add3A_457 = arith.constant 0 : i32
        %add3A_458 = arith.addi %mul3A_456, %add3A_457 : i32
        %get3A_459 = arith.index_cast %add3A_458 : i32 to index
        %get3A_460 = tpu.vector_load %arg7[%get3A_459] {strides = array<i32>} : memref<8320xi32, #tpu.memory_space<vmem>>, vector<16xi32>,
        %add3A_461 = arith.addi %get3A_460, %mul3A_40 : vector<16xi32>
        %mul3A_462 = arith.constant 65 : i32
        %mul3A_463 = arith.muli %add3A_448, %mul3A_462 : i32
        %add3A_464 = arith.constant 16 : i32
        %add3A_465 = arith.addi %mul3A_463, %add3A_464 : i32
        %get3A_466 = arith.index_cast %add3A_465 : i32 to index
        %get3A_467 = tpu.vector_load %arg7[%get3A_466] {strides = array<i32>} : memref<8320xi32, #tpu.memory_space<vmem>>, vector<16xi32>,
        %add3A_468 = arith.addi %get3A_467, %mul3A_40 : vector<16xi32>
        %mul3A_469 = arith.constant 65 : i32
        %mul3A_470 = arith.muli %add3A_448, %mul3A_469 : i32
        %add3A_471 = arith.constant 32 : i32
        %add3A_472 = arith.addi %mul3A_470, %add3A_471 : i32
        %get3A_473 = arith.index_cast %add3A_472 : i32 to index
        %get3A_474 = tpu.vector_load %arg7[%get3A_473] {strides = array<i32>} : memref<8320xi32, #tpu.memory_space<vmem>>, vector<16xi32>,
        %add3A_475 = arith.addi %get3A_474, %mul3A_40 : vector<16xi32>
        %mul3A_476 = arith.constant 65 : i32
        %mul3A_477 = arith.muli %add3A_448, %mul3A_476 : i32
        %add3A_478 = arith.constant 48 : i32
        %add3A_479 = arith.addi %mul3A_477, %add3A_478 : i32
        %get3A_480 = arith.index_cast %add3A_479 : i32 to index
        %get3A_481 = tpu.vector_load %arg7[%get3A_480] {strides = array<i32>} : memref<8320xi32, #tpu.memory_space<vmem>>, vector<16xi32>,
        %add3A_482 = arith.addi %get3A_481, %mul3A_40 : vector<16xi32>
        tpu.vector_store_idx %arg10[%add3A_195], %gather3A {add = true} : memref<4096xf32, #tpu.memory_space<vmem>>[vector<16xi32>], vector<16xf32>,
        tpu.vector_store_idx %arg14[%add3A_195], %gather3A_189 {add = true} : memref<4096xf32, #tpu.memory_space<vmem>>[vector<16xi32>], vector<16xf32>,
        tpu.vector_store_idx %arg11[%add3A_202], %gather3A {add = true} : memref<4096xf32, #tpu.memory_space<vmem>>[vector<16xi32>], vector<16xf32>,
        tpu.vector_store_idx %arg15[%add3A_202], %gather3A_189 {add = true} : memref<4096xf32, #tpu.memory_space<vmem>>[vector<16xi32>], vector<16xf32>,
        tpu.vector_store_idx %arg12[%add3A_209], %gather3A {add = true} : memref<4096xf32, #tpu.memory_space<vmem>>[vector<16xi32>], vector<16xf32>,
        tpu.vector_store_idx %arg16[%add3A_209], %gather3A_189 {add = true} : memref<4096xf32, #tpu.memory_space<vmem>>[vector<16xi32>], vector<16xf32>,
        tpu.vector_store_idx %arg13[%add3A_216], %gather3A {add = true} : memref<4096xf32, #tpu.memory_space<vmem>>[vector<16xi32>], vector<16xf32>,
        tpu.vector_store_idx %arg17[%add3A_216], %gather3A_189 {add = true} : memref<4096xf32, #tpu.memory_space<vmem>>[vector<16xi32>], vector<16xf32>,
        tpu.vector_store_idx %arg18[%add3A_233], %gather3A_225 {add = true} : memref<4096xf32, #tpu.memory_space<vmem>>[vector<16xi32>], vector<16xf32>,
        tpu.vector_store_idx %arg22[%add3A_233], %gather3A_226 {add = true} : memref<4096xf32, #tpu.memory_space<vmem>>[vector<16xi32>], vector<16xf32>,
        tpu.vector_store_idx %arg19[%add3A_240], %gather3A_225 {add = true} : memref<4096xf32, #tpu.memory_space<vmem>>[vector<16xi32>], vector<16xf32>,
        tpu.vector_store_idx %arg23[%add3A_240], %gather3A_226 {add = true} : memref<4096xf32, #tpu.memory_space<vmem>>[vector<16xi32>], vector<16xf32>,
        tpu.vector_store_idx %arg20[%add3A_247], %gather3A_225 {add = true} : memref<4096xf32, #tpu.memory_space<vmem>>[vector<16xi32>], vector<16xf32>,
        tpu.vector_store_idx %arg24[%add3A_247], %gather3A_226 {add = true} : memref<4096xf32, #tpu.memory_space<vmem>>[vector<16xi32>], vector<16xf32>,
        tpu.vector_store_idx %arg21[%add3A_254], %gather3A_225 {add = true} : memref<4096xf32, #tpu.memory_space<vmem>>[vector<16xi32>], vector<16xf32>,
        tpu.vector_store_idx %arg25[%add3A_254], %gather3A_226 {add = true} : memref<4096xf32, #tpu.memory_space<vmem>>[vector<16xi32>], vector<16xf32>,
        tpu.vector_store_idx %arg10[%add3A_271], %gather3A_263 {add = true} : memref<4096xf32, #tpu.memory_space<vmem>>[vector<16xi32>], vector<16xf32>,
        tpu.vector_store_idx %arg14[%add3A_271], %gather3A_264 {add = true} : memref<4096xf32, #tpu.memory_space<vmem>>[vector<16xi32>], vector<16xf32>,
        tpu.vector_store_idx %arg11[%add3A_278], %gather3A_263 {add = true} : memref<4096xf32, #tpu.memory_space<vmem>>[vector<16xi32>], vector<16xf32>,
        tpu.vector_store_idx %arg15[%add3A_278], %gather3A_264 {add = true} : memref<4096xf32, #tpu.memory_space<vmem>>[vector<16xi32>], vector<16xf32>,
        tpu.vector_store_idx %arg12[%add3A_285], %gather3A_263 {add = true} : memref<4096xf32, #tpu.memory_space<vmem>>[vector<16xi32>], vector<16xf32>,
        tpu.vector_store_idx %arg16[%add3A_285], %gather3A_264 {add = true} : memref<4096xf32, #tpu.memory_space<vmem>>[vector<16xi32>], vector<16xf32>,
        tpu.vector_store_idx %arg13[%add3A_292], %gather3A_263 {add = true} : memref<4096xf32, #tpu.memory_space<vmem>>[vector<16xi32>], vector<16xf32>,
        tpu.vector_store_idx %arg17[%add3A_292], %gather3A_264 {add = true} : memref<4096xf32, #tpu.memory_space<vmem>>[vector<16xi32>], vector<16xf32>,
        tpu.vector_store_idx %arg18[%add3A_309], %gather3A_301 {add = true} : memref<4096xf32, #tpu.memory_space<vmem>>[vector<16xi32>], vector<16xf32>,
        tpu.vector_store_idx %arg22[%add3A_309], %gather3A_302 {add = true} : memref<4096xf32, #tpu.memory_space<vmem>>[vector<16xi32>], vector<16xf32>,
        tpu.vector_store_idx %arg19[%add3A_316], %gather3A_301 {add = true} : memref<4096xf32, #tpu.memory_space<vmem>>[vector<16xi32>], vector<16xf32>,
        tpu.vector_store_idx %arg23[%add3A_316], %gather3A_302 {add = true} : memref<4096xf32, #tpu.memory_space<vmem>>[vector<16xi32>], vector<16xf32>,
        tpu.vector_store_idx %arg20[%add3A_323], %gather3A_301 {add = true} : memref<4096xf32, #tpu.memory_space<vmem>>[vector<16xi32>], vector<16xf32>,
        tpu.vector_store_idx %arg24[%add3A_323], %gather3A_302 {add = true} : memref<4096xf32, #tpu.memory_space<vmem>>[vector<16xi32>], vector<16xf32>,
        tpu.vector_store_idx %arg21[%add3A_330], %gather3A_301 {add = true} : memref<4096xf32, #tpu.memory_space<vmem>>[vector<16xi32>], vector<16xf32>,
        tpu.vector_store_idx %arg25[%add3A_330], %gather3A_302 {add = true} : memref<4096xf32, #tpu.memory_space<vmem>>[vector<16xi32>], vector<16xf32>,
        tpu.vector_store_idx %arg10[%add3A_347], %gather3A_339 {add = true} : memref<4096xf32, #tpu.memory_space<vmem>>[vector<16xi32>], vector<16xf32>,
        tpu.vector_store_idx %arg14[%add3A_347], %gather3A_340 {add = true} : memref<4096xf32, #tpu.memory_space<vmem>>[vector<16xi32>], vector<16xf32>,
        tpu.vector_store_idx %arg11[%add3A_354], %gather3A_339 {add = true} : memref<4096xf32, #tpu.memory_space<vmem>>[vector<16xi32>], vector<16xf32>,
        tpu.vector_store_idx %arg15[%add3A_354], %gather3A_340 {add = true} : memref<4096xf32, #tpu.memory_space<vmem>>[vector<16xi32>], vector<16xf32>,
        tpu.vector_store_idx %arg12[%add3A_361], %gather3A_339 {add = true} : memref<4096xf32, #tpu.memory_space<vmem>>[vector<16xi32>], vector<16xf32>,
        tpu.vector_store_idx %arg16[%add3A_361], %gather3A_340 {add = true} : memref<4096xf32, #tpu.memory_space<vmem>>[vector<16xi32>], vector<16xf32>,
        tpu.vector_store_idx %arg13[%add3A_368], %gather3A_339 {add = true} : memref<4096xf32, #tpu.memory_space<vmem>>[vector<16xi32>], vector<16xf32>,
        tpu.vector_store_idx %arg17[%add3A_368], %gather3A_340 {add = true} : memref<4096xf32, #tpu.memory_space<vmem>>[vector<16xi32>], vector<16xf32>,
        tpu.vector_store_idx %arg18[%add3A_385], %gather3A_377 {add = true} : memref<4096xf32, #tpu.memory_space<vmem>>[vector<16xi32>], vector<16xf32>,
        tpu.vector_store_idx %arg22[%add3A_385], %gather3A_378 {add = true} : memref<4096xf32, #tpu.memory_space<vmem>>[vector<16xi32>], vector<16xf32>,
        tpu.vector_store_idx %arg19[%add3A_392], %gather3A_377 {add = true} : memref<4096xf32, #tpu.memory_space<vmem>>[vector<16xi32>], vector<16xf32>,
        tpu.vector_store_idx %arg23[%add3A_392], %gather3A_378 {add = true} : memref<4096xf32, #tpu.memory_space<vmem>>[vector<16xi32>], vector<16xf32>,
        tpu.vector_store_idx %arg20[%add3A_399], %gather3A_377 {add = true} : memref<4096xf32, #tpu.memory_space<vmem>>[vector<16xi32>], vector<16xf32>,
        tpu.vector_store_idx %arg24[%add3A_399], %gather3A_378 {add = true} : memref<4096xf32, #tpu.memory_space<vmem>>[vector<16xi32>], vector<16xf32>,
        tpu.vector_store_idx %arg21[%add3A_406], %gather3A_377 {add = true} : memref<4096xf32, #tpu.memory_space<vmem>>[vector<16xi32>], vector<16xf32>,
        tpu.vector_store_idx %arg25[%add3A_406], %gather3A_378 {add = true} : memref<4096xf32, #tpu.memory_space<vmem>>[vector<16xi32>], vector<16xf32>,
        tpu.vector_store_idx %arg10[%add3A_423], %gather3A_415 {add = true} : memref<4096xf32, #tpu.memory_space<vmem>>[vector<16xi32>], vector<16xf32>,
        tpu.vector_store_idx %arg14[%add3A_423], %gather3A_416 {add = true} : memref<4096xf32, #tpu.memory_space<vmem>>[vector<16xi32>], vector<16xf32>,
        tpu.vector_store_idx %arg11[%add3A_430], %gather3A_415 {add = true} : memref<4096xf32, #tpu.memory_space<vmem>>[vector<16xi32>], vector<16xf32>,
        tpu.vector_store_idx %arg15[%add3A_430], %gather3A_416 {add = true} : memref<4096xf32, #tpu.memory_space<vmem>>[vector<16xi32>], vector<16xf32>,
        tpu.vector_store_idx %arg12[%add3A_437], %gather3A_415 {add = true} : memref<4096xf32, #tpu.memory_space<vmem>>[vector<16xi32>], vector<16xf32>,
        tpu.vector_store_idx %arg16[%add3A_437], %gather3A_416 {add = true} : memref<4096xf32, #tpu.memory_space<vmem>>[vector<16xi32>], vector<16xf32>,
        tpu.vector_store_idx %arg13[%add3A_444], %gather3A_415 {add = true} : memref<4096xf32, #tpu.memory_space<vmem>>[vector<16xi32>], vector<16xf32>,
        tpu.vector_store_idx %arg17[%add3A_444], %gather3A_416 {add = true} : memref<4096xf32, #tpu.memory_space<vmem>>[vector<16xi32>], vector<16xf32>,
        tpu.vector_store_idx %arg18[%add3A_461], %gather3A_453 {add = true} : memref<4096xf32, #tpu.memory_space<vmem>>[vector<16xi32>], vector<16xf32>,
        tpu.vector_store_idx %arg22[%add3A_461], %gather3A_454 {add = true} : memref<4096xf32, #tpu.memory_space<vmem>>[vector<16xi32>], vector<16xf32>,
        tpu.vector_store_idx %arg19[%add3A_468], %gather3A_453 {add = true} : memref<4096xf32, #tpu.memory_space<vmem>>[vector<16xi32>], vector<16xf32>,
        tpu.vector_store_idx %arg23[%add3A_468], %gather3A_454 {add = true} : memref<4096xf32, #tpu.memory_space<vmem>>[vector<16xi32>], vector<16xf32>,
        tpu.vector_store_idx %arg20[%add3A_475], %gather3A_453 {add = true} : memref<4096xf32, #tpu.memory_space<vmem>>[vector<16xi32>], vector<16xf32>,
        tpu.vector_store_idx %arg24[%add3A_475], %gather3A_454 {add = true} : memref<4096xf32, #tpu.memory_space<vmem>>[vector<16xi32>], vector<16xf32>,
        tpu.vector_store_idx %arg21[%add3A_482], %gather3A_453 {add = true} : memref<4096xf32, #tpu.memory_space<vmem>>[vector<16xi32>], vector<16xf32>,
        tpu.vector_store_idx %arg25[%add3A_482], %gather3A_454 {add = true} : memref<4096xf32, #tpu.memory_space<vmem>>[vector<16xi32>], vector<16xf32>,
      }
      %scan3A_139 = arith.constant 16 : i32
      %add3A_140 = arith.constant 2 : i32
      %add3A_141 = arith.addi %add3A_115, %add3A_140 : i32
      %lt3A = arith.constant 64 : i32
      %lt3A_142 = arith.cmpi slt, %add3A_141, %lt3A : i32
      %convert_element_type3A = arith.extui %lt3A_142 : i1 to i32
      %cond3A = arith.constant 0 : i32
      %cond3A_143 = arith.cmpi ne, %convert_element_type3A, %cond3A : i32
      scf.if %cond3A_143 {
        %add3A_180 = arith.constant 2 : i32
        %add3A_181 = arith.addi %add3A_115, %add3A_180 : i32
        %mul3A_182 = arith.constant 128 : i32
        %mul3A_183 = arith.muli %add3A_181, %mul3A_182 : i32
        %add3A_184 = arith.addi %mul3A_2, %mul3A_183 : i32
        %dma_start3A_185 = arith.constant 0 : i32
        %dma_start3A_186 = arith.constant 0 : i32
        %dma_start3A_187 = arith.constant 0 : i32
        %dma_start3A_188 = tpu.memref_slice %arg6[%dma_start3A_185, %dma_start3A_186, %dma_start3A_187] : memref<2x64x128xi32, #tpu.memory_space<vmem>> -> memref<1x64x128xi32, #tpu.memory_space<vmem>>
        %dma_start3A_189 = tpu.memref_squeeze %dma_start3A_188 : memref<1x64x128xi32, #tpu.memory_space<vmem>> -> memref<64x128xi32, #tpu.memory_space<vmem>>
        %dma_start3A_190 = arith.constant 0 : i32
        %dma_start3A_191 = tpu.memref_slice %arg2[%dma_start3A_190, %add3A_184] : memref<64x262144xi32, #tpu.memory_space<hbm>> -> memref<64x128xi32, #tpu.memory_space<hbm>>
        %dma_start3A_192 = arith.constant 0 : i32
        %dma_start3A_193 = arith.constant 0 : i32
        %dma_start3A_194 = tpu.memref_slice %arg6[%dma_start3A_185, %dma_start3A_192, %dma_start3A_193] : memref<2x64x128xi32, #tpu.memory_space<vmem>> -> memref<1x64x128xi32, #tpu.memory_space<vmem>>
        %dma_start3A_195 = tpu.memref_squeeze %dma_start3A_194 : memref<1x64x128xi32, #tpu.memory_space<vmem>> -> memref<64x128xi32, #tpu.memory_space<vmem>>
        %dma_start3A_196 = arith.constant 0 : i32
        %dma_start3A_197 = tpu.memref_slice %arg2[%dma_start3A_196, %add3A_184] : memref<64x262144xi32, #tpu.memory_space<hbm>> -> memref<64x128xi32, #tpu.memory_space<hbm>>
        tpu.enqueue_dma source(%dma_start3A_197 : memref<64x128xi32, #tpu.memory_space<hbm>>) target(%dma_start3A_195 : memref<64x128xi32, #tpu.memory_space<vmem>>) target_semaphore(%arg26 : memref<!tpu.dma_semaphore, #tpu.memory_space<semaphore_mem>>)
      } else {
      }
      %mul3A_144 = arith.constant 2 : i32
      %mul3A_145 = arith.muli %scan3A_111, %mul3A_144 : i32
      %add3A_146 = arith.constant 1 : i32
      %add3A_147 = arith.addi %mul3A_145, %add3A_146 : i32
      %dma_wait3A_148 = arith.constant 1 : i32
      %dma_wait3A_149 = arith.constant 0 : i32
      %dma_wait3A_150 = arith.constant 0 : i32
      %dma_wait3A_151 = tpu.memref_slice %arg6[%dma_wait3A_148, %dma_wait3A_149, %dma_wait3A_150] : memref<2x64x128xi32, #tpu.memory_space<vmem>> -> memref<1x64x128xi32, #tpu.memory_space<vmem>>
      %dma_wait3A_152 = tpu.memref_squeeze %dma_wait3A_151 : memref<1x64x128xi32, #tpu.memory_space<vmem>> -> memref<64x128xi32, #tpu.memory_space<vmem>>
      %dma_wait3A_153 = arith.constant 0 : i32
      %dma_wait3A_154 = tpu.memref_slice %arg2[%dma_wait3A_153, %mul3A_2] : memref<64x262144xi32, #tpu.memory_space<hbm>> -> memref<64x128xi32, #tpu.memory_space<hbm>>
      %dma_wait3A_155 = arith.constant 0 : i32
      %dma_wait3A_156 = arith.constant 0 : i32
      %dma_wait3A_157 = tpu.memref_slice %arg6[%dma_wait3A_148, %dma_wait3A_155, %dma_wait3A_156] : memref<2x64x128xi32, #tpu.memory_space<vmem>> -> memref<1x64x128xi32, #tpu.memory_space<vmem>>
      %dma_wait3A_158 = tpu.memref_squeeze %dma_wait3A_157 : memref<1x64x128xi32, #tpu.memory_space<vmem>> -> memref<64x128xi32, #tpu.memory_space<vmem>>
      %dma_wait3A_159 = arith.constant 0 : i32
      %dma_wait3A_160 = tpu.memref_slice %arg2[%dma_wait3A_159, %mul3A_2] : memref<64x262144xi32, #tpu.memory_space<hbm>> -> memref<64x128xi32, #tpu.memory_space<hbm>>
      tpu.wait_dma2 semaphore(%arg27 : memref<!tpu.dma_semaphore, #tpu.memory_space<semaphore_mem>>) src(%dma_wait3A_160 : memref<64x128xi32, #tpu.memory_space<hbm>>) dst(%dma_wait3A_158 : memref<64x128xi32, #tpu.memory_space<vmem>>)
      %scan3A_161 = arith.constant 0 : i32
      %scan3A_162 = arith.constant 0 : i32
      %scan3A_163 = arith.constant 32 : i32
      %scan3A_164 = arith.addi %scan3A_162, %scan3A_163 : i32
      %scan3A_165 = arith.constant 1 : i32
      scf.for %scan3A_180 = %scan3A_162 to %scan3A_164 step %scan3A_165  : i32 {
        %mul3A_181 = arith.constant 2 : i32
        %mul3A_182 = arith.muli %scan3A_180, %mul3A_181 : i32
        %add3A_183 = arith.constant 0 : i32
        %add3A_184 = arith.addi %mul3A_182, %add3A_183 : i32
        %broadcast_in_dim3A_185 = vector.broadcast %add3A_184 : i32 to vector<16xi32>
        %get3A = arith.constant 1 : i32
        %get3A_186 = arith.index_cast %get3A : i32 to index
        %get3A_187 = arith.index_cast %add3A_184 : i32 to index
        %get3A_188 = arith.constant 0 : index
        %get3A_189 = tpu.vector_load %arg6[%get3A_186, %get3A_187, %get3A_188] {strides = array<i32>} : memref<2x64x128xi32, #tpu.memory_space<vmem>>, vector<16xi32>,
        %get3A_190 = arith.constant 1 : i32
        %get3A_191 = arith.index_cast %get3A_190 : i32 to index
        %get3A_192 = arith.index_cast %add3A_184 : i32 to index
        %get3A_193 = arith.constant 16 : index
        %get3A_194 = tpu.vector_load %arg6[%get3A_191, %get3A_192, %get3A_193] {strides = array<i32>} : memref<2x64x128xi32, #tpu.memory_space<vmem>>, vector<16xi32>,
        %get3A_195 = arith.constant 1 : i32
        %get3A_196 = arith.index_cast %get3A_195 : i32 to index
        %get3A_197 = arith.index_cast %add3A_184 : i32 to index
        %get3A_198 = arith.constant 32 : index
        %get3A_199 = tpu.vector_load %arg6[%get3A_196, %get3A_197, %get3A_198] {strides = array<i32>} : memref<2x64x128xi32, #tpu.memory_space<vmem>>, vector<16xi32>,
        %get3A_200 = arith.constant 1 : i32
        %get3A_201 = arith.index_cast %get3A_200 : i32 to index
        %get3A_202 = arith.index_cast %add3A_184 : i32 to index
        %get3A_203 = arith.constant 48 : index
        %get3A_204 = tpu.vector_load %arg6[%get3A_201, %get3A_202, %get3A_203] {strides = array<i32>} : memref<2x64x128xi32, #tpu.memory_space<vmem>>, vector<16xi32>,
        %get3A_205 = arith.constant 1 : i32
        %get3A_206 = arith.index_cast %get3A_205 : i32 to index
        %get3A_207 = arith.index_cast %add3A_184 : i32 to index
        %get3A_208 = arith.constant 64 : index
        %get3A_209 = tpu.vector_load %arg6[%get3A_206, %get3A_207, %get3A_208] {strides = array<i32>} : memref<2x64x128xi32, #tpu.memory_space<vmem>>, vector<16xi32>,
        %get3A_210 = arith.constant 1 : i32
        %get3A_211 = arith.index_cast %get3A_210 : i32 to index
        %get3A_212 = arith.index_cast %add3A_184 : i32 to index
        %get3A_213 = arith.constant 80 : index
        %get3A_214 = tpu.vector_load %arg6[%get3A_211, %get3A_212, %get3A_213] {strides = array<i32>} : memref<2x64x128xi32, #tpu.memory_space<vmem>>, vector<16xi32>,
        %get3A_215 = arith.constant 1 : i32
        %get3A_216 = arith.index_cast %get3A_215 : i32 to index
        %get3A_217 = arith.index_cast %add3A_184 : i32 to index
        %get3A_218 = arith.constant 96 : index
        %get3A_219 = tpu.vector_load %arg6[%get3A_216, %get3A_217, %get3A_218] {strides = array<i32>} : memref<2x64x128xi32, #tpu.memory_space<vmem>>, vector<16xi32>,
        %get3A_220 = arith.constant 1 : i32
        %get3A_221 = arith.index_cast %get3A_220 : i32 to index
        %get3A_222 = arith.index_cast %add3A_184 : i32 to index
        %get3A_223 = arith.constant 112 : index
        %get3A_224 = tpu.vector_load %arg6[%get3A_221, %get3A_222, %get3A_223] {strides = array<i32>} : memref<2x64x128xi32, #tpu.memory_space<vmem>>, vector<16xi32>,
        %add3A_225 = arith.addi %add3A_47, %broadcast_in_dim3A_185 : vector<16xi32>
        %add3A_226 = arith.addi %add3A_53, %broadcast_in_dim3A_185 : vector<16xi32>
        %add3A_227 = arith.addi %add3A_59, %broadcast_in_dim3A_185 : vector<16xi32>
        %add3A_228 = arith.addi %add3A_65, %broadcast_in_dim3A_185 : vector<16xi32>
        %add3A_229 = arith.addi %add3A_71, %broadcast_in_dim3A_185 : vector<16xi32>
        %add3A_230 = arith.addi %add3A_77, %broadcast_in_dim3A_185 : vector<16xi32>
        %add3A_231 = arith.addi %add3A_83, %broadcast_in_dim3A_185 : vector<16xi32>
        %add3A_232 = arith.addi %add3A_89, %broadcast_in_dim3A_185 : vector<16xi32>
        tpu.vector_store_idx %arg7[%add3A_225], %get3A_189 : memref<8320xi32, #tpu.memory_space<vmem>>[vector<16xi32>], vector<16xi32>,
        tpu.vector_store_idx %arg7[%add3A_226], %get3A_194 : memref<8320xi32, #tpu.memory_space<vmem>>[vector<16xi32>], vector<16xi32>,
        tpu.vector_store_idx %arg7[%add3A_227], %get3A_199 : memref<8320xi32, #tpu.memory_space<vmem>>[vector<16xi32>], vector<16xi32>,
        tpu.vector_store_idx %arg7[%add3A_228], %get3A_204 : memref<8320xi32, #tpu.memory_space<vmem>>[vector<16xi32>], vector<16xi32>,
        tpu.vector_store_idx %arg7[%add3A_229], %get3A_209 : memref<8320xi32, #tpu.memory_space<vmem>>[vector<16xi32>], vector<16xi32>,
        tpu.vector_store_idx %arg7[%add3A_230], %get3A_214 : memref<8320xi32, #tpu.memory_space<vmem>>[vector<16xi32>], vector<16xi32>,
        tpu.vector_store_idx %arg7[%add3A_231], %get3A_219 : memref<8320xi32, #tpu.memory_space<vmem>>[vector<16xi32>], vector<16xi32>,
        tpu.vector_store_idx %arg7[%add3A_232], %get3A_224 : memref<8320xi32, #tpu.memory_space<vmem>>[vector<16xi32>], vector<16xi32>,
        %mul3A_233 = arith.constant 2 : i32
        %mul3A_234 = arith.muli %scan3A_180, %mul3A_233 : i32
        %add3A_235 = arith.constant 1 : i32
        %add3A_236 = arith.addi %mul3A_234, %add3A_235 : i32
        %broadcast_in_dim3A_237 = vector.broadcast %add3A_236 : i32 to vector<16xi32>
        %get3A_238 = arith.constant 1 : i32
        %get3A_239 = arith.index_cast %get3A_238 : i32 to index
        %get3A_240 = arith.index_cast %add3A_236 : i32 to index
        %get3A_241 = arith.constant 0 : index
        %get3A_242 = tpu.vector_load %arg6[%get3A_239, %get3A_240, %get3A_241] {strides = array<i32>} : memref<2x64x128xi32, #tpu.memory_space<vmem>>, vector<16xi32>,
        %get3A_243 = arith.constant 1 : i32
        %get3A_244 = arith.index_cast %get3A_243 : i32 to index
        %get3A_245 = arith.index_cast %add3A_236 : i32 to index
        %get3A_246 = arith.constant 16 : index
        %get3A_247 = tpu.vector_load %arg6[%get3A_244, %get3A_245, %get3A_246] {strides = array<i32>} : memref<2x64x128xi32, #tpu.memory_space<vmem>>, vector<16xi32>,
        %get3A_248 = arith.constant 1 : i32
        %get3A_249 = arith.index_cast %get3A_248 : i32 to index
        %get3A_250 = arith.index_cast %add3A_236 : i32 to index
        %get3A_251 = arith.constant 32 : index
        %get3A_252 = tpu.vector_load %arg6[%get3A_249, %get3A_250, %get3A_251] {strides = array<i32>} : memref<2x64x128xi32, #tpu.memory_space<vmem>>, vector<16xi32>,
        %get3A_253 = arith.constant 1 : i32
        %get3A_254 = arith.index_cast %get3A_253 : i32 to index
        %get3A_255 = arith.index_cast %add3A_236 : i32 to index
        %get3A_256 = arith.constant 48 : index
        %get3A_257 = tpu.vector_load %arg6[%get3A_254, %get3A_255, %get3A_256] {strides = array<i32>} : memref<2x64x128xi32, #tpu.memory_space<vmem>>, vector<16xi32>,
        %get3A_258 = arith.constant 1 : i32
        %get3A_259 = arith.index_cast %get3A_258 : i32 to index
        %get3A_260 = arith.index_cast %add3A_236 : i32 to index
        %get3A_261 = arith.constant 64 : index
        %get3A_262 = tpu.vector_load %arg6[%get3A_259, %get3A_260, %get3A_261] {strides = array<i32>} : memref<2x64x128xi32, #tpu.memory_space<vmem>>, vector<16xi32>,
        %get3A_263 = arith.constant 1 : i32
        %get3A_264 = arith.index_cast %get3A_263 : i32 to index
        %get3A_265 = arith.index_cast %add3A_236 : i32 to index
        %get3A_266 = arith.constant 80 : index
        %get3A_267 = tpu.vector_load %arg6[%get3A_264, %get3A_265, %get3A_266] {strides = array<i32>} : memref<2x64x128xi32, #tpu.memory_space<vmem>>, vector<16xi32>,
        %get3A_268 = arith.constant 1 : i32
        %get3A_269 = arith.index_cast %get3A_268 : i32 to index
        %get3A_270 = arith.index_cast %add3A_236 : i32 to index
        %get3A_271 = arith.constant 96 : index
        %get3A_272 = tpu.vector_load %arg6[%get3A_269, %get3A_270, %get3A_271] {strides = array<i32>} : memref<2x64x128xi32, #tpu.memory_space<vmem>>, vector<16xi32>,
        %get3A_273 = arith.constant 1 : i32
        %get3A_274 = arith.index_cast %get3A_273 : i32 to index
        %get3A_275 = arith.index_cast %add3A_236 : i32 to index
        %get3A_276 = arith.constant 112 : index
        %get3A_277 = tpu.vector_load %arg6[%get3A_274, %get3A_275, %get3A_276] {strides = array<i32>} : memref<2x64x128xi32, #tpu.memory_space<vmem>>, vector<16xi32>,
        %add3A_278 = arith.addi %add3A_47, %broadcast_in_dim3A_237 : vector<16xi32>
        %add3A_279 = arith.addi %add3A_53, %broadcast_in_dim3A_237 : vector<16xi32>
        %add3A_280 = arith.addi %add3A_59, %broadcast_in_dim3A_237 : vector<16xi32>
        %add3A_281 = arith.addi %add3A_65, %broadcast_in_dim3A_237 : vector<16xi32>
        %add3A_282 = arith.addi %add3A_71, %broadcast_in_dim3A_237 : vector<16xi32>
        %add3A_283 = arith.addi %add3A_77, %broadcast_in_dim3A_237 : vector<16xi32>
        %add3A_284 = arith.addi %add3A_83, %broadcast_in_dim3A_237 : vector<16xi32>
        %add3A_285 = arith.addi %add3A_89, %broadcast_in_dim3A_237 : vector<16xi32>
        tpu.vector_store_idx %arg7[%add3A_278], %get3A_242 : memref<8320xi32, #tpu.memory_space<vmem>>[vector<16xi32>], vector<16xi32>,
        tpu.vector_store_idx %arg7[%add3A_279], %get3A_247 : memref<8320xi32, #tpu.memory_space<vmem>>[vector<16xi32>], vector<16xi32>,
        tpu.vector_store_idx %arg7[%add3A_280], %get3A_252 : memref<8320xi32, #tpu.memory_space<vmem>>[vector<16xi32>], vector<16xi32>,
        tpu.vector_store_idx %arg7[%add3A_281], %get3A_257 : memref<8320xi32, #tpu.memory_space<vmem>>[vector<16xi32>], vector<16xi32>,
        tpu.vector_store_idx %arg7[%add3A_282], %get3A_262 : memref<8320xi32, #tpu.memory_space<vmem>>[vector<16xi32>], vector<16xi32>,
        tpu.vector_store_idx %arg7[%add3A_283], %get3A_267 : memref<8320xi32, #tpu.memory_space<vmem>>[vector<16xi32>], vector<16xi32>,
        tpu.vector_store_idx %arg7[%add3A_284], %get3A_272 : memref<8320xi32, #tpu.memory_space<vmem>>[vector<16xi32>], vector<16xi32>,
        tpu.vector_store_idx %arg7[%add3A_285], %get3A_277 : memref<8320xi32, #tpu.memory_space<vmem>>[vector<16xi32>], vector<16xi32>,
      }
      %scan3A_166 = arith.constant 32 : i32
      %scan3A_167 = arith.constant 0 : i32
      %scan3A_168 = arith.constant 0 : i32
      %scan3A_169 = arith.constant 16 : i32
      %scan3A_170 = arith.addi %scan3A_168, %scan3A_169 : i32
      %scan3A_171 = arith.constant 1 : i32
      scf.for %scan3A_180 = %scan3A_168 to %scan3A_170 step %scan3A_171  : i32 {
        %mul3A_181 = arith.constant 8 : i32
        %mul3A_182 = arith.muli %scan3A_180, %mul3A_181 : i32
        %add3A_183 = arith.constant 0 : i32
        %add3A_184 = arith.addi %mul3A_182, %add3A_183 : i32
        %mul3A_185 = arith.constant 128 : i32
        %mul3A_186 = arith.muli %add3A_147, %mul3A_185 : i32
        %add3A_187 = arith.addi %mul3A_186, %add3A_184 : i32
        %broadcast_in_dim3A_188 = vector.broadcast %add3A_187 : i32 to vector<16xi32>
        %gather3A = tpu.vector_load_idx %arg8[%broadcast_in_dim3A_188] : memref<8192xf32, #tpu.memory_space<vmem>>[vector<16xi32>], vector<16xf32>,
        %gather3A_189 = tpu.vector_load_idx %arg9[%broadcast_in_dim3A_188] : memref<8192xf32, #tpu.memory_space<vmem>>[vector<16xi32>], vector<16xf32>,
        %mul3A_190 = arith.constant 65 : i32
        %mul3A_191 = arith.muli %add3A_184, %mul3A_190 : i32
        %add3A_192 = arith.constant 0 : i32
        %add3A_193 = arith.addi %mul3A_191, %add3A_192 : i32
        %get3A = arith.index_cast %add3A_193 : i32 to index
        %get3A_194 = tpu.vector_load %arg7[%get3A] {strides = array<i32>} : memref<8320xi32, #tpu.memory_space<vmem>>, vector<16xi32>,
        %add3A_195 = arith.addi %get3A_194, %mul3A_40 : vector<16xi32>
        %mul3A_196 = arith.constant 65 : i32
        %mul3A_197 = arith.muli %add3A_184, %mul3A_196 : i32
        %add3A_198 = arith.constant 16 : i32
        %add3A_199 = arith.addi %mul3A_197, %add3A_198 : i32
        %get3A_200 = arith.index_cast %add3A_199 : i32 to index
        %get3A_201 = tpu.vector_load %arg7[%get3A_200] {strides = array<i32>} : memref<8320xi32, #tpu.memory_space<vmem>>, vector<16xi32>,
        %add3A_202 = arith.addi %get3A_201, %mul3A_40 : vector<16xi32>
        %mul3A_203 = arith.constant 65 : i32
        %mul3A_204 = arith.muli %add3A_184, %mul3A_203 : i32
        %add3A_205 = arith.constant 32 : i32
        %add3A_206 = arith.addi %mul3A_204, %add3A_205 : i32
        %get3A_207 = arith.index_cast %add3A_206 : i32 to index
        %get3A_208 = tpu.vector_load %arg7[%get3A_207] {strides = array<i32>} : memref<8320xi32, #tpu.memory_space<vmem>>, vector<16xi32>,
        %add3A_209 = arith.addi %get3A_208, %mul3A_40 : vector<16xi32>
        %mul3A_210 = arith.constant 65 : i32
        %mul3A_211 = arith.muli %add3A_184, %mul3A_210 : i32
        %add3A_212 = arith.constant 48 : i32
        %add3A_213 = arith.addi %mul3A_211, %add3A_212 : i32
        %get3A_214 = arith.index_cast %add3A_213 : i32 to index
        %get3A_215 = tpu.vector_load %arg7[%get3A_214] {strides = array<i32>} : memref<8320xi32, #tpu.memory_space<vmem>>, vector<16xi32>,
        %add3A_216 = arith.addi %get3A_215, %mul3A_40 : vector<16xi32>
        %mul3A_217 = arith.constant 8 : i32
        %mul3A_218 = arith.muli %scan3A_180, %mul3A_217 : i32
        %add3A_219 = arith.constant 1 : i32
        %add3A_220 = arith.addi %mul3A_218, %add3A_219 : i32
        %mul3A_221 = arith.constant 128 : i32
        %mul3A_222 = arith.muli %add3A_147, %mul3A_221 : i32
        %add3A_223 = arith.addi %mul3A_222, %add3A_220 : i32
        %broadcast_in_dim3A_224 = vector.broadcast %add3A_223 : i32 to vector<16xi32>
        %gather3A_225 = tpu.vector_load_idx %arg8[%broadcast_in_dim3A_224] : memref<8192xf32, #tpu.memory_space<vmem>>[vector<16xi32>], vector<16xf32>,
        %gather3A_226 = tpu.vector_load_idx %arg9[%broadcast_in_dim3A_224] : memref<8192xf32, #tpu.memory_space<vmem>>[vector<16xi32>], vector<16xf32>,
        %mul3A_227 = arith.constant 65 : i32
        %mul3A_228 = arith.muli %add3A_220, %mul3A_227 : i32
        %add3A_229 = arith.constant 0 : i32
        %add3A_230 = arith.addi %mul3A_228, %add3A_229 : i32
        %get3A_231 = arith.index_cast %add3A_230 : i32 to index
        %get3A_232 = tpu.vector_load %arg7[%get3A_231] {strides = array<i32>} : memref<8320xi32, #tpu.memory_space<vmem>>, vector<16xi32>,
        %add3A_233 = arith.addi %get3A_232, %mul3A_40 : vector<16xi32>
        %mul3A_234 = arith.constant 65 : i32
        %mul3A_235 = arith.muli %add3A_220, %mul3A_234 : i32
        %add3A_236 = arith.constant 16 : i32
        %add3A_237 = arith.addi %mul3A_235, %add3A_236 : i32
        %get3A_238 = arith.index_cast %add3A_237 : i32 to index
        %get3A_239 = tpu.vector_load %arg7[%get3A_238] {strides = array<i32>} : memref<8320xi32, #tpu.memory_space<vmem>>, vector<16xi32>,
        %add3A_240 = arith.addi %get3A_239, %mul3A_40 : vector<16xi32>
        %mul3A_241 = arith.constant 65 : i32
        %mul3A_242 = arith.muli %add3A_220, %mul3A_241 : i32
        %add3A_243 = arith.constant 32 : i32
        %add3A_244 = arith.addi %mul3A_242, %add3A_243 : i32
        %get3A_245 = arith.index_cast %add3A_244 : i32 to index
        %get3A_246 = tpu.vector_load %arg7[%get3A_245] {strides = array<i32>} : memref<8320xi32, #tpu.memory_space<vmem>>, vector<16xi32>,
        %add3A_247 = arith.addi %get3A_246, %mul3A_40 : vector<16xi32>
        %mul3A_248 = arith.constant 65 : i32
        %mul3A_249 = arith.muli %add3A_220, %mul3A_248 : i32
        %add3A_250 = arith.constant 48 : i32
        %add3A_251 = arith.addi %mul3A_249, %add3A_250 : i32
        %get3A_252 = arith.index_cast %add3A_251 : i32 to index
        %get3A_253 = tpu.vector_load %arg7[%get3A_252] {strides = array<i32>} : memref<8320xi32, #tpu.memory_space<vmem>>, vector<16xi32>,
        %add3A_254 = arith.addi %get3A_253, %mul3A_40 : vector<16xi32>
        %mul3A_255 = arith.constant 8 : i32
        %mul3A_256 = arith.muli %scan3A_180, %mul3A_255 : i32
        %add3A_257 = arith.constant 2 : i32
        %add3A_258 = arith.addi %mul3A_256, %add3A_257 : i32
        %mul3A_259 = arith.constant 128 : i32
        %mul3A_260 = arith.muli %add3A_147, %mul3A_259 : i32
        %add3A_261 = arith.addi %mul3A_260, %add3A_258 : i32
        %broadcast_in_dim3A_262 = vector.broadcast %add3A_261 : i32 to vector<16xi32>
        %gather3A_263 = tpu.vector_load_idx %arg8[%broadcast_in_dim3A_262] : memref<8192xf32, #tpu.memory_space<vmem>>[vector<16xi32>], vector<16xf32>,
        %gather3A_264 = tpu.vector_load_idx %arg9[%broadcast_in_dim3A_262] : memref<8192xf32, #tpu.memory_space<vmem>>[vector<16xi32>], vector<16xf32>,
        %mul3A_265 = arith.constant 65 : i32
        %mul3A_266 = arith.muli %add3A_258, %mul3A_265 : i32
        %add3A_267 = arith.constant 0 : i32
        %add3A_268 = arith.addi %mul3A_266, %add3A_267 : i32
        %get3A_269 = arith.index_cast %add3A_268 : i32 to index
        %get3A_270 = tpu.vector_load %arg7[%get3A_269] {strides = array<i32>} : memref<8320xi32, #tpu.memory_space<vmem>>, vector<16xi32>,
        %add3A_271 = arith.addi %get3A_270, %mul3A_40 : vector<16xi32>
        %mul3A_272 = arith.constant 65 : i32
        %mul3A_273 = arith.muli %add3A_258, %mul3A_272 : i32
        %add3A_274 = arith.constant 16 : i32
        %add3A_275 = arith.addi %mul3A_273, %add3A_274 : i32
        %get3A_276 = arith.index_cast %add3A_275 : i32 to index
        %get3A_277 = tpu.vector_load %arg7[%get3A_276] {strides = array<i32>} : memref<8320xi32, #tpu.memory_space<vmem>>, vector<16xi32>,
        %add3A_278 = arith.addi %get3A_277, %mul3A_40 : vector<16xi32>
        %mul3A_279 = arith.constant 65 : i32
        %mul3A_280 = arith.muli %add3A_258, %mul3A_279 : i32
        %add3A_281 = arith.constant 32 : i32
        %add3A_282 = arith.addi %mul3A_280, %add3A_281 : i32
        %get3A_283 = arith.index_cast %add3A_282 : i32 to index
        %get3A_284 = tpu.vector_load %arg7[%get3A_283] {strides = array<i32>} : memref<8320xi32, #tpu.memory_space<vmem>>, vector<16xi32>,
        %add3A_285 = arith.addi %get3A_284, %mul3A_40 : vector<16xi32>
        %mul3A_286 = arith.constant 65 : i32
        %mul3A_287 = arith.muli %add3A_258, %mul3A_286 : i32
        %add3A_288 = arith.constant 48 : i32
        %add3A_289 = arith.addi %mul3A_287, %add3A_288 : i32
        %get3A_290 = arith.index_cast %add3A_289 : i32 to index
        %get3A_291 = tpu.vector_load %arg7[%get3A_290] {strides = array<i32>} : memref<8320xi32, #tpu.memory_space<vmem>>, vector<16xi32>,
        %add3A_292 = arith.addi %get3A_291, %mul3A_40 : vector<16xi32>
        %mul3A_293 = arith.constant 8 : i32
        %mul3A_294 = arith.muli %scan3A_180, %mul3A_293 : i32
        %add3A_295 = arith.constant 3 : i32
        %add3A_296 = arith.addi %mul3A_294, %add3A_295 : i32
        %mul3A_297 = arith.constant 128 : i32
        %mul3A_298 = arith.muli %add3A_147, %mul3A_297 : i32
        %add3A_299 = arith.addi %mul3A_298, %add3A_296 : i32
        %broadcast_in_dim3A_300 = vector.broadcast %add3A_299 : i32 to vector<16xi32>
        %gather3A_301 = tpu.vector_load_idx %arg8[%broadcast_in_dim3A_300] : memref<8192xf32, #tpu.memory_space<vmem>>[vector<16xi32>], vector<16xf32>,
        %gather3A_302 = tpu.vector_load_idx %arg9[%broadcast_in_dim3A_300] : memref<8192xf32, #tpu.memory_space<vmem>>[vector<16xi32>], vector<16xf32>,
        %mul3A_303 = arith.constant 65 : i32
        %mul3A_304 = arith.muli %add3A_296, %mul3A_303 : i32
        %add3A_305 = arith.constant 0 : i32
        %add3A_306 = arith.addi %mul3A_304, %add3A_305 : i32
        %get3A_307 = arith.index_cast %add3A_306 : i32 to index
        %get3A_308 = tpu.vector_load %arg7[%get3A_307] {strides = array<i32>} : memref<8320xi32, #tpu.memory_space<vmem>>, vector<16xi32>,
        %add3A_309 = arith.addi %get3A_308, %mul3A_40 : vector<16xi32>
        %mul3A_310 = arith.constant 65 : i32
        %mul3A_311 = arith.muli %add3A_296, %mul3A_310 : i32
        %add3A_312 = arith.constant 16 : i32
        %add3A_313 = arith.addi %mul3A_311, %add3A_312 : i32
        %get3A_314 = arith.index_cast %add3A_313 : i32 to index
        %get3A_315 = tpu.vector_load %arg7[%get3A_314] {strides = array<i32>} : memref<8320xi32, #tpu.memory_space<vmem>>, vector<16xi32>,
        %add3A_316 = arith.addi %get3A_315, %mul3A_40 : vector<16xi32>
        %mul3A_317 = arith.constant 65 : i32
        %mul3A_318 = arith.muli %add3A_296, %mul3A_317 : i32
        %add3A_319 = arith.constant 32 : i32
        %add3A_320 = arith.addi %mul3A_318, %add3A_319 : i32
        %get3A_321 = arith.index_cast %add3A_320 : i32 to index
        %get3A_322 = tpu.vector_load %arg7[%get3A_321] {strides = array<i32>} : memref<8320xi32, #tpu.memory_space<vmem>>, vector<16xi32>,
        %add3A_323 = arith.addi %get3A_322, %mul3A_40 : vector<16xi32>
        %mul3A_324 = arith.constant 65 : i32
        %mul3A_325 = arith.muli %add3A_296, %mul3A_324 : i32
        %add3A_326 = arith.constant 48 : i32
        %add3A_327 = arith.addi %mul3A_325, %add3A_326 : i32
        %get3A_328 = arith.index_cast %add3A_327 : i32 to index
        %get3A_329 = tpu.vector_load %arg7[%get3A_328] {strides = array<i32>} : memref<8320xi32, #tpu.memory_space<vmem>>, vector<16xi32>,
        %add3A_330 = arith.addi %get3A_329, %mul3A_40 : vector<16xi32>
        %mul3A_331 = arith.constant 8 : i32
        %mul3A_332 = arith.muli %scan3A_180, %mul3A_331 : i32
        %add3A_333 = arith.constant 4 : i32
        %add3A_334 = arith.addi %mul3A_332, %add3A_333 : i32
        %mul3A_335 = arith.constant 128 : i32
        %mul3A_336 = arith.muli %add3A_147, %mul3A_335 : i32
        %add3A_337 = arith.addi %mul3A_336, %add3A_334 : i32
        %broadcast_in_dim3A_338 = vector.broadcast %add3A_337 : i32 to vector<16xi32>
        %gather3A_339 = tpu.vector_load_idx %arg8[%broadcast_in_dim3A_338] : memref<8192xf32, #tpu.memory_space<vmem>>[vector<16xi32>], vector<16xf32>,
        %gather3A_340 = tpu.vector_load_idx %arg9[%broadcast_in_dim3A_338] : memref<8192xf32, #tpu.memory_space<vmem>>[vector<16xi32>], vector<16xf32>,
        %mul3A_341 = arith.constant 65 : i32
        %mul3A_342 = arith.muli %add3A_334, %mul3A_341 : i32
        %add3A_343 = arith.constant 0 : i32
        %add3A_344 = arith.addi %mul3A_342, %add3A_343 : i32
        %get3A_345 = arith.index_cast %add3A_344 : i32 to index
        %get3A_346 = tpu.vector_load %arg7[%get3A_345] {strides = array<i32>} : memref<8320xi32, #tpu.memory_space<vmem>>, vector<16xi32>,
        %add3A_347 = arith.addi %get3A_346, %mul3A_40 : vector<16xi32>
        %mul3A_348 = arith.constant 65 : i32
        %mul3A_349 = arith.muli %add3A_334, %mul3A_348 : i32
        %add3A_350 = arith.constant 16 : i32
        %add3A_351 = arith.addi %mul3A_349, %add3A_350 : i32
        %get3A_352 = arith.index_cast %add3A_351 : i32 to index
        %get3A_353 = tpu.vector_load %arg7[%get3A_352] {strides = array<i32>} : memref<8320xi32, #tpu.memory_space<vmem>>, vector<16xi32>,
        %add3A_354 = arith.addi %get3A_353, %mul3A_40 : vector<16xi32>
        %mul3A_355 = arith.constant 65 : i32
        %mul3A_356 = arith.muli %add3A_334, %mul3A_355 : i32
        %add3A_357 = arith.constant 32 : i32
        %add3A_358 = arith.addi %mul3A_356, %add3A_357 : i32
        %get3A_359 = arith.index_cast %add3A_358 : i32 to index
        %get3A_360 = tpu.vector_load %arg7[%get3A_359] {strides = array<i32>} : memref<8320xi32, #tpu.memory_space<vmem>>, vector<16xi32>,
        %add3A_361 = arith.addi %get3A_360, %mul3A_40 : vector<16xi32>
        %mul3A_362 = arith.constant 65 : i32
        %mul3A_363 = arith.muli %add3A_334, %mul3A_362 : i32
        %add3A_364 = arith.constant 48 : i32
        %add3A_365 = arith.addi %mul3A_363, %add3A_364 : i32
        %get3A_366 = arith.index_cast %add3A_365 : i32 to index
        %get3A_367 = tpu.vector_load %arg7[%get3A_366] {strides = array<i32>} : memref<8320xi32, #tpu.memory_space<vmem>>, vector<16xi32>,
        %add3A_368 = arith.addi %get3A_367, %mul3A_40 : vector<16xi32>
        %mul3A_369 = arith.constant 8 : i32
        %mul3A_370 = arith.muli %scan3A_180, %mul3A_369 : i32
        %add3A_371 = arith.constant 5 : i32
        %add3A_372 = arith.addi %mul3A_370, %add3A_371 : i32
        %mul3A_373 = arith.constant 128 : i32
        %mul3A_374 = arith.muli %add3A_147, %mul3A_373 : i32
        %add3A_375 = arith.addi %mul3A_374, %add3A_372 : i32
        %broadcast_in_dim3A_376 = vector.broadcast %add3A_375 : i32 to vector<16xi32>
        %gather3A_377 = tpu.vector_load_idx %arg8[%broadcast_in_dim3A_376] : memref<8192xf32, #tpu.memory_space<vmem>>[vector<16xi32>], vector<16xf32>,
        %gather3A_378 = tpu.vector_load_idx %arg9[%broadcast_in_dim3A_376] : memref<8192xf32, #tpu.memory_space<vmem>>[vector<16xi32>], vector<16xf32>,
        %mul3A_379 = arith.constant 65 : i32
        %mul3A_380 = arith.muli %add3A_372, %mul3A_379 : i32
        %add3A_381 = arith.constant 0 : i32
        %add3A_382 = arith.addi %mul3A_380, %add3A_381 : i32
        %get3A_383 = arith.index_cast %add3A_382 : i32 to index
        %get3A_384 = tpu.vector_load %arg7[%get3A_383] {strides = array<i32>} : memref<8320xi32, #tpu.memory_space<vmem>>, vector<16xi32>,
        %add3A_385 = arith.addi %get3A_384, %mul3A_40 : vector<16xi32>
        %mul3A_386 = arith.constant 65 : i32
        %mul3A_387 = arith.muli %add3A_372, %mul3A_386 : i32
        %add3A_388 = arith.constant 16 : i32
        %add3A_389 = arith.addi %mul3A_387, %add3A_388 : i32
        %get3A_390 = arith.index_cast %add3A_389 : i32 to index
        %get3A_391 = tpu.vector_load %arg7[%get3A_390] {strides = array<i32>} : memref<8320xi32, #tpu.memory_space<vmem>>, vector<16xi32>,
        %add3A_392 = arith.addi %get3A_391, %mul3A_40 : vector<16xi32>
        %mul3A_393 = arith.constant 65 : i32
        %mul3A_394 = arith.muli %add3A_372, %mul3A_393 : i32
        %add3A_395 = arith.constant 32 : i32
        %add3A_396 = arith.addi %mul3A_394, %add3A_395 : i32
        %get3A_397 = arith.index_cast %add3A_396 : i32 to index
        %get3A_398 = tpu.vector_load %arg7[%get3A_397] {strides = array<i32>} : memref<8320xi32, #tpu.memory_space<vmem>>, vector<16xi32>,
        %add3A_399 = arith.addi %get3A_398, %mul3A_40 : vector<16xi32>
        %mul3A_400 = arith.constant 65 : i32
        %mul3A_401 = arith.muli %add3A_372, %mul3A_400 : i32
        %add3A_402 = arith.constant 48 : i32
        %add3A_403 = arith.addi %mul3A_401, %add3A_402 : i32
        %get3A_404 = arith.index_cast %add3A_403 : i32 to index
        %get3A_405 = tpu.vector_load %arg7[%get3A_404] {strides = array<i32>} : memref<8320xi32, #tpu.memory_space<vmem>>, vector<16xi32>,
        %add3A_406 = arith.addi %get3A_405, %mul3A_40 : vector<16xi32>
        %mul3A_407 = arith.constant 8 : i32
        %mul3A_408 = arith.muli %scan3A_180, %mul3A_407 : i32
        %add3A_409 = arith.constant 6 : i32
        %add3A_410 = arith.addi %mul3A_408, %add3A_409 : i32
        %mul3A_411 = arith.constant 128 : i32
        %mul3A_412 = arith.muli %add3A_147, %mul3A_411 : i32
        %add3A_413 = arith.addi %mul3A_412, %add3A_410 : i32
        %broadcast_in_dim3A_414 = vector.broadcast %add3A_413 : i32 to vector<16xi32>
        %gather3A_415 = tpu.vector_load_idx %arg8[%broadcast_in_dim3A_414] : memref<8192xf32, #tpu.memory_space<vmem>>[vector<16xi32>], vector<16xf32>,
        %gather3A_416 = tpu.vector_load_idx %arg9[%broadcast_in_dim3A_414] : memref<8192xf32, #tpu.memory_space<vmem>>[vector<16xi32>], vector<16xf32>,
        %mul3A_417 = arith.constant 65 : i32
        %mul3A_418 = arith.muli %add3A_410, %mul3A_417 : i32
        %add3A_419 = arith.constant 0 : i32
        %add3A_420 = arith.addi %mul3A_418, %add3A_419 : i32
        %get3A_421 = arith.index_cast %add3A_420 : i32 to index
        %get3A_422 = tpu.vector_load %arg7[%get3A_421] {strides = array<i32>} : memref<8320xi32, #tpu.memory_space<vmem>>, vector<16xi32>,
        %add3A_423 = arith.addi %get3A_422, %mul3A_40 : vector<16xi32>
        %mul3A_424 = arith.constant 65 : i32
        %mul3A_425 = arith.muli %add3A_410, %mul3A_424 : i32
        %add3A_426 = arith.constant 16 : i32
        %add3A_427 = arith.addi %mul3A_425, %add3A_426 : i32
        %get3A_428 = arith.index_cast %add3A_427 : i32 to index
        %get3A_429 = tpu.vector_load %arg7[%get3A_428] {strides = array<i32>} : memref<8320xi32, #tpu.memory_space<vmem>>, vector<16xi32>,
        %add3A_430 = arith.addi %get3A_429, %mul3A_40 : vector<16xi32>
        %mul3A_431 = arith.constant 65 : i32
        %mul3A_432 = arith.muli %add3A_410, %mul3A_431 : i32
        %add3A_433 = arith.constant 32 : i32
        %add3A_434 = arith.addi %mul3A_432, %add3A_433 : i32
        %get3A_435 = arith.index_cast %add3A_434 : i32 to index
        %get3A_436 = tpu.vector_load %arg7[%get3A_435] {strides = array<i32>} : memref<8320xi32, #tpu.memory_space<vmem>>, vector<16xi32>,
        %add3A_437 = arith.addi %get3A_436, %mul3A_40 : vector<16xi32>
        %mul3A_438 = arith.constant 65 : i32
        %mul3A_439 = arith.muli %add3A_410, %mul3A_438 : i32
        %add3A_440 = arith.constant 48 : i32
        %add3A_441 = arith.addi %mul3A_439, %add3A_440 : i32
        %get3A_442 = arith.index_cast %add3A_441 : i32 to index
        %get3A_443 = tpu.vector_load %arg7[%get3A_442] {strides = array<i32>} : memref<8320xi32, #tpu.memory_space<vmem>>, vector<16xi32>,
        %add3A_444 = arith.addi %get3A_443, %mul3A_40 : vector<16xi32>
        %mul3A_445 = arith.constant 8 : i32
        %mul3A_446 = arith.muli %scan3A_180, %mul3A_445 : i32
        %add3A_447 = arith.constant 7 : i32
        %add3A_448 = arith.addi %mul3A_446, %add3A_447 : i32
        %mul3A_449 = arith.constant 128 : i32
        %mul3A_450 = arith.muli %add3A_147, %mul3A_449 : i32
        %add3A_451 = arith.addi %mul3A_450, %add3A_448 : i32
        %broadcast_in_dim3A_452 = vector.broadcast %add3A_451 : i32 to vector<16xi32>
        %gather3A_453 = tpu.vector_load_idx %arg8[%broadcast_in_dim3A_452] : memref<8192xf32, #tpu.memory_space<vmem>>[vector<16xi32>], vector<16xf32>,
        %gather3A_454 = tpu.vector_load_idx %arg9[%broadcast_in_dim3A_452] : memref<8192xf32, #tpu.memory_space<vmem>>[vector<16xi32>], vector<16xf32>,
        %mul3A_455 = arith.constant 65 : i32
        %mul3A_456 = arith.muli %add3A_448, %mul3A_455 : i32
        %add3A_457 = arith.constant 0 : i32
        %add3A_458 = arith.addi %mul3A_456, %add3A_457 : i32
        %get3A_459 = arith.index_cast %add3A_458 : i32 to index
        %get3A_460 = tpu.vector_load %arg7[%get3A_459] {strides = array<i32>} : memref<8320xi32, #tpu.memory_space<vmem>>, vector<16xi32>,
        %add3A_461 = arith.addi %get3A_460, %mul3A_40 : vector<16xi32>
        %mul3A_462 = arith.constant 65 : i32
        %mul3A_463 = arith.muli %add3A_448, %mul3A_462 : i32
        %add3A_464 = arith.constant 16 : i32
        %add3A_465 = arith.addi %mul3A_463, %add3A_464 : i32
        %get3A_466 = arith.index_cast %add3A_465 : i32 to index
        %get3A_467 = tpu.vector_load %arg7[%get3A_466] {strides = array<i32>} : memref<8320xi32, #tpu.memory_space<vmem>>, vector<16xi32>,
        %add3A_468 = arith.addi %get3A_467, %mul3A_40 : vector<16xi32>
        %mul3A_469 = arith.constant 65 : i32
        %mul3A_470 = arith.muli %add3A_448, %mul3A_469 : i32
        %add3A_471 = arith.constant 32 : i32
        %add3A_472 = arith.addi %mul3A_470, %add3A_471 : i32
        %get3A_473 = arith.index_cast %add3A_472 : i32 to index
        %get3A_474 = tpu.vector_load %arg7[%get3A_473] {strides = array<i32>} : memref<8320xi32, #tpu.memory_space<vmem>>, vector<16xi32>,
        %add3A_475 = arith.addi %get3A_474, %mul3A_40 : vector<16xi32>
        %mul3A_476 = arith.constant 65 : i32
        %mul3A_477 = arith.muli %add3A_448, %mul3A_476 : i32
        %add3A_478 = arith.constant 48 : i32
        %add3A_479 = arith.addi %mul3A_477, %add3A_478 : i32
        %get3A_480 = arith.index_cast %add3A_479 : i32 to index
        %get3A_481 = tpu.vector_load %arg7[%get3A_480] {strides = array<i32>} : memref<8320xi32, #tpu.memory_space<vmem>>, vector<16xi32>,
        %add3A_482 = arith.addi %get3A_481, %mul3A_40 : vector<16xi32>
        tpu.vector_store_idx %arg10[%add3A_195], %gather3A {add = true} : memref<4096xf32, #tpu.memory_space<vmem>>[vector<16xi32>], vector<16xf32>,
        tpu.vector_store_idx %arg14[%add3A_195], %gather3A_189 {add = true} : memref<4096xf32, #tpu.memory_space<vmem>>[vector<16xi32>], vector<16xf32>,
        tpu.vector_store_idx %arg11[%add3A_202], %gather3A {add = true} : memref<4096xf32, #tpu.memory_space<vmem>>[vector<16xi32>], vector<16xf32>,
        tpu.vector_store_idx %arg15[%add3A_202], %gather3A_189 {add = true} : memref<4096xf32, #tpu.memory_space<vmem>>[vector<16xi32>], vector<16xf32>,
        tpu.vector_store_idx %arg12[%add3A_209], %gather3A {add = true} : memref<4096xf32, #tpu.memory_space<vmem>>[vector<16xi32>], vector<16xf32>,
        tpu.vector_store_idx %arg16[%add3A_209], %gather3A_189 {add = true} : memref<4096xf32, #tpu.memory_space<vmem>>[vector<16xi32>], vector<16xf32>,
        tpu.vector_store_idx %arg13[%add3A_216], %gather3A {add = true} : memref<4096xf32, #tpu.memory_space<vmem>>[vector<16xi32>], vector<16xf32>,
        tpu.vector_store_idx %arg17[%add3A_216], %gather3A_189 {add = true} : memref<4096xf32, #tpu.memory_space<vmem>>[vector<16xi32>], vector<16xf32>,
        tpu.vector_store_idx %arg18[%add3A_233], %gather3A_225 {add = true} : memref<4096xf32, #tpu.memory_space<vmem>>[vector<16xi32>], vector<16xf32>,
        tpu.vector_store_idx %arg22[%add3A_233], %gather3A_226 {add = true} : memref<4096xf32, #tpu.memory_space<vmem>>[vector<16xi32>], vector<16xf32>,
        tpu.vector_store_idx %arg19[%add3A_240], %gather3A_225 {add = true} : memref<4096xf32, #tpu.memory_space<vmem>>[vector<16xi32>], vector<16xf32>,
        tpu.vector_store_idx %arg23[%add3A_240], %gather3A_226 {add = true} : memref<4096xf32, #tpu.memory_space<vmem>>[vector<16xi32>], vector<16xf32>,
        tpu.vector_store_idx %arg20[%add3A_247], %gather3A_225 {add = true} : memref<4096xf32, #tpu.memory_space<vmem>>[vector<16xi32>], vector<16xf32>,
        tpu.vector_store_idx %arg24[%add3A_247], %gather3A_226 {add = true} : memref<4096xf32, #tpu.memory_space<vmem>>[vector<16xi32>], vector<16xf32>,
        tpu.vector_store_idx %arg21[%add3A_254], %gather3A_225 {add = true} : memref<4096xf32, #tpu.memory_space<vmem>>[vector<16xi32>], vector<16xf32>,
        tpu.vector_store_idx %arg25[%add3A_254], %gather3A_226 {add = true} : memref<4096xf32, #tpu.memory_space<vmem>>[vector<16xi32>], vector<16xf32>,
        tpu.vector_store_idx %arg10[%add3A_271], %gather3A_263 {add = true} : memref<4096xf32, #tpu.memory_space<vmem>>[vector<16xi32>], vector<16xf32>,
        tpu.vector_store_idx %arg14[%add3A_271], %gather3A_264 {add = true} : memref<4096xf32, #tpu.memory_space<vmem>>[vector<16xi32>], vector<16xf32>,
        tpu.vector_store_idx %arg11[%add3A_278], %gather3A_263 {add = true} : memref<4096xf32, #tpu.memory_space<vmem>>[vector<16xi32>], vector<16xf32>,
        tpu.vector_store_idx %arg15[%add3A_278], %gather3A_264 {add = true} : memref<4096xf32, #tpu.memory_space<vmem>>[vector<16xi32>], vector<16xf32>,
        tpu.vector_store_idx %arg12[%add3A_285], %gather3A_263 {add = true} : memref<4096xf32, #tpu.memory_space<vmem>>[vector<16xi32>], vector<16xf32>,
        tpu.vector_store_idx %arg16[%add3A_285], %gather3A_264 {add = true} : memref<4096xf32, #tpu.memory_space<vmem>>[vector<16xi32>], vector<16xf32>,
        tpu.vector_store_idx %arg13[%add3A_292], %gather3A_263 {add = true} : memref<4096xf32, #tpu.memory_space<vmem>>[vector<16xi32>], vector<16xf32>,
        tpu.vector_store_idx %arg17[%add3A_292], %gather3A_264 {add = true} : memref<4096xf32, #tpu.memory_space<vmem>>[vector<16xi32>], vector<16xf32>,
        tpu.vector_store_idx %arg18[%add3A_309], %gather3A_301 {add = true} : memref<4096xf32, #tpu.memory_space<vmem>>[vector<16xi32>], vector<16xf32>,
        tpu.vector_store_idx %arg22[%add3A_309], %gather3A_302 {add = true} : memref<4096xf32, #tpu.memory_space<vmem>>[vector<16xi32>], vector<16xf32>,
        tpu.vector_store_idx %arg19[%add3A_316], %gather3A_301 {add = true} : memref<4096xf32, #tpu.memory_space<vmem>>[vector<16xi32>], vector<16xf32>,
        tpu.vector_store_idx %arg23[%add3A_316], %gather3A_302 {add = true} : memref<4096xf32, #tpu.memory_space<vmem>>[vector<16xi32>], vector<16xf32>,
        tpu.vector_store_idx %arg20[%add3A_323], %gather3A_301 {add = true} : memref<4096xf32, #tpu.memory_space<vmem>>[vector<16xi32>], vector<16xf32>,
        tpu.vector_store_idx %arg24[%add3A_323], %gather3A_302 {add = true} : memref<4096xf32, #tpu.memory_space<vmem>>[vector<16xi32>], vector<16xf32>,
        tpu.vector_store_idx %arg21[%add3A_330], %gather3A_301 {add = true} : memref<4096xf32, #tpu.memory_space<vmem>>[vector<16xi32>], vector<16xf32>,
        tpu.vector_store_idx %arg25[%add3A_330], %gather3A_302 {add = true} : memref<4096xf32, #tpu.memory_space<vmem>>[vector<16xi32>], vector<16xf32>,
        tpu.vector_store_idx %arg10[%add3A_347], %gather3A_339 {add = true} : memref<4096xf32, #tpu.memory_space<vmem>>[vector<16xi32>], vector<16xf32>,
        tpu.vector_store_idx %arg14[%add3A_347], %gather3A_340 {add = true} : memref<4096xf32, #tpu.memory_space<vmem>>[vector<16xi32>], vector<16xf32>,
        tpu.vector_store_idx %arg11[%add3A_354], %gather3A_339 {add = true} : memref<4096xf32, #tpu.memory_space<vmem>>[vector<16xi32>], vector<16xf32>,
        tpu.vector_store_idx %arg15[%add3A_354], %gather3A_340 {add = true} : memref<4096xf32, #tpu.memory_space<vmem>>[vector<16xi32>], vector<16xf32>,
        tpu.vector_store_idx %arg12[%add3A_361], %gather3A_339 {add = true} : memref<4096xf32, #tpu.memory_space<vmem>>[vector<16xi32>], vector<16xf32>,
        tpu.vector_store_idx %arg16[%add3A_361], %gather3A_340 {add = true} : memref<4096xf32, #tpu.memory_space<vmem>>[vector<16xi32>], vector<16xf32>,
        tpu.vector_store_idx %arg13[%add3A_368], %gather3A_339 {add = true} : memref<4096xf32, #tpu.memory_space<vmem>>[vector<16xi32>], vector<16xf32>,
        tpu.vector_store_idx %arg17[%add3A_368], %gather3A_340 {add = true} : memref<4096xf32, #tpu.memory_space<vmem>>[vector<16xi32>], vector<16xf32>,
        tpu.vector_store_idx %arg18[%add3A_385], %gather3A_377 {add = true} : memref<4096xf32, #tpu.memory_space<vmem>>[vector<16xi32>], vector<16xf32>,
        tpu.vector_store_idx %arg22[%add3A_385], %gather3A_378 {add = true} : memref<4096xf32, #tpu.memory_space<vmem>>[vector<16xi32>], vector<16xf32>,
        tpu.vector_store_idx %arg19[%add3A_392], %gather3A_377 {add = true} : memref<4096xf32, #tpu.memory_space<vmem>>[vector<16xi32>], vector<16xf32>,
        tpu.vector_store_idx %arg23[%add3A_392], %gather3A_378 {add = true} : memref<4096xf32, #tpu.memory_space<vmem>>[vector<16xi32>], vector<16xf32>,
        tpu.vector_store_idx %arg20[%add3A_399], %gather3A_377 {add = true} : memref<4096xf32, #tpu.memory_space<vmem>>[vector<16xi32>], vector<16xf32>,
        tpu.vector_store_idx %arg24[%add3A_399], %gather3A_378 {add = true} : memref<4096xf32, #tpu.memory_space<vmem>>[vector<16xi32>], vector<16xf32>,
        tpu.vector_store_idx %arg21[%add3A_406], %gather3A_377 {add = true} : memref<4096xf32, #tpu.memory_space<vmem>>[vector<16xi32>], vector<16xf32>,
        tpu.vector_store_idx %arg25[%add3A_406], %gather3A_378 {add = true} : memref<4096xf32, #tpu.memory_space<vmem>>[vector<16xi32>], vector<16xf32>,
        tpu.vector_store_idx %arg10[%add3A_423], %gather3A_415 {add = true} : memref<4096xf32, #tpu.memory_space<vmem>>[vector<16xi32>], vector<16xf32>,
        tpu.vector_store_idx %arg14[%add3A_423], %gather3A_416 {add = true} : memref<4096xf32, #tpu.memory_space<vmem>>[vector<16xi32>], vector<16xf32>,
        tpu.vector_store_idx %arg11[%add3A_430], %gather3A_415 {add = true} : memref<4096xf32, #tpu.memory_space<vmem>>[vector<16xi32>], vector<16xf32>,
        tpu.vector_store_idx %arg15[%add3A_430], %gather3A_416 {add = true} : memref<4096xf32, #tpu.memory_space<vmem>>[vector<16xi32>], vector<16xf32>,
        tpu.vector_store_idx %arg12[%add3A_437], %gather3A_415 {add = true} : memref<4096xf32, #tpu.memory_space<vmem>>[vector<16xi32>], vector<16xf32>,
        tpu.vector_store_idx %arg16[%add3A_437], %gather3A_416 {add = true} : memref<4096xf32, #tpu.memory_space<vmem>>[vector<16xi32>], vector<16xf32>,
        tpu.vector_store_idx %arg13[%add3A_444], %gather3A_415 {add = true} : memref<4096xf32, #tpu.memory_space<vmem>>[vector<16xi32>], vector<16xf32>,
        tpu.vector_store_idx %arg17[%add3A_444], %gather3A_416 {add = true} : memref<4096xf32, #tpu.memory_space<vmem>>[vector<16xi32>], vector<16xf32>,
        tpu.vector_store_idx %arg18[%add3A_461], %gather3A_453 {add = true} : memref<4096xf32, #tpu.memory_space<vmem>>[vector<16xi32>], vector<16xf32>,
        tpu.vector_store_idx %arg22[%add3A_461], %gather3A_454 {add = true} : memref<4096xf32, #tpu.memory_space<vmem>>[vector<16xi32>], vector<16xf32>,
        tpu.vector_store_idx %arg19[%add3A_468], %gather3A_453 {add = true} : memref<4096xf32, #tpu.memory_space<vmem>>[vector<16xi32>], vector<16xf32>,
        tpu.vector_store_idx %arg23[%add3A_468], %gather3A_454 {add = true} : memref<4096xf32, #tpu.memory_space<vmem>>[vector<16xi32>], vector<16xf32>,
        tpu.vector_store_idx %arg20[%add3A_475], %gather3A_453 {add = true} : memref<4096xf32, #tpu.memory_space<vmem>>[vector<16xi32>], vector<16xf32>,
        tpu.vector_store_idx %arg24[%add3A_475], %gather3A_454 {add = true} : memref<4096xf32, #tpu.memory_space<vmem>>[vector<16xi32>], vector<16xf32>,
        tpu.vector_store_idx %arg21[%add3A_482], %gather3A_453 {add = true} : memref<4096xf32, #tpu.memory_space<vmem>>[vector<16xi32>], vector<16xf32>,
        tpu.vector_store_idx %arg25[%add3A_482], %gather3A_454 {add = true} : memref<4096xf32, #tpu.memory_space<vmem>>[vector<16xi32>], vector<16xf32>,
      }
      %scan3A_172 = arith.constant 16 : i32
      %add3A_173 = arith.constant 2 : i32
      %add3A_174 = arith.addi %add3A_147, %add3A_173 : i32
      %lt3A_175 = arith.constant 64 : i32
      %lt3A_176 = arith.cmpi slt, %add3A_174, %lt3A_175 : i32
      %convert_element_type3A_177 = arith.extui %lt3A_176 : i1 to i32
      %cond3A_178 = arith.constant 0 : i32
      %cond3A_179 = arith.cmpi ne, %convert_element_type3A_177, %cond3A_178 : i32
      scf.if %cond3A_179 {
        %add3A_180 = arith.constant 2 : i32
        %add3A_181 = arith.addi %add3A_147, %add3A_180 : i32
        %mul3A_182 = arith.constant 128 : i32
        %mul3A_183 = arith.muli %add3A_181, %mul3A_182 : i32
        %add3A_184 = arith.addi %mul3A_2, %mul3A_183 : i32
        %dma_start3A_185 = arith.constant 1 : i32
        %dma_start3A_186 = arith.constant 0 : i32
        %dma_start3A_187 = arith.constant 0 : i32
        %dma_start3A_188 = tpu.memref_slice %arg6[%dma_start3A_185, %dma_start3A_186, %dma_start3A_187] : memref<2x64x128xi32, #tpu.memory_space<vmem>> -> memref<1x64x128xi32, #tpu.memory_space<vmem>>
        %dma_start3A_189 = tpu.memref_squeeze %dma_start3A_188 : memref<1x64x128xi32, #tpu.memory_space<vmem>> -> memref<64x128xi32, #tpu.memory_space<vmem>>
        %dma_start3A_190 = arith.constant 0 : i32
        %dma_start3A_191 = tpu.memref_slice %arg2[%dma_start3A_190, %add3A_184] : memref<64x262144xi32, #tpu.memory_space<hbm>> -> memref<64x128xi32, #tpu.memory_space<hbm>>
        %dma_start3A_192 = arith.constant 0 : i32
        %dma_start3A_193 = arith.constant 0 : i32
        %dma_start3A_194 = tpu.memref_slice %arg6[%dma_start3A_185, %dma_start3A_192, %dma_start3A_193] : memref<2x64x128xi32, #tpu.memory_space<vmem>> -> memref<1x64x128xi32, #tpu.memory_space<vmem>>
        %dma_start3A_195 = tpu.memref_squeeze %dma_start3A_194 : memref<1x64x128xi32, #tpu.memory_space<vmem>> -> memref<64x128xi32, #tpu.memory_space<vmem>>
        %dma_start3A_196 = arith.constant 0 : i32
        %dma_start3A_197 = tpu.memref_slice %arg2[%dma_start3A_196, %add3A_184] : memref<64x262144xi32, #tpu.memory_space<hbm>> -> memref<64x128xi32, #tpu.memory_space<hbm>>
        tpu.enqueue_dma source(%dma_start3A_197 : memref<64x128xi32, #tpu.memory_space<hbm>>) target(%dma_start3A_195 : memref<64x128xi32, #tpu.memory_space<vmem>>) target_semaphore(%arg27 : memref<!tpu.dma_semaphore, #tpu.memory_space<semaphore_mem>>)
      } else {
      }
    }
    %scan3A_95 = arith.constant 32 : i32
    %run_scoped3A = arith.constant 0 : i32
    "tpu.region"() ({
      %run_scoped3A_111 = tpu.sem_alloc : memref<!tpu.dma_semaphore, #tpu.memory_space<semaphore_mem>>
      %dma_start3A_112 = arith.constant 0 : i32
      %dma_start3A_113 = tpu.memref_slice %arg5[%add3A, %run_scoped3A, %dma_start3A_112] : memref<32x16x4096xf32, #tpu.memory_space<hbm>> -> memref<1x1x4096xf32, #tpu.memory_space<hbm>>
      %dma_start3A_114 = tpu.memref_squeeze %dma_start3A_113 : memref<1x1x4096xf32, #tpu.memory_space<hbm>> -> memref<4096xf32, #tpu.memory_space<hbm>>
      %dma_start3A_115 = arith.constant 0 : i32
      %dma_start3A_116 = tpu.memref_slice %arg5[%add3A, %run_scoped3A, %dma_start3A_115] : memref<32x16x4096xf32, #tpu.memory_space<hbm>> -> memref<1x1x4096xf32, #tpu.memory_space<hbm>>
      %dma_start3A_117 = tpu.memref_squeeze %dma_start3A_116 : memref<1x1x4096xf32, #tpu.memory_space<hbm>> -> memref<4096xf32, #tpu.memory_space<hbm>>
      tpu.enqueue_dma source(%arg10 : memref<4096xf32, #tpu.memory_space<vmem>>) target(%dma_start3A_117 : memref<4096xf32, #tpu.memory_space<hbm>>) target_semaphore(%run_scoped3A_111 : memref<!tpu.dma_semaphore, #tpu.memory_space<semaphore_mem>>)
      %dma_wait3A = arith.constant 0 : i32
      %dma_wait3A_118 = tpu.memref_slice %arg5[%add3A, %run_scoped3A, %dma_wait3A] : memref<32x16x4096xf32, #tpu.memory_space<hbm>> -> memref<1x1x4096xf32, #tpu.memory_space<hbm>>
      %dma_wait3A_119 = tpu.memref_squeeze %dma_wait3A_118 : memref<1x1x4096xf32, #tpu.memory_space<hbm>> -> memref<4096xf32, #tpu.memory_space<hbm>>
      %dma_wait3A_120 = arith.constant 0 : i32
      %dma_wait3A_121 = tpu.memref_slice %arg5[%add3A, %run_scoped3A, %dma_wait3A_120] : memref<32x16x4096xf32, #tpu.memory_space<hbm>> -> memref<1x1x4096xf32, #tpu.memory_space<hbm>>
      %dma_wait3A_122 = tpu.memref_squeeze %dma_wait3A_121 : memref<1x1x4096xf32, #tpu.memory_space<hbm>> -> memref<4096xf32, #tpu.memory_space<hbm>>
      tpu.wait_dma2 semaphore(%run_scoped3A_111 : memref<!tpu.dma_semaphore, #tpu.memory_space<semaphore_mem>>) src(%arg10 : memref<4096xf32, #tpu.memory_space<vmem>>) dst(%dma_wait3A_122 : memref<4096xf32, #tpu.memory_space<hbm>>)
      tpu.yield
    }) : () -> ()
    %run_scoped3A_96 = arith.constant 1 : i32
    "tpu.region"() ({
      %run_scoped3A_111 = tpu.sem_alloc : memref<!tpu.dma_semaphore, #tpu.memory_space<semaphore_mem>>
      %dma_start3A_112 = arith.constant 0 : i32
      %dma_start3A_113 = tpu.memref_slice %arg5[%add3A, %run_scoped3A_96, %dma_start3A_112] : memref<32x16x4096xf32, #tpu.memory_space<hbm>> -> memref<1x1x4096xf32, #tpu.memory_space<hbm>>
      %dma_start3A_114 = tpu.memref_squeeze %dma_start3A_113 : memref<1x1x4096xf32, #tpu.memory_space<hbm>> -> memref<4096xf32, #tpu.memory_space<hbm>>
      %dma_start3A_115 = arith.constant 0 : i32
      %dma_start3A_116 = tpu.memref_slice %arg5[%add3A, %run_scoped3A_96, %dma_start3A_115] : memref<32x16x4096xf32, #tpu.memory_space<hbm>> -> memref<1x1x4096xf32, #tpu.memory_space<hbm>>
      %dma_start3A_117 = tpu.memref_squeeze %dma_start3A_116 : memref<1x1x4096xf32, #tpu.memory_space<hbm>> -> memref<4096xf32, #tpu.memory_space<hbm>>
      tpu.enqueue_dma source(%arg11 : memref<4096xf32, #tpu.memory_space<vmem>>) target(%dma_start3A_117 : memref<4096xf32, #tpu.memory_space<hbm>>) target_semaphore(%run_scoped3A_111 : memref<!tpu.dma_semaphore, #tpu.memory_space<semaphore_mem>>)
      %dma_wait3A = arith.constant 0 : i32
      %dma_wait3A_118 = tpu.memref_slice %arg5[%add3A, %run_scoped3A_96, %dma_wait3A] : memref<32x16x4096xf32, #tpu.memory_space<hbm>> -> memref<1x1x4096xf32, #tpu.memory_space<hbm>>
      %dma_wait3A_119 = tpu.memref_squeeze %dma_wait3A_118 : memref<1x1x4096xf32, #tpu.memory_space<hbm>> -> memref<4096xf32, #tpu.memory_space<hbm>>
      %dma_wait3A_120 = arith.constant 0 : i32
      %dma_wait3A_121 = tpu.memref_slice %arg5[%add3A, %run_scoped3A_96, %dma_wait3A_120] : memref<32x16x4096xf32, #tpu.memory_space<hbm>> -> memref<1x1x4096xf32, #tpu.memory_space<hbm>>
      %dma_wait3A_122 = tpu.memref_squeeze %dma_wait3A_121 : memref<1x1x4096xf32, #tpu.memory_space<hbm>> -> memref<4096xf32, #tpu.memory_space<hbm>>
      tpu.wait_dma2 semaphore(%run_scoped3A_111 : memref<!tpu.dma_semaphore, #tpu.memory_space<semaphore_mem>>) src(%arg11 : memref<4096xf32, #tpu.memory_space<vmem>>) dst(%dma_wait3A_122 : memref<4096xf32, #tpu.memory_space<hbm>>)
      tpu.yield
    }) : () -> ()
    %run_scoped3A_97 = arith.constant 2 : i32
    "tpu.region"() ({
      %run_scoped3A_111 = tpu.sem_alloc : memref<!tpu.dma_semaphore, #tpu.memory_space<semaphore_mem>>
      %dma_start3A_112 = arith.constant 0 : i32
      %dma_start3A_113 = tpu.memref_slice %arg5[%add3A, %run_scoped3A_97, %dma_start3A_112] : memref<32x16x4096xf32, #tpu.memory_space<hbm>> -> memref<1x1x4096xf32, #tpu.memory_space<hbm>>
      %dma_start3A_114 = tpu.memref_squeeze %dma_start3A_113 : memref<1x1x4096xf32, #tpu.memory_space<hbm>> -> memref<4096xf32, #tpu.memory_space<hbm>>
      %dma_start3A_115 = arith.constant 0 : i32
      %dma_start3A_116 = tpu.memref_slice %arg5[%add3A, %run_scoped3A_97, %dma_start3A_115] : memref<32x16x4096xf32, #tpu.memory_space<hbm>> -> memref<1x1x4096xf32, #tpu.memory_space<hbm>>
      %dma_start3A_117 = tpu.memref_squeeze %dma_start3A_116 : memref<1x1x4096xf32, #tpu.memory_space<hbm>> -> memref<4096xf32, #tpu.memory_space<hbm>>
      tpu.enqueue_dma source(%arg12 : memref<4096xf32, #tpu.memory_space<vmem>>) target(%dma_start3A_117 : memref<4096xf32, #tpu.memory_space<hbm>>) target_semaphore(%run_scoped3A_111 : memref<!tpu.dma_semaphore, #tpu.memory_space<semaphore_mem>>)
      %dma_wait3A = arith.constant 0 : i32
      %dma_wait3A_118 = tpu.memref_slice %arg5[%add3A, %run_scoped3A_97, %dma_wait3A] : memref<32x16x4096xf32, #tpu.memory_space<hbm>> -> memref<1x1x4096xf32, #tpu.memory_space<hbm>>
      %dma_wait3A_119 = tpu.memref_squeeze %dma_wait3A_118 : memref<1x1x4096xf32, #tpu.memory_space<hbm>> -> memref<4096xf32, #tpu.memory_space<hbm>>
      %dma_wait3A_120 = arith.constant 0 : i32
      %dma_wait3A_121 = tpu.memref_slice %arg5[%add3A, %run_scoped3A_97, %dma_wait3A_120] : memref<32x16x4096xf32, #tpu.memory_space<hbm>> -> memref<1x1x4096xf32, #tpu.memory_space<hbm>>
      %dma_wait3A_122 = tpu.memref_squeeze %dma_wait3A_121 : memref<1x1x4096xf32, #tpu.memory_space<hbm>> -> memref<4096xf32, #tpu.memory_space<hbm>>
      tpu.wait_dma2 semaphore(%run_scoped3A_111 : memref<!tpu.dma_semaphore, #tpu.memory_space<semaphore_mem>>) src(%arg12 : memref<4096xf32, #tpu.memory_space<vmem>>) dst(%dma_wait3A_122 : memref<4096xf32, #tpu.memory_space<hbm>>)
      tpu.yield
    }) : () -> ()
    %run_scoped3A_98 = arith.constant 3 : i32
    "tpu.region"() ({
      %run_scoped3A_111 = tpu.sem_alloc : memref<!tpu.dma_semaphore, #tpu.memory_space<semaphore_mem>>
      %dma_start3A_112 = arith.constant 0 : i32
      %dma_start3A_113 = tpu.memref_slice %arg5[%add3A, %run_scoped3A_98, %dma_start3A_112] : memref<32x16x4096xf32, #tpu.memory_space<hbm>> -> memref<1x1x4096xf32, #tpu.memory_space<hbm>>
      %dma_start3A_114 = tpu.memref_squeeze %dma_start3A_113 : memref<1x1x4096xf32, #tpu.memory_space<hbm>> -> memref<4096xf32, #tpu.memory_space<hbm>>
      %dma_start3A_115 = arith.constant 0 : i32
      %dma_start3A_116 = tpu.memref_slice %arg5[%add3A, %run_scoped3A_98, %dma_start3A_115] : memref<32x16x4096xf32, #tpu.memory_space<hbm>> -> memref<1x1x4096xf32, #tpu.memory_space<hbm>>
      %dma_start3A_117 = tpu.memref_squeeze %dma_start3A_116 : memref<1x1x4096xf32, #tpu.memory_space<hbm>> -> memref<4096xf32, #tpu.memory_space<hbm>>
      tpu.enqueue_dma source(%arg13 : memref<4096xf32, #tpu.memory_space<vmem>>) target(%dma_start3A_117 : memref<4096xf32, #tpu.memory_space<hbm>>) target_semaphore(%run_scoped3A_111 : memref<!tpu.dma_semaphore, #tpu.memory_space<semaphore_mem>>)
      %dma_wait3A = arith.constant 0 : i32
      %dma_wait3A_118 = tpu.memref_slice %arg5[%add3A, %run_scoped3A_98, %dma_wait3A] : memref<32x16x4096xf32, #tpu.memory_space<hbm>> -> memref<1x1x4096xf32, #tpu.memory_space<hbm>>
      %dma_wait3A_119 = tpu.memref_squeeze %dma_wait3A_118 : memref<1x1x4096xf32, #tpu.memory_space<hbm>> -> memref<4096xf32, #tpu.memory_space<hbm>>
      %dma_wait3A_120 = arith.constant 0 : i32
      %dma_wait3A_121 = tpu.memref_slice %arg5[%add3A, %run_scoped3A_98, %dma_wait3A_120] : memref<32x16x4096xf32, #tpu.memory_space<hbm>> -> memref<1x1x4096xf32, #tpu.memory_space<hbm>>
      %dma_wait3A_122 = tpu.memref_squeeze %dma_wait3A_121 : memref<1x1x4096xf32, #tpu.memory_space<hbm>> -> memref<4096xf32, #tpu.memory_space<hbm>>
      tpu.wait_dma2 semaphore(%run_scoped3A_111 : memref<!tpu.dma_semaphore, #tpu.memory_space<semaphore_mem>>) src(%arg13 : memref<4096xf32, #tpu.memory_space<vmem>>) dst(%dma_wait3A_122 : memref<4096xf32, #tpu.memory_space<hbm>>)
      tpu.yield
    }) : () -> ()
    %run_scoped3A_99 = arith.constant 4 : i32
    "tpu.region"() ({
      %run_scoped3A_111 = tpu.sem_alloc : memref<!tpu.dma_semaphore, #tpu.memory_space<semaphore_mem>>
      %dma_start3A_112 = arith.constant 0 : i32
      %dma_start3A_113 = tpu.memref_slice %arg5[%add3A, %run_scoped3A_99, %dma_start3A_112] : memref<32x16x4096xf32, #tpu.memory_space<hbm>> -> memref<1x1x4096xf32, #tpu.memory_space<hbm>>
      %dma_start3A_114 = tpu.memref_squeeze %dma_start3A_113 : memref<1x1x4096xf32, #tpu.memory_space<hbm>> -> memref<4096xf32, #tpu.memory_space<hbm>>
      %dma_start3A_115 = arith.constant 0 : i32
      %dma_start3A_116 = tpu.memref_slice %arg5[%add3A, %run_scoped3A_99, %dma_start3A_115] : memref<32x16x4096xf32, #tpu.memory_space<hbm>> -> memref<1x1x4096xf32, #tpu.memory_space<hbm>>
      %dma_start3A_117 = tpu.memref_squeeze %dma_start3A_116 : memref<1x1x4096xf32, #tpu.memory_space<hbm>> -> memref<4096xf32, #tpu.memory_space<hbm>>
      tpu.enqueue_dma source(%arg14 : memref<4096xf32, #tpu.memory_space<vmem>>) target(%dma_start3A_117 : memref<4096xf32, #tpu.memory_space<hbm>>) target_semaphore(%run_scoped3A_111 : memref<!tpu.dma_semaphore, #tpu.memory_space<semaphore_mem>>)
      %dma_wait3A = arith.constant 0 : i32
      %dma_wait3A_118 = tpu.memref_slice %arg5[%add3A, %run_scoped3A_99, %dma_wait3A] : memref<32x16x4096xf32, #tpu.memory_space<hbm>> -> memref<1x1x4096xf32, #tpu.memory_space<hbm>>
      %dma_wait3A_119 = tpu.memref_squeeze %dma_wait3A_118 : memref<1x1x4096xf32, #tpu.memory_space<hbm>> -> memref<4096xf32, #tpu.memory_space<hbm>>
      %dma_wait3A_120 = arith.constant 0 : i32
      %dma_wait3A_121 = tpu.memref_slice %arg5[%add3A, %run_scoped3A_99, %dma_wait3A_120] : memref<32x16x4096xf32, #tpu.memory_space<hbm>> -> memref<1x1x4096xf32, #tpu.memory_space<hbm>>
      %dma_wait3A_122 = tpu.memref_squeeze %dma_wait3A_121 : memref<1x1x4096xf32, #tpu.memory_space<hbm>> -> memref<4096xf32, #tpu.memory_space<hbm>>
      tpu.wait_dma2 semaphore(%run_scoped3A_111 : memref<!tpu.dma_semaphore, #tpu.memory_space<semaphore_mem>>) src(%arg14 : memref<4096xf32, #tpu.memory_space<vmem>>) dst(%dma_wait3A_122 : memref<4096xf32, #tpu.memory_space<hbm>>)
      tpu.yield
    }) : () -> ()
    %run_scoped3A_100 = arith.constant 5 : i32
    "tpu.region"() ({
      %run_scoped3A_111 = tpu.sem_alloc : memref<!tpu.dma_semaphore, #tpu.memory_space<semaphore_mem>>
      %dma_start3A_112 = arith.constant 0 : i32
      %dma_start3A_113 = tpu.memref_slice %arg5[%add3A, %run_scoped3A_100, %dma_start3A_112] : memref<32x16x4096xf32, #tpu.memory_space<hbm>> -> memref<1x1x4096xf32, #tpu.memory_space<hbm>>
      %dma_start3A_114 = tpu.memref_squeeze %dma_start3A_113 : memref<1x1x4096xf32, #tpu.memory_space<hbm>> -> memref<4096xf32, #tpu.memory_space<hbm>>
      %dma_start3A_115 = arith.constant 0 : i32
      %dma_start3A_116 = tpu.memref_slice %arg5[%add3A, %run_scoped3A_100, %dma_start3A_115] : memref<32x16x4096xf32, #tpu.memory_space<hbm>> -> memref<1x1x4096xf32, #tpu.memory_space<hbm>>
      %dma_start3A_117 = tpu.memref_squeeze %dma_start3A_116 : memref<1x1x4096xf32, #tpu.memory_space<hbm>> -> memref<4096xf32, #tpu.memory_space<hbm>>
      tpu.enqueue_dma source(%arg15 : memref<4096xf32, #tpu.memory_space<vmem>>) target(%dma_start3A_117 : memref<4096xf32, #tpu.memory_space<hbm>>) target_semaphore(%run_scoped3A_111 : memref<!tpu.dma_semaphore, #tpu.memory_space<semaphore_mem>>)
      %dma_wait3A = arith.constant 0 : i32
      %dma_wait3A_118 = tpu.memref_slice %arg5[%add3A, %run_scoped3A_100, %dma_wait3A] : memref<32x16x4096xf32, #tpu.memory_space<hbm>> -> memref<1x1x4096xf32, #tpu.memory_space<hbm>>
      %dma_wait3A_119 = tpu.memref_squeeze %dma_wait3A_118 : memref<1x1x4096xf32, #tpu.memory_space<hbm>> -> memref<4096xf32, #tpu.memory_space<hbm>>
      %dma_wait3A_120 = arith.constant 0 : i32
      %dma_wait3A_121 = tpu.memref_slice %arg5[%add3A, %run_scoped3A_100, %dma_wait3A_120] : memref<32x16x4096xf32, #tpu.memory_space<hbm>> -> memref<1x1x4096xf32, #tpu.memory_space<hbm>>
      %dma_wait3A_122 = tpu.memref_squeeze %dma_wait3A_121 : memref<1x1x4096xf32, #tpu.memory_space<hbm>> -> memref<4096xf32, #tpu.memory_space<hbm>>
      tpu.wait_dma2 semaphore(%run_scoped3A_111 : memref<!tpu.dma_semaphore, #tpu.memory_space<semaphore_mem>>) src(%arg15 : memref<4096xf32, #tpu.memory_space<vmem>>) dst(%dma_wait3A_122 : memref<4096xf32, #tpu.memory_space<hbm>>)
      tpu.yield
    }) : () -> ()
    %run_scoped3A_101 = arith.constant 6 : i32
    "tpu.region"() ({
      %run_scoped3A_111 = tpu.sem_alloc : memref<!tpu.dma_semaphore, #tpu.memory_space<semaphore_mem>>
      %dma_start3A_112 = arith.constant 0 : i32
      %dma_start3A_113 = tpu.memref_slice %arg5[%add3A, %run_scoped3A_101, %dma_start3A_112] : memref<32x16x4096xf32, #tpu.memory_space<hbm>> -> memref<1x1x4096xf32, #tpu.memory_space<hbm>>
      %dma_start3A_114 = tpu.memref_squeeze %dma_start3A_113 : memref<1x1x4096xf32, #tpu.memory_space<hbm>> -> memref<4096xf32, #tpu.memory_space<hbm>>
      %dma_start3A_115 = arith.constant 0 : i32
      %dma_start3A_116 = tpu.memref_slice %arg5[%add3A, %run_scoped3A_101, %dma_start3A_115] : memref<32x16x4096xf32, #tpu.memory_space<hbm>> -> memref<1x1x4096xf32, #tpu.memory_space<hbm>>
      %dma_start3A_117 = tpu.memref_squeeze %dma_start3A_116 : memref<1x1x4096xf32, #tpu.memory_space<hbm>> -> memref<4096xf32, #tpu.memory_space<hbm>>
      tpu.enqueue_dma source(%arg16 : memref<4096xf32, #tpu.memory_space<vmem>>) target(%dma_start3A_117 : memref<4096xf32, #tpu.memory_space<hbm>>) target_semaphore(%run_scoped3A_111 : memref<!tpu.dma_semaphore, #tpu.memory_space<semaphore_mem>>)
      %dma_wait3A = arith.constant 0 : i32
      %dma_wait3A_118 = tpu.memref_slice %arg5[%add3A, %run_scoped3A_101, %dma_wait3A] : memref<32x16x4096xf32, #tpu.memory_space<hbm>> -> memref<1x1x4096xf32, #tpu.memory_space<hbm>>
      %dma_wait3A_119 = tpu.memref_squeeze %dma_wait3A_118 : memref<1x1x4096xf32, #tpu.memory_space<hbm>> -> memref<4096xf32, #tpu.memory_space<hbm>>
      %dma_wait3A_120 = arith.constant 0 : i32
      %dma_wait3A_121 = tpu.memref_slice %arg5[%add3A, %run_scoped3A_101, %dma_wait3A_120] : memref<32x16x4096xf32, #tpu.memory_space<hbm>> -> memref<1x1x4096xf32, #tpu.memory_space<hbm>>
      %dma_wait3A_122 = tpu.memref_squeeze %dma_wait3A_121 : memref<1x1x4096xf32, #tpu.memory_space<hbm>> -> memref<4096xf32, #tpu.memory_space<hbm>>
      tpu.wait_dma2 semaphore(%run_scoped3A_111 : memref<!tpu.dma_semaphore, #tpu.memory_space<semaphore_mem>>) src(%arg16 : memref<4096xf32, #tpu.memory_space<vmem>>) dst(%dma_wait3A_122 : memref<4096xf32, #tpu.memory_space<hbm>>)
      tpu.yield
    }) : () -> ()
    %run_scoped3A_102 = arith.constant 7 : i32
    "tpu.region"() ({
      %run_scoped3A_111 = tpu.sem_alloc : memref<!tpu.dma_semaphore, #tpu.memory_space<semaphore_mem>>
      %dma_start3A_112 = arith.constant 0 : i32
      %dma_start3A_113 = tpu.memref_slice %arg5[%add3A, %run_scoped3A_102, %dma_start3A_112] : memref<32x16x4096xf32, #tpu.memory_space<hbm>> -> memref<1x1x4096xf32, #tpu.memory_space<hbm>>
      %dma_start3A_114 = tpu.memref_squeeze %dma_start3A_113 : memref<1x1x4096xf32, #tpu.memory_space<hbm>> -> memref<4096xf32, #tpu.memory_space<hbm>>
      %dma_start3A_115 = arith.constant 0 : i32
      %dma_start3A_116 = tpu.memref_slice %arg5[%add3A, %run_scoped3A_102, %dma_start3A_115] : memref<32x16x4096xf32, #tpu.memory_space<hbm>> -> memref<1x1x4096xf32, #tpu.memory_space<hbm>>
      %dma_start3A_117 = tpu.memref_squeeze %dma_start3A_116 : memref<1x1x4096xf32, #tpu.memory_space<hbm>> -> memref<4096xf32, #tpu.memory_space<hbm>>
      tpu.enqueue_dma source(%arg17 : memref<4096xf32, #tpu.memory_space<vmem>>) target(%dma_start3A_117 : memref<4096xf32, #tpu.memory_space<hbm>>) target_semaphore(%run_scoped3A_111 : memref<!tpu.dma_semaphore, #tpu.memory_space<semaphore_mem>>)
      %dma_wait3A = arith.constant 0 : i32
      %dma_wait3A_118 = tpu.memref_slice %arg5[%add3A, %run_scoped3A_102, %dma_wait3A] : memref<32x16x4096xf32, #tpu.memory_space<hbm>> -> memref<1x1x4096xf32, #tpu.memory_space<hbm>>
      %dma_wait3A_119 = tpu.memref_squeeze %dma_wait3A_118 : memref<1x1x4096xf32, #tpu.memory_space<hbm>> -> memref<4096xf32, #tpu.memory_space<hbm>>
      %dma_wait3A_120 = arith.constant 0 : i32
      %dma_wait3A_121 = tpu.memref_slice %arg5[%add3A, %run_scoped3A_102, %dma_wait3A_120] : memref<32x16x4096xf32, #tpu.memory_space<hbm>> -> memref<1x1x4096xf32, #tpu.memory_space<hbm>>
      %dma_wait3A_122 = tpu.memref_squeeze %dma_wait3A_121 : memref<1x1x4096xf32, #tpu.memory_space<hbm>> -> memref<4096xf32, #tpu.memory_space<hbm>>
      tpu.wait_dma2 semaphore(%run_scoped3A_111 : memref<!tpu.dma_semaphore, #tpu.memory_space<semaphore_mem>>) src(%arg17 : memref<4096xf32, #tpu.memory_space<vmem>>) dst(%dma_wait3A_122 : memref<4096xf32, #tpu.memory_space<hbm>>)
      tpu.yield
    }) : () -> ()
    %run_scoped3A_103 = arith.constant 8 : i32
    "tpu.region"() ({
      %run_scoped3A_111 = tpu.sem_alloc : memref<!tpu.dma_semaphore, #tpu.memory_space<semaphore_mem>>
      %dma_start3A_112 = arith.constant 0 : i32
      %dma_start3A_113 = tpu.memref_slice %arg5[%add3A, %run_scoped3A_103, %dma_start3A_112] : memref<32x16x4096xf32, #tpu.memory_space<hbm>> -> memref<1x1x4096xf32, #tpu.memory_space<hbm>>
      %dma_start3A_114 = tpu.memref_squeeze %dma_start3A_113 : memref<1x1x4096xf32, #tpu.memory_space<hbm>> -> memref<4096xf32, #tpu.memory_space<hbm>>
      %dma_start3A_115 = arith.constant 0 : i32
      %dma_start3A_116 = tpu.memref_slice %arg5[%add3A, %run_scoped3A_103, %dma_start3A_115] : memref<32x16x4096xf32, #tpu.memory_space<hbm>> -> memref<1x1x4096xf32, #tpu.memory_space<hbm>>
      %dma_start3A_117 = tpu.memref_squeeze %dma_start3A_116 : memref<1x1x4096xf32, #tpu.memory_space<hbm>> -> memref<4096xf32, #tpu.memory_space<hbm>>
      tpu.enqueue_dma source(%arg18 : memref<4096xf32, #tpu.memory_space<vmem>>) target(%dma_start3A_117 : memref<4096xf32, #tpu.memory_space<hbm>>) target_semaphore(%run_scoped3A_111 : memref<!tpu.dma_semaphore, #tpu.memory_space<semaphore_mem>>)
      %dma_wait3A = arith.constant 0 : i32
      %dma_wait3A_118 = tpu.memref_slice %arg5[%add3A, %run_scoped3A_103, %dma_wait3A] : memref<32x16x4096xf32, #tpu.memory_space<hbm>> -> memref<1x1x4096xf32, #tpu.memory_space<hbm>>
      %dma_wait3A_119 = tpu.memref_squeeze %dma_wait3A_118 : memref<1x1x4096xf32, #tpu.memory_space<hbm>> -> memref<4096xf32, #tpu.memory_space<hbm>>
      %dma_wait3A_120 = arith.constant 0 : i32
      %dma_wait3A_121 = tpu.memref_slice %arg5[%add3A, %run_scoped3A_103, %dma_wait3A_120] : memref<32x16x4096xf32, #tpu.memory_space<hbm>> -> memref<1x1x4096xf32, #tpu.memory_space<hbm>>
      %dma_wait3A_122 = tpu.memref_squeeze %dma_wait3A_121 : memref<1x1x4096xf32, #tpu.memory_space<hbm>> -> memref<4096xf32, #tpu.memory_space<hbm>>
      tpu.wait_dma2 semaphore(%run_scoped3A_111 : memref<!tpu.dma_semaphore, #tpu.memory_space<semaphore_mem>>) src(%arg18 : memref<4096xf32, #tpu.memory_space<vmem>>) dst(%dma_wait3A_122 : memref<4096xf32, #tpu.memory_space<hbm>>)
      tpu.yield
    }) : () -> ()
    %run_scoped3A_104 = arith.constant 9 : i32
    "tpu.region"() ({
      %run_scoped3A_111 = tpu.sem_alloc : memref<!tpu.dma_semaphore, #tpu.memory_space<semaphore_mem>>
      %dma_start3A_112 = arith.constant 0 : i32
      %dma_start3A_113 = tpu.memref_slice %arg5[%add3A, %run_scoped3A_104, %dma_start3A_112] : memref<32x16x4096xf32, #tpu.memory_space<hbm>> -> memref<1x1x4096xf32, #tpu.memory_space<hbm>>
      %dma_start3A_114 = tpu.memref_squeeze %dma_start3A_113 : memref<1x1x4096xf32, #tpu.memory_space<hbm>> -> memref<4096xf32, #tpu.memory_space<hbm>>
      %dma_start3A_115 = arith.constant 0 : i32
      %dma_start3A_116 = tpu.memref_slice %arg5[%add3A, %run_scoped3A_104, %dma_start3A_115] : memref<32x16x4096xf32, #tpu.memory_space<hbm>> -> memref<1x1x4096xf32, #tpu.memory_space<hbm>>
      %dma_start3A_117 = tpu.memref_squeeze %dma_start3A_116 : memref<1x1x4096xf32, #tpu.memory_space<hbm>> -> memref<4096xf32, #tpu.memory_space<hbm>>
      tpu.enqueue_dma source(%arg19 : memref<4096xf32, #tpu.memory_space<vmem>>) target(%dma_start3A_117 : memref<4096xf32, #tpu.memory_space<hbm>>) target_semaphore(%run_scoped3A_111 : memref<!tpu.dma_semaphore, #tpu.memory_space<semaphore_mem>>)
      %dma_wait3A = arith.constant 0 : i32
      %dma_wait3A_118 = tpu.memref_slice %arg5[%add3A, %run_scoped3A_104, %dma_wait3A] : memref<32x16x4096xf32, #tpu.memory_space<hbm>> -> memref<1x1x4096xf32, #tpu.memory_space<hbm>>
      %dma_wait3A_119 = tpu.memref_squeeze %dma_wait3A_118 : memref<1x1x4096xf32, #tpu.memory_space<hbm>> -> memref<4096xf32, #tpu.memory_space<hbm>>
      %dma_wait3A_120 = arith.constant 0 : i32
      %dma_wait3A_121 = tpu.memref_slice %arg5[%add3A, %run_scoped3A_104, %dma_wait3A_120] : memref<32x16x4096xf32, #tpu.memory_space<hbm>> -> memref<1x1x4096xf32, #tpu.memory_space<hbm>>
      %dma_wait3A_122 = tpu.memref_squeeze %dma_wait3A_121 : memref<1x1x4096xf32, #tpu.memory_space<hbm>> -> memref<4096xf32, #tpu.memory_space<hbm>>
      tpu.wait_dma2 semaphore(%run_scoped3A_111 : memref<!tpu.dma_semaphore, #tpu.memory_space<semaphore_mem>>) src(%arg19 : memref<4096xf32, #tpu.memory_space<vmem>>) dst(%dma_wait3A_122 : memref<4096xf32, #tpu.memory_space<hbm>>)
      tpu.yield
    }) : () -> ()
    %run_scoped3A_105 = arith.constant 10 : i32
    "tpu.region"() ({
      %run_scoped3A_111 = tpu.sem_alloc : memref<!tpu.dma_semaphore, #tpu.memory_space<semaphore_mem>>
      %dma_start3A_112 = arith.constant 0 : i32
      %dma_start3A_113 = tpu.memref_slice %arg5[%add3A, %run_scoped3A_105, %dma_start3A_112] : memref<32x16x4096xf32, #tpu.memory_space<hbm>> -> memref<1x1x4096xf32, #tpu.memory_space<hbm>>
      %dma_start3A_114 = tpu.memref_squeeze %dma_start3A_113 : memref<1x1x4096xf32, #tpu.memory_space<hbm>> -> memref<4096xf32, #tpu.memory_space<hbm>>
      %dma_start3A_115 = arith.constant 0 : i32
      %dma_start3A_116 = tpu.memref_slice %arg5[%add3A, %run_scoped3A_105, %dma_start3A_115] : memref<32x16x4096xf32, #tpu.memory_space<hbm>> -> memref<1x1x4096xf32, #tpu.memory_space<hbm>>
      %dma_start3A_117 = tpu.memref_squeeze %dma_start3A_116 : memref<1x1x4096xf32, #tpu.memory_space<hbm>> -> memref<4096xf32, #tpu.memory_space<hbm>>
      tpu.enqueue_dma source(%arg20 : memref<4096xf32, #tpu.memory_space<vmem>>) target(%dma_start3A_117 : memref<4096xf32, #tpu.memory_space<hbm>>) target_semaphore(%run_scoped3A_111 : memref<!tpu.dma_semaphore, #tpu.memory_space<semaphore_mem>>)
      %dma_wait3A = arith.constant 0 : i32
      %dma_wait3A_118 = tpu.memref_slice %arg5[%add3A, %run_scoped3A_105, %dma_wait3A] : memref<32x16x4096xf32, #tpu.memory_space<hbm>> -> memref<1x1x4096xf32, #tpu.memory_space<hbm>>
      %dma_wait3A_119 = tpu.memref_squeeze %dma_wait3A_118 : memref<1x1x4096xf32, #tpu.memory_space<hbm>> -> memref<4096xf32, #tpu.memory_space<hbm>>
      %dma_wait3A_120 = arith.constant 0 : i32
      %dma_wait3A_121 = tpu.memref_slice %arg5[%add3A, %run_scoped3A_105, %dma_wait3A_120] : memref<32x16x4096xf32, #tpu.memory_space<hbm>> -> memref<1x1x4096xf32, #tpu.memory_space<hbm>>
      %dma_wait3A_122 = tpu.memref_squeeze %dma_wait3A_121 : memref<1x1x4096xf32, #tpu.memory_space<hbm>> -> memref<4096xf32, #tpu.memory_space<hbm>>
      tpu.wait_dma2 semaphore(%run_scoped3A_111 : memref<!tpu.dma_semaphore, #tpu.memory_space<semaphore_mem>>) src(%arg20 : memref<4096xf32, #tpu.memory_space<vmem>>) dst(%dma_wait3A_122 : memref<4096xf32, #tpu.memory_space<hbm>>)
      tpu.yield
    }) : () -> ()
    %run_scoped3A_106 = arith.constant 11 : i32
    "tpu.region"() ({
      %run_scoped3A_111 = tpu.sem_alloc : memref<!tpu.dma_semaphore, #tpu.memory_space<semaphore_mem>>
      %dma_start3A_112 = arith.constant 0 : i32
      %dma_start3A_113 = tpu.memref_slice %arg5[%add3A, %run_scoped3A_106, %dma_start3A_112] : memref<32x16x4096xf32, #tpu.memory_space<hbm>> -> memref<1x1x4096xf32, #tpu.memory_space<hbm>>
      %dma_start3A_114 = tpu.memref_squeeze %dma_start3A_113 : memref<1x1x4096xf32, #tpu.memory_space<hbm>> -> memref<4096xf32, #tpu.memory_space<hbm>>
      %dma_start3A_115 = arith.constant 0 : i32
      %dma_start3A_116 = tpu.memref_slice %arg5[%add3A, %run_scoped3A_106, %dma_start3A_115] : memref<32x16x4096xf32, #tpu.memory_space<hbm>> -> memref<1x1x4096xf32, #tpu.memory_space<hbm>>
      %dma_start3A_117 = tpu.memref_squeeze %dma_start3A_116 : memref<1x1x4096xf32, #tpu.memory_space<hbm>> -> memref<4096xf32, #tpu.memory_space<hbm>>
      tpu.enqueue_dma source(%arg21 : memref<4096xf32, #tpu.memory_space<vmem>>) target(%dma_start3A_117 : memref<4096xf32, #tpu.memory_space<hbm>>) target_semaphore(%run_scoped3A_111 : memref<!tpu.dma_semaphore, #tpu.memory_space<semaphore_mem>>)
      %dma_wait3A = arith.constant 0 : i32
      %dma_wait3A_118 = tpu.memref_slice %arg5[%add3A, %run_scoped3A_106, %dma_wait3A] : memref<32x16x4096xf32, #tpu.memory_space<hbm>> -> memref<1x1x4096xf32, #tpu.memory_space<hbm>>
      %dma_wait3A_119 = tpu.memref_squeeze %dma_wait3A_118 : memref<1x1x4096xf32, #tpu.memory_space<hbm>> -> memref<4096xf32, #tpu.memory_space<hbm>>
      %dma_wait3A_120 = arith.constant 0 : i32
      %dma_wait3A_121 = tpu.memref_slice %arg5[%add3A, %run_scoped3A_106, %dma_wait3A_120] : memref<32x16x4096xf32, #tpu.memory_space<hbm>> -> memref<1x1x4096xf32, #tpu.memory_space<hbm>>
      %dma_wait3A_122 = tpu.memref_squeeze %dma_wait3A_121 : memref<1x1x4096xf32, #tpu.memory_space<hbm>> -> memref<4096xf32, #tpu.memory_space<hbm>>
      tpu.wait_dma2 semaphore(%run_scoped3A_111 : memref<!tpu.dma_semaphore, #tpu.memory_space<semaphore_mem>>) src(%arg21 : memref<4096xf32, #tpu.memory_space<vmem>>) dst(%dma_wait3A_122 : memref<4096xf32, #tpu.memory_space<hbm>>)
      tpu.yield
    }) : () -> ()
    %run_scoped3A_107 = arith.constant 12 : i32
    "tpu.region"() ({
      %run_scoped3A_111 = tpu.sem_alloc : memref<!tpu.dma_semaphore, #tpu.memory_space<semaphore_mem>>
      %dma_start3A_112 = arith.constant 0 : i32
      %dma_start3A_113 = tpu.memref_slice %arg5[%add3A, %run_scoped3A_107, %dma_start3A_112] : memref<32x16x4096xf32, #tpu.memory_space<hbm>> -> memref<1x1x4096xf32, #tpu.memory_space<hbm>>
      %dma_start3A_114 = tpu.memref_squeeze %dma_start3A_113 : memref<1x1x4096xf32, #tpu.memory_space<hbm>> -> memref<4096xf32, #tpu.memory_space<hbm>>
      %dma_start3A_115 = arith.constant 0 : i32
      %dma_start3A_116 = tpu.memref_slice %arg5[%add3A, %run_scoped3A_107, %dma_start3A_115] : memref<32x16x4096xf32, #tpu.memory_space<hbm>> -> memref<1x1x4096xf32, #tpu.memory_space<hbm>>
      %dma_start3A_117 = tpu.memref_squeeze %dma_start3A_116 : memref<1x1x4096xf32, #tpu.memory_space<hbm>> -> memref<4096xf32, #tpu.memory_space<hbm>>
      tpu.enqueue_dma source(%arg22 : memref<4096xf32, #tpu.memory_space<vmem>>) target(%dma_start3A_117 : memref<4096xf32, #tpu.memory_space<hbm>>) target_semaphore(%run_scoped3A_111 : memref<!tpu.dma_semaphore, #tpu.memory_space<semaphore_mem>>)
      %dma_wait3A = arith.constant 0 : i32
      %dma_wait3A_118 = tpu.memref_slice %arg5[%add3A, %run_scoped3A_107, %dma_wait3A] : memref<32x16x4096xf32, #tpu.memory_space<hbm>> -> memref<1x1x4096xf32, #tpu.memory_space<hbm>>
      %dma_wait3A_119 = tpu.memref_squeeze %dma_wait3A_118 : memref<1x1x4096xf32, #tpu.memory_space<hbm>> -> memref<4096xf32, #tpu.memory_space<hbm>>
      %dma_wait3A_120 = arith.constant 0 : i32
      %dma_wait3A_121 = tpu.memref_slice %arg5[%add3A, %run_scoped3A_107, %dma_wait3A_120] : memref<32x16x4096xf32, #tpu.memory_space<hbm>> -> memref<1x1x4096xf32, #tpu.memory_space<hbm>>
      %dma_wait3A_122 = tpu.memref_squeeze %dma_wait3A_121 : memref<1x1x4096xf32, #tpu.memory_space<hbm>> -> memref<4096xf32, #tpu.memory_space<hbm>>
      tpu.wait_dma2 semaphore(%run_scoped3A_111 : memref<!tpu.dma_semaphore, #tpu.memory_space<semaphore_mem>>) src(%arg22 : memref<4096xf32, #tpu.memory_space<vmem>>) dst(%dma_wait3A_122 : memref<4096xf32, #tpu.memory_space<hbm>>)
      tpu.yield
    }) : () -> ()
    %run_scoped3A_108 = arith.constant 13 : i32
    "tpu.region"() ({
      %run_scoped3A_111 = tpu.sem_alloc : memref<!tpu.dma_semaphore, #tpu.memory_space<semaphore_mem>>
      %dma_start3A_112 = arith.constant 0 : i32
      %dma_start3A_113 = tpu.memref_slice %arg5[%add3A, %run_scoped3A_108, %dma_start3A_112] : memref<32x16x4096xf32, #tpu.memory_space<hbm>> -> memref<1x1x4096xf32, #tpu.memory_space<hbm>>
      %dma_start3A_114 = tpu.memref_squeeze %dma_start3A_113 : memref<1x1x4096xf32, #tpu.memory_space<hbm>> -> memref<4096xf32, #tpu.memory_space<hbm>>
      %dma_start3A_115 = arith.constant 0 : i32
      %dma_start3A_116 = tpu.memref_slice %arg5[%add3A, %run_scoped3A_108, %dma_start3A_115] : memref<32x16x4096xf32, #tpu.memory_space<hbm>> -> memref<1x1x4096xf32, #tpu.memory_space<hbm>>
      %dma_start3A_117 = tpu.memref_squeeze %dma_start3A_116 : memref<1x1x4096xf32, #tpu.memory_space<hbm>> -> memref<4096xf32, #tpu.memory_space<hbm>>
      tpu.enqueue_dma source(%arg23 : memref<4096xf32, #tpu.memory_space<vmem>>) target(%dma_start3A_117 : memref<4096xf32, #tpu.memory_space<hbm>>) target_semaphore(%run_scoped3A_111 : memref<!tpu.dma_semaphore, #tpu.memory_space<semaphore_mem>>)
      %dma_wait3A = arith.constant 0 : i32
      %dma_wait3A_118 = tpu.memref_slice %arg5[%add3A, %run_scoped3A_108, %dma_wait3A] : memref<32x16x4096xf32, #tpu.memory_space<hbm>> -> memref<1x1x4096xf32, #tpu.memory_space<hbm>>
      %dma_wait3A_119 = tpu.memref_squeeze %dma_wait3A_118 : memref<1x1x4096xf32, #tpu.memory_space<hbm>> -> memref<4096xf32, #tpu.memory_space<hbm>>
      %dma_wait3A_120 = arith.constant 0 : i32
      %dma_wait3A_121 = tpu.memref_slice %arg5[%add3A, %run_scoped3A_108, %dma_wait3A_120] : memref<32x16x4096xf32, #tpu.memory_space<hbm>> -> memref<1x1x4096xf32, #tpu.memory_space<hbm>>
      %dma_wait3A_122 = tpu.memref_squeeze %dma_wait3A_121 : memref<1x1x4096xf32, #tpu.memory_space<hbm>> -> memref<4096xf32, #tpu.memory_space<hbm>>
      tpu.wait_dma2 semaphore(%run_scoped3A_111 : memref<!tpu.dma_semaphore, #tpu.memory_space<semaphore_mem>>) src(%arg23 : memref<4096xf32, #tpu.memory_space<vmem>>) dst(%dma_wait3A_122 : memref<4096xf32, #tpu.memory_space<hbm>>)
      tpu.yield
    }) : () -> ()
    %run_scoped3A_109 = arith.constant 14 : i32
    "tpu.region"() ({
      %run_scoped3A_111 = tpu.sem_alloc : memref<!tpu.dma_semaphore, #tpu.memory_space<semaphore_mem>>
      %dma_start3A_112 = arith.constant 0 : i32
      %dma_start3A_113 = tpu.memref_slice %arg5[%add3A, %run_scoped3A_109, %dma_start3A_112] : memref<32x16x4096xf32, #tpu.memory_space<hbm>> -> memref<1x1x4096xf32, #tpu.memory_space<hbm>>
      %dma_start3A_114 = tpu.memref_squeeze %dma_start3A_113 : memref<1x1x4096xf32, #tpu.memory_space<hbm>> -> memref<4096xf32, #tpu.memory_space<hbm>>
      %dma_start3A_115 = arith.constant 0 : i32
      %dma_start3A_116 = tpu.memref_slice %arg5[%add3A, %run_scoped3A_109, %dma_start3A_115] : memref<32x16x4096xf32, #tpu.memory_space<hbm>> -> memref<1x1x4096xf32, #tpu.memory_space<hbm>>
      %dma_start3A_117 = tpu.memref_squeeze %dma_start3A_116 : memref<1x1x4096xf32, #tpu.memory_space<hbm>> -> memref<4096xf32, #tpu.memory_space<hbm>>
      tpu.enqueue_dma source(%arg24 : memref<4096xf32, #tpu.memory_space<vmem>>) target(%dma_start3A_117 : memref<4096xf32, #tpu.memory_space<hbm>>) target_semaphore(%run_scoped3A_111 : memref<!tpu.dma_semaphore, #tpu.memory_space<semaphore_mem>>)
      %dma_wait3A = arith.constant 0 : i32
      %dma_wait3A_118 = tpu.memref_slice %arg5[%add3A, %run_scoped3A_109, %dma_wait3A] : memref<32x16x4096xf32, #tpu.memory_space<hbm>> -> memref<1x1x4096xf32, #tpu.memory_space<hbm>>
      %dma_wait3A_119 = tpu.memref_squeeze %dma_wait3A_118 : memref<1x1x4096xf32, #tpu.memory_space<hbm>> -> memref<4096xf32, #tpu.memory_space<hbm>>
      %dma_wait3A_120 = arith.constant 0 : i32
      %dma_wait3A_121 = tpu.memref_slice %arg5[%add3A, %run_scoped3A_109, %dma_wait3A_120] : memref<32x16x4096xf32, #tpu.memory_space<hbm>> -> memref<1x1x4096xf32, #tpu.memory_space<hbm>>
      %dma_wait3A_122 = tpu.memref_squeeze %dma_wait3A_121 : memref<1x1x4096xf32, #tpu.memory_space<hbm>> -> memref<4096xf32, #tpu.memory_space<hbm>>
      tpu.wait_dma2 semaphore(%run_scoped3A_111 : memref<!tpu.dma_semaphore, #tpu.memory_space<semaphore_mem>>) src(%arg24 : memref<4096xf32, #tpu.memory_space<vmem>>) dst(%dma_wait3A_122 : memref<4096xf32, #tpu.memory_space<hbm>>)
      tpu.yield
    }) : () -> ()
    %run_scoped3A_110 = arith.constant 15 : i32
    "tpu.region"() ({
      %run_scoped3A_111 = tpu.sem_alloc : memref<!tpu.dma_semaphore, #tpu.memory_space<semaphore_mem>>
      %dma_start3A_112 = arith.constant 0 : i32
      %dma_start3A_113 = tpu.memref_slice %arg5[%add3A, %run_scoped3A_110, %dma_start3A_112] : memref<32x16x4096xf32, #tpu.memory_space<hbm>> -> memref<1x1x4096xf32, #tpu.memory_space<hbm>>
      %dma_start3A_114 = tpu.memref_squeeze %dma_start3A_113 : memref<1x1x4096xf32, #tpu.memory_space<hbm>> -> memref<4096xf32, #tpu.memory_space<hbm>>
      %dma_start3A_115 = arith.constant 0 : i32
      %dma_start3A_116 = tpu.memref_slice %arg5[%add3A, %run_scoped3A_110, %dma_start3A_115] : memref<32x16x4096xf32, #tpu.memory_space<hbm>> -> memref<1x1x4096xf32, #tpu.memory_space<hbm>>
      %dma_start3A_117 = tpu.memref_squeeze %dma_start3A_116 : memref<1x1x4096xf32, #tpu.memory_space<hbm>> -> memref<4096xf32, #tpu.memory_space<hbm>>
      tpu.enqueue_dma source(%arg25 : memref<4096xf32, #tpu.memory_space<vmem>>) target(%dma_start3A_117 : memref<4096xf32, #tpu.memory_space<hbm>>) target_semaphore(%run_scoped3A_111 : memref<!tpu.dma_semaphore, #tpu.memory_space<semaphore_mem>>)
      %dma_wait3A = arith.constant 0 : i32
      %dma_wait3A_118 = tpu.memref_slice %arg5[%add3A, %run_scoped3A_110, %dma_wait3A] : memref<32x16x4096xf32, #tpu.memory_space<hbm>> -> memref<1x1x4096xf32, #tpu.memory_space<hbm>>
      %dma_wait3A_119 = tpu.memref_squeeze %dma_wait3A_118 : memref<1x1x4096xf32, #tpu.memory_space<hbm>> -> memref<4096xf32, #tpu.memory_space<hbm>>
      %dma_wait3A_120 = arith.constant 0 : i32
      %dma_wait3A_121 = tpu.memref_slice %arg5[%add3A, %run_scoped3A_110, %dma_wait3A_120] : memref<32x16x4096xf32, #tpu.memory_space<hbm>> -> memref<1x1x4096xf32, #tpu.memory_space<hbm>>
      %dma_wait3A_122 = tpu.memref_squeeze %dma_wait3A_121 : memref<1x1x4096xf32, #tpu.memory_space<hbm>> -> memref<4096xf32, #tpu.memory_space<hbm>>
      tpu.wait_dma2 semaphore(%run_scoped3A_111 : memref<!tpu.dma_semaphore, #tpu.memory_space<semaphore_mem>>) src(%arg25 : memref<4096xf32, #tpu.memory_space<vmem>>) dst(%dma_wait3A_122 : memref<4096xf32, #tpu.memory_space<hbm>>)
      tpu.yield
    }) : () -> ()
    return
  }
}

module attributes {stable_mosaic.version = 14 : i64} {
  func.func @_tc_body(%arg0: memref<64x8x4096xf32, #tpu.memory_space<vmem>>, %arg1: memref<128x256xf32, #tpu.memory_space<vmem>>) attributes {dimension_semantics = [], scalar_prefetch = 0 : i64, scratch_operands = 0 : i64, tpu.core_type = #tpu.core_type<tc>} {
    %get3A = arith.constant 0 : index
    %get3A_0 = arith.constant 0 : index
    %get3A_1 = arith.constant 0 : index
    %get3A_2 = vector.load %arg0[%get3A, %get3A_0, %get3A_1] : memref<64x8x4096xf32, #tpu.memory_space<vmem>>, vector<64x8x4096xf32>
    %reduce_sum3A = arith.constant dense<0.000000e+00> : vector<8x4096xf32>
    %reduce_sum3A_3 = vector.multi_reduction <add>, %get3A_2, %reduce_sum3A [0] : vector<64x8x4096xf32> to vector<8x4096xf32>
    %iota3A = tpu.iota {dimensions = array<i32: 0>} : vector<256x256xi32>
    %iota3A_4 = tpu.iota {dimensions = array<i32: 1>} : vector<256x256xi32>
    %gt3A = arith.cmpi sgt, %iota3A, %iota3A_4 : vector<256x256xi32>
    %convert_element_type3A = arith.extui %gt3A : vector<256x256xi1> to vector<256x256xi32>
    %convert_element_type3A_5 = arith.sitofp %convert_element_type3A : vector<256x256xi32> to vector<256x256xf32>
    %slice3A = vector.extract_strided_slice %reduce_sum3A_3 {offsets = [0, 0], sizes = [8, 256], strides = [1, 1]} : vector<8x4096xf32> to vector<8x256xf32>
    %dot_general3A = arith.constant dense<0.000000e+00> : vector<8x256xf32>
    %dot_general3A_6 = tpu.matmul %slice3A, %convert_element_type3A_5, %dot_general3A {dimension_numbers = #tpu.dot_dimension_numbers<[1], [0], [0], [1], [0, 0, 1, 1], [], []>, precision = #tpu.contract_precision<fp32>, transpose_lhs_hint = false} : vector<8x256xf32>, vector<256x256xf32>, vector<8x256xf32> -> vector<8x256xf32>
    %swap3A = arith.constant 0 : index
    %swap3A_7 = arith.constant 0 : index
    %swap3A_8 = vector.load %arg1[%swap3A, %swap3A_7] : memref<128x256xf32, #tpu.memory_space<vmem>>, vector<8x256xf32>
    tpu.vector_store %arg1[%swap3A, %swap3A_7], %dot_general3A_6 {strides = array<i32>} : memref<128x256xf32, #tpu.memory_space<vmem>>, vector<8x256xf32>,
    %slice3A_9 = vector.extract_strided_slice %reduce_sum3A_3 {offsets = [0, 256], sizes = [8, 256], strides = [1, 1]} : vector<8x4096xf32> to vector<8x256xf32>
    %dot_general3A_10 = arith.constant dense<0.000000e+00> : vector<8x256xf32>
    %dot_general3A_11 = tpu.matmul %slice3A_9, %convert_element_type3A_5, %dot_general3A_10 {dimension_numbers = #tpu.dot_dimension_numbers<[1], [0], [0], [1], [0, 0, 1, 1], [], []>, precision = #tpu.contract_precision<fp32>, transpose_lhs_hint = false} : vector<8x256xf32>, vector<256x256xf32>, vector<8x256xf32> -> vector<8x256xf32>
    %swap3A_12 = arith.constant 8 : index
    %swap3A_13 = arith.constant 0 : index
    %swap3A_14 = vector.load %arg1[%swap3A_12, %swap3A_13] : memref<128x256xf32, #tpu.memory_space<vmem>>, vector<8x256xf32>
    tpu.vector_store %arg1[%swap3A_12, %swap3A_13], %dot_general3A_11 {strides = array<i32>} : memref<128x256xf32, #tpu.memory_space<vmem>>, vector<8x256xf32>,
    %slice3A_15 = vector.extract_strided_slice %reduce_sum3A_3 {offsets = [0, 512], sizes = [8, 256], strides = [1, 1]} : vector<8x4096xf32> to vector<8x256xf32>
    %dot_general3A_16 = arith.constant dense<0.000000e+00> : vector<8x256xf32>
    %dot_general3A_17 = tpu.matmul %slice3A_15, %convert_element_type3A_5, %dot_general3A_16 {dimension_numbers = #tpu.dot_dimension_numbers<[1], [0], [0], [1], [0, 0, 1, 1], [], []>, precision = #tpu.contract_precision<fp32>, transpose_lhs_hint = false} : vector<8x256xf32>, vector<256x256xf32>, vector<8x256xf32> -> vector<8x256xf32>
    %swap3A_18 = arith.constant 16 : index
    %swap3A_19 = arith.constant 0 : index
    %swap3A_20 = vector.load %arg1[%swap3A_18, %swap3A_19] : memref<128x256xf32, #tpu.memory_space<vmem>>, vector<8x256xf32>
    tpu.vector_store %arg1[%swap3A_18, %swap3A_19], %dot_general3A_17 {strides = array<i32>} : memref<128x256xf32, #tpu.memory_space<vmem>>, vector<8x256xf32>,
    %slice3A_21 = vector.extract_strided_slice %reduce_sum3A_3 {offsets = [0, 768], sizes = [8, 256], strides = [1, 1]} : vector<8x4096xf32> to vector<8x256xf32>
    %dot_general3A_22 = arith.constant dense<0.000000e+00> : vector<8x256xf32>
    %dot_general3A_23 = tpu.matmul %slice3A_21, %convert_element_type3A_5, %dot_general3A_22 {dimension_numbers = #tpu.dot_dimension_numbers<[1], [0], [0], [1], [0, 0, 1, 1], [], []>, precision = #tpu.contract_precision<fp32>, transpose_lhs_hint = false} : vector<8x256xf32>, vector<256x256xf32>, vector<8x256xf32> -> vector<8x256xf32>
    %swap3A_24 = arith.constant 24 : index
    %swap3A_25 = arith.constant 0 : index
    %swap3A_26 = vector.load %arg1[%swap3A_24, %swap3A_25] : memref<128x256xf32, #tpu.memory_space<vmem>>, vector<8x256xf32>
    tpu.vector_store %arg1[%swap3A_24, %swap3A_25], %dot_general3A_23 {strides = array<i32>} : memref<128x256xf32, #tpu.memory_space<vmem>>, vector<8x256xf32>,
    %slice3A_27 = vector.extract_strided_slice %reduce_sum3A_3 {offsets = [0, 1024], sizes = [8, 256], strides = [1, 1]} : vector<8x4096xf32> to vector<8x256xf32>
    %dot_general3A_28 = arith.constant dense<0.000000e+00> : vector<8x256xf32>
    %dot_general3A_29 = tpu.matmul %slice3A_27, %convert_element_type3A_5, %dot_general3A_28 {dimension_numbers = #tpu.dot_dimension_numbers<[1], [0], [0], [1], [0, 0, 1, 1], [], []>, precision = #tpu.contract_precision<fp32>, transpose_lhs_hint = false} : vector<8x256xf32>, vector<256x256xf32>, vector<8x256xf32> -> vector<8x256xf32>
    %swap3A_30 = arith.constant 32 : index
    %swap3A_31 = arith.constant 0 : index
    %swap3A_32 = vector.load %arg1[%swap3A_30, %swap3A_31] : memref<128x256xf32, #tpu.memory_space<vmem>>, vector<8x256xf32>
    tpu.vector_store %arg1[%swap3A_30, %swap3A_31], %dot_general3A_29 {strides = array<i32>} : memref<128x256xf32, #tpu.memory_space<vmem>>, vector<8x256xf32>,
    %slice3A_33 = vector.extract_strided_slice %reduce_sum3A_3 {offsets = [0, 1280], sizes = [8, 256], strides = [1, 1]} : vector<8x4096xf32> to vector<8x256xf32>
    %dot_general3A_34 = arith.constant dense<0.000000e+00> : vector<8x256xf32>
    %dot_general3A_35 = tpu.matmul %slice3A_33, %convert_element_type3A_5, %dot_general3A_34 {dimension_numbers = #tpu.dot_dimension_numbers<[1], [0], [0], [1], [0, 0, 1, 1], [], []>, precision = #tpu.contract_precision<fp32>, transpose_lhs_hint = false} : vector<8x256xf32>, vector<256x256xf32>, vector<8x256xf32> -> vector<8x256xf32>
    %swap3A_36 = arith.constant 40 : index
    %swap3A_37 = arith.constant 0 : index
    %swap3A_38 = vector.load %arg1[%swap3A_36, %swap3A_37] : memref<128x256xf32, #tpu.memory_space<vmem>>, vector<8x256xf32>
    tpu.vector_store %arg1[%swap3A_36, %swap3A_37], %dot_general3A_35 {strides = array<i32>} : memref<128x256xf32, #tpu.memory_space<vmem>>, vector<8x256xf32>,
    %slice3A_39 = vector.extract_strided_slice %reduce_sum3A_3 {offsets = [0, 1536], sizes = [8, 256], strides = [1, 1]} : vector<8x4096xf32> to vector<8x256xf32>
    %dot_general3A_40 = arith.constant dense<0.000000e+00> : vector<8x256xf32>
    %dot_general3A_41 = tpu.matmul %slice3A_39, %convert_element_type3A_5, %dot_general3A_40 {dimension_numbers = #tpu.dot_dimension_numbers<[1], [0], [0], [1], [0, 0, 1, 1], [], []>, precision = #tpu.contract_precision<fp32>, transpose_lhs_hint = false} : vector<8x256xf32>, vector<256x256xf32>, vector<8x256xf32> -> vector<8x256xf32>
    %swap3A_42 = arith.constant 48 : index
    %swap3A_43 = arith.constant 0 : index
    %swap3A_44 = vector.load %arg1[%swap3A_42, %swap3A_43] : memref<128x256xf32, #tpu.memory_space<vmem>>, vector<8x256xf32>
    tpu.vector_store %arg1[%swap3A_42, %swap3A_43], %dot_general3A_41 {strides = array<i32>} : memref<128x256xf32, #tpu.memory_space<vmem>>, vector<8x256xf32>,
    %slice3A_45 = vector.extract_strided_slice %reduce_sum3A_3 {offsets = [0, 1792], sizes = [8, 256], strides = [1, 1]} : vector<8x4096xf32> to vector<8x256xf32>
    %dot_general3A_46 = arith.constant dense<0.000000e+00> : vector<8x256xf32>
    %dot_general3A_47 = tpu.matmul %slice3A_45, %convert_element_type3A_5, %dot_general3A_46 {dimension_numbers = #tpu.dot_dimension_numbers<[1], [0], [0], [1], [0, 0, 1, 1], [], []>, precision = #tpu.contract_precision<fp32>, transpose_lhs_hint = false} : vector<8x256xf32>, vector<256x256xf32>, vector<8x256xf32> -> vector<8x256xf32>
    %swap3A_48 = arith.constant 56 : index
    %swap3A_49 = arith.constant 0 : index
    %swap3A_50 = vector.load %arg1[%swap3A_48, %swap3A_49] : memref<128x256xf32, #tpu.memory_space<vmem>>, vector<8x256xf32>
    tpu.vector_store %arg1[%swap3A_48, %swap3A_49], %dot_general3A_47 {strides = array<i32>} : memref<128x256xf32, #tpu.memory_space<vmem>>, vector<8x256xf32>,
    %slice3A_51 = vector.extract_strided_slice %reduce_sum3A_3 {offsets = [0, 2048], sizes = [8, 256], strides = [1, 1]} : vector<8x4096xf32> to vector<8x256xf32>
    %dot_general3A_52 = arith.constant dense<0.000000e+00> : vector<8x256xf32>
    %dot_general3A_53 = tpu.matmul %slice3A_51, %convert_element_type3A_5, %dot_general3A_52 {dimension_numbers = #tpu.dot_dimension_numbers<[1], [0], [0], [1], [0, 0, 1, 1], [], []>, precision = #tpu.contract_precision<fp32>, transpose_lhs_hint = false} : vector<8x256xf32>, vector<256x256xf32>, vector<8x256xf32> -> vector<8x256xf32>
    %swap3A_54 = arith.constant 64 : index
    %swap3A_55 = arith.constant 0 : index
    %swap3A_56 = vector.load %arg1[%swap3A_54, %swap3A_55] : memref<128x256xf32, #tpu.memory_space<vmem>>, vector<8x256xf32>
    tpu.vector_store %arg1[%swap3A_54, %swap3A_55], %dot_general3A_53 {strides = array<i32>} : memref<128x256xf32, #tpu.memory_space<vmem>>, vector<8x256xf32>,
    %slice3A_57 = vector.extract_strided_slice %reduce_sum3A_3 {offsets = [0, 2304], sizes = [8, 256], strides = [1, 1]} : vector<8x4096xf32> to vector<8x256xf32>
    %dot_general3A_58 = arith.constant dense<0.000000e+00> : vector<8x256xf32>
    %dot_general3A_59 = tpu.matmul %slice3A_57, %convert_element_type3A_5, %dot_general3A_58 {dimension_numbers = #tpu.dot_dimension_numbers<[1], [0], [0], [1], [0, 0, 1, 1], [], []>, precision = #tpu.contract_precision<fp32>, transpose_lhs_hint = false} : vector<8x256xf32>, vector<256x256xf32>, vector<8x256xf32> -> vector<8x256xf32>
    %swap3A_60 = arith.constant 72 : index
    %swap3A_61 = arith.constant 0 : index
    %swap3A_62 = vector.load %arg1[%swap3A_60, %swap3A_61] : memref<128x256xf32, #tpu.memory_space<vmem>>, vector<8x256xf32>
    tpu.vector_store %arg1[%swap3A_60, %swap3A_61], %dot_general3A_59 {strides = array<i32>} : memref<128x256xf32, #tpu.memory_space<vmem>>, vector<8x256xf32>,
    %slice3A_63 = vector.extract_strided_slice %reduce_sum3A_3 {offsets = [0, 2560], sizes = [8, 256], strides = [1, 1]} : vector<8x4096xf32> to vector<8x256xf32>
    %dot_general3A_64 = arith.constant dense<0.000000e+00> : vector<8x256xf32>
    %dot_general3A_65 = tpu.matmul %slice3A_63, %convert_element_type3A_5, %dot_general3A_64 {dimension_numbers = #tpu.dot_dimension_numbers<[1], [0], [0], [1], [0, 0, 1, 1], [], []>, precision = #tpu.contract_precision<fp32>, transpose_lhs_hint = false} : vector<8x256xf32>, vector<256x256xf32>, vector<8x256xf32> -> vector<8x256xf32>
    %swap3A_66 = arith.constant 80 : index
    %swap3A_67 = arith.constant 0 : index
    %swap3A_68 = vector.load %arg1[%swap3A_66, %swap3A_67] : memref<128x256xf32, #tpu.memory_space<vmem>>, vector<8x256xf32>
    tpu.vector_store %arg1[%swap3A_66, %swap3A_67], %dot_general3A_65 {strides = array<i32>} : memref<128x256xf32, #tpu.memory_space<vmem>>, vector<8x256xf32>,
    %slice3A_69 = vector.extract_strided_slice %reduce_sum3A_3 {offsets = [0, 2816], sizes = [8, 256], strides = [1, 1]} : vector<8x4096xf32> to vector<8x256xf32>
    %dot_general3A_70 = arith.constant dense<0.000000e+00> : vector<8x256xf32>
    %dot_general3A_71 = tpu.matmul %slice3A_69, %convert_element_type3A_5, %dot_general3A_70 {dimension_numbers = #tpu.dot_dimension_numbers<[1], [0], [0], [1], [0, 0, 1, 1], [], []>, precision = #tpu.contract_precision<fp32>, transpose_lhs_hint = false} : vector<8x256xf32>, vector<256x256xf32>, vector<8x256xf32> -> vector<8x256xf32>
    %swap3A_72 = arith.constant 88 : index
    %swap3A_73 = arith.constant 0 : index
    %swap3A_74 = vector.load %arg1[%swap3A_72, %swap3A_73] : memref<128x256xf32, #tpu.memory_space<vmem>>, vector<8x256xf32>
    tpu.vector_store %arg1[%swap3A_72, %swap3A_73], %dot_general3A_71 {strides = array<i32>} : memref<128x256xf32, #tpu.memory_space<vmem>>, vector<8x256xf32>,
    %slice3A_75 = vector.extract_strided_slice %reduce_sum3A_3 {offsets = [0, 3072], sizes = [8, 256], strides = [1, 1]} : vector<8x4096xf32> to vector<8x256xf32>
    %dot_general3A_76 = arith.constant dense<0.000000e+00> : vector<8x256xf32>
    %dot_general3A_77 = tpu.matmul %slice3A_75, %convert_element_type3A_5, %dot_general3A_76 {dimension_numbers = #tpu.dot_dimension_numbers<[1], [0], [0], [1], [0, 0, 1, 1], [], []>, precision = #tpu.contract_precision<fp32>, transpose_lhs_hint = false} : vector<8x256xf32>, vector<256x256xf32>, vector<8x256xf32> -> vector<8x256xf32>
    %swap3A_78 = arith.constant 96 : index
    %swap3A_79 = arith.constant 0 : index
    %swap3A_80 = vector.load %arg1[%swap3A_78, %swap3A_79] : memref<128x256xf32, #tpu.memory_space<vmem>>, vector<8x256xf32>
    tpu.vector_store %arg1[%swap3A_78, %swap3A_79], %dot_general3A_77 {strides = array<i32>} : memref<128x256xf32, #tpu.memory_space<vmem>>, vector<8x256xf32>,
    %slice3A_81 = vector.extract_strided_slice %reduce_sum3A_3 {offsets = [0, 3328], sizes = [8, 256], strides = [1, 1]} : vector<8x4096xf32> to vector<8x256xf32>
    %dot_general3A_82 = arith.constant dense<0.000000e+00> : vector<8x256xf32>
    %dot_general3A_83 = tpu.matmul %slice3A_81, %convert_element_type3A_5, %dot_general3A_82 {dimension_numbers = #tpu.dot_dimension_numbers<[1], [0], [0], [1], [0, 0, 1, 1], [], []>, precision = #tpu.contract_precision<fp32>, transpose_lhs_hint = false} : vector<8x256xf32>, vector<256x256xf32>, vector<8x256xf32> -> vector<8x256xf32>
    %swap3A_84 = arith.constant 104 : index
    %swap3A_85 = arith.constant 0 : index
    %swap3A_86 = vector.load %arg1[%swap3A_84, %swap3A_85] : memref<128x256xf32, #tpu.memory_space<vmem>>, vector<8x256xf32>
    tpu.vector_store %arg1[%swap3A_84, %swap3A_85], %dot_general3A_83 {strides = array<i32>} : memref<128x256xf32, #tpu.memory_space<vmem>>, vector<8x256xf32>,
    %slice3A_87 = vector.extract_strided_slice %reduce_sum3A_3 {offsets = [0, 3584], sizes = [8, 256], strides = [1, 1]} : vector<8x4096xf32> to vector<8x256xf32>
    %dot_general3A_88 = arith.constant dense<0.000000e+00> : vector<8x256xf32>
    %dot_general3A_89 = tpu.matmul %slice3A_87, %convert_element_type3A_5, %dot_general3A_88 {dimension_numbers = #tpu.dot_dimension_numbers<[1], [0], [0], [1], [0, 0, 1, 1], [], []>, precision = #tpu.contract_precision<fp32>, transpose_lhs_hint = false} : vector<8x256xf32>, vector<256x256xf32>, vector<8x256xf32> -> vector<8x256xf32>
    %swap3A_90 = arith.constant 112 : index
    %swap3A_91 = arith.constant 0 : index
    %swap3A_92 = vector.load %arg1[%swap3A_90, %swap3A_91] : memref<128x256xf32, #tpu.memory_space<vmem>>, vector<8x256xf32>
    tpu.vector_store %arg1[%swap3A_90, %swap3A_91], %dot_general3A_89 {strides = array<i32>} : memref<128x256xf32, #tpu.memory_space<vmem>>, vector<8x256xf32>,
    %slice3A_93 = vector.extract_strided_slice %reduce_sum3A_3 {offsets = [0, 3840], sizes = [8, 256], strides = [1, 1]} : vector<8x4096xf32> to vector<8x256xf32>
    %dot_general3A_94 = arith.constant dense<0.000000e+00> : vector<8x256xf32>
    %dot_general3A_95 = tpu.matmul %slice3A_93, %convert_element_type3A_5, %dot_general3A_94 {dimension_numbers = #tpu.dot_dimension_numbers<[1], [0], [0], [1], [0, 0, 1, 1], [], []>, precision = #tpu.contract_precision<fp32>, transpose_lhs_hint = false} : vector<8x256xf32>, vector<256x256xf32>, vector<8x256xf32> -> vector<8x256xf32>
    %swap3A_96 = arith.constant 120 : index
    %swap3A_97 = arith.constant 0 : index
    %swap3A_98 = vector.load %arg1[%swap3A_96, %swap3A_97] : memref<128x256xf32, #tpu.memory_space<vmem>>, vector<8x256xf32>
    tpu.vector_store %arg1[%swap3A_96, %swap3A_97], %dot_general3A_95 {strides = array<i32>} : memref<128x256xf32, #tpu.memory_space<vmem>>, vector<8x256xf32>,
    return
  }
}

</mosaic_0001>

<sc_bundles>
// kernel: kernel.4.cloned.1.call-start
scs
__scs_entry_jumppad:
0x0: {  	(pc) =	sbr.rel $0x88, $3  }
0x1: {  	(tag) =	ssettag $0x0;
	lr =	simm.s32 $0x1  }
0x2: {  	[smem:$0x3F9E] =	sst lr;
	_ =	strace $0xD0000000  }
0x3: {  	_ = 	snop  }
0x4: {  	_ = 	snop  }
0x5: {  	_ = 	snop  }
0x6: {  	_ = 	snop  }
0x7: {  	_ = 	snop  }
__scs_overlays_trampoline_lowered:
0x8: {  	[smem:$0x3FAD] =	sst s0  }
0x9: {  	[smem:$0x3FAE] =	sst s1  }
0xa: {  	[smem:$0x3FAF] =	sst s2  }
0xb: {  	[smem:$0x3FB0] =	sst s3  }
0xc: {  	[smem:$0x3FB1] =	sst s4  }
0xd: {  	[smem:$0x3FB2] =	sst s5  }
0xe: {  	[smem:$0x3FB3] =	sst s6  }
0xf: {  	[smem:$0x3FB4] =	sst s7  }
0x10: {  	[smem:$0x3FB5] =	sst s8  }
0x11: {  	[smem:$0x3FB6] =	sst s9;
	s0 =	simm.s32 @!p0 $0x0  }
0x12: {  	s1 =	sld [smem:$0x3F9C];
	s0 =	simm.s32 @p0 $0x1  }
0x13: {  	[smem:$0x3FB7] =	sst s0;
	s0 =	simm.s32 @!p1 $0x0  }
0x14: {  	s2 =	sld [smem:$0x3F9B];
	s0 =	simm.s32 @p1 $0x1  }
0x15: {  	[smem:$0x3FB8] =	sst s0;
	s0 =	simm.s32 @!p2 $0x0  }
0x16: {  	s3 =	sld [smem:$0x3FDB];
	s0 =	simm.s32 @p2 $0x1  }
0x17: {  	s4 =	simm.s32 $0x1BF5;
	[smem:$0x3FBA] =	sst s0  }
0x18: {  	s0 =	sld [smem:$0x3F9D];
	_ =	swait.ge [sflag:s4], $0x0  }
0x19: {  	s7 =	sld [smem:$0x3F9E]  }
0x1a: {  	s8 =	sadd.s32 $0xFFFFE003, lr  }
0x1b: {  	s9 =	sadd.s32 $0xFFFFFEF7, lr;
	s5 =	simm.s32 $0xFFFFFFFF;
	p2 =	slt.u32 s8, $0xFFFFF086  }
0x1c: {  	p1 =	slt.u32 s9, $0xF7A;
	s5 =	simm.s32 @!p2 $0x0  }
0x1d: {  	s5 =	simm.s32 @p1 $0x1;
	p0 =	seq.s32 s7, s2  }
0x1e: {  	s7 =	smul.u32 @!p0 $0xF7A, s2;
	p2 =	seq.s32 @!p0 s5, $0x0  }
0x1f: {  	s9 =	smul.u32 $0xF7A, s1;
	s8 =	simm.s32 @!p0 $0x1BF5;
	p2 =	por !p2, p0  }
0x20: {  	[sflag:s8] =	ssyncset.s32 @!p0 $0xFFFFF086;
	s6 =	sadd.s32 @!p0 s3, s7;
	s7 =	simm.s32 @!p0 $0x108  }
0x21: {  	s3 =	sadd.s32 s3, s9;
	s6 =	sadd.s32 @!p0 $0x88, s6;
	s7 =	simm.s32 @p2 $0x1082  }
0x22: {  	[simem:s7], [sflag:s8] =	dma.local @!p0 [hbm:s6], $0xF7A  }
0x23: {  	s9 =	sor.u32 $0xD0000000, s2;
	s6 =	simm.s32 $0x108;
	_ =	swait.ge @!p0 [sflag:s8], $0x0  }
0x24: {  	s3 =	sadd.s32 $0x88, s3;
	s6 =	simm.s32 @!p1 $0x1082;
	[sflag:s4] =	ssyncset.s32 $0xFFFFF086  }
0x25: {  	[simem:s6], [sflag:s4] =	dma.local [hbm:s3], $0xF7A  }
0x26: {  	[smem:$0x3F9E] =	sst s1;
	(tag) =	ssettag s2;
	_ =	strace s9  }
0x27: {  	s1 =	sld [smem:$0x3FAE]  }
0x28: {  	s2 =	sld [smem:$0x3FAF]  }
0x29: {  	s4 =	sld [smem:$0x3FB1]  }
0x2a: {  	p0 =	seq.s32 s5, $0x0;
	s5 =	sld [smem:$0x3FB2]  }
0x2b: {  	s6 =	sld [smem:$0x3FB3]  }
0x2c: {  	s7 =	sld [smem:$0x3FB4]  }
0x2d: {  	s3 =	simm.s32 $0x108;
	s8 =	sld [smem:$0x3FB5]  }
0x2e: {  	s3 =	simm.s32 @!p0 $0x1082;
	s9 =	sld [smem:$0x3FB6]  }
0x2f: {  	lr =	sadd.s32 s0, s3;
	s0 =	sld [smem:$0x3FAD]  }
0x30: {  	s3 =	sld [smem:$0x3FB0]  }
0x31: {  	[smem:$0x3FB9] =	sst s10  }
0x32: {  	s10 =	sld [smem:$0x3FB7];
	_ =	sdelay $0x3  }
0x33: {  	p0 =	seq.s32 s10, $0x1;
	s10 =	sld [smem:$0x3FB9];
	_ =	sdelay $0x3  }
0x34: {  	[smem:$0x3FB9] =	sst s10  }
0x35: {  	s10 =	sld [smem:$0x3FB8];
	_ =	sdelay $0x3  }
0x36: {  	p1 =	seq.s32 s10, $0x1;
	s10 =	sld [smem:$0x3FB9];
	_ =	sdelay $0x3  }
0x37: {  	[smem:$0x3FB9] =	sst s10  }
0x38: {  	s10 =	sld [smem:$0x3FBA]  }
0x39: {  	_ = 	snop;
	(pc) =	sbr.ind lr, $3  }
0x3a: {  	_ = 	snop  }
0x3b: {  	_ = 	snop  }
0x3c: {  	p2 =	seq.s32 s10, $0x1;
	s10 =	sld [smem:$0x3FB9]  }
0x3d: {  	_ =	shalt  }
0x3e: {  	_ =	shalt  }
0x3f: {  	_ =	shalt  }
0x40: {  	_ =	shalt  }
0x41: {  	_ =	shalt  }
0x42: {  	_ =	shalt  }
0x43: {  	_ =	shalt  }
0x44: {  	_ =	shalt  }
0x45: {  	_ =	shalt  }
0x46: {  	_ =	shalt  }
0x47: {  	_ =	shalt  }
0x48: {  	_ =	shalt  }
0x49: {  	_ =	shalt  }
0x4a: {  	_ =	shalt  }
0x4b: {  	_ =	shalt  }
0x4c: {  	_ =	shalt  }
0x4d: {  	_ =	shalt  }
0x4e: {  	_ =	shalt  }
0x4f: {  	_ =	shalt  }
0x50: {  	_ =	shalt  }
0x51: {  	_ =	shalt  }
0x52: {  	_ =	shalt  }
0x53: {  	_ =	shalt  }
0x54: {  	_ =	shalt  }
0x55: {  	_ =	shalt  }
0x56: {  	_ =	shalt  }
0x57: {  	_ =	shalt  }
0x58: {  	_ =	shalt  }
0x59: {  	_ =	shalt  }
0x5a: {  	_ =	shalt  }
0x5b: {  	_ =	shalt  }
0x5c: {  	_ =	shalt  }
0x5d: {  	_ =	shalt  }
0x5e: {  	_ =	shalt  }
0x5f: {  	_ =	shalt  }
0x60: {  	_ =	shalt  }
0x61: {  	_ =	shalt  }
0x62: {  	_ =	shalt  }
0x63: {  	_ =	shalt  }
0x64: {  	_ =	shalt  }
0x65: {  	_ =	shalt  }
0x66: {  	_ =	shalt  }
0x67: {  	_ =	shalt  }
0x68: {  	_ =	shalt  }
0x69: {  	_ =	shalt  }
0x6a: {  	_ =	shalt  }
0x6b: {  	_ =	shalt  }
0x6c: {  	_ =	shalt  }
0x6d: {  	_ =	shalt  }
0x6e: {  	_ =	shalt  }
0x6f: {  	_ =	shalt  }
0x70: {  	_ =	shalt  }
0x71: {  	_ =	shalt  }
0x72: {  	_ =	shalt  }
0x73: {  	_ =	shalt  }
0x74: {  	_ =	shalt  }
0x75: {  	_ =	shalt  }
0x76: {  	_ =	shalt  }
0x77: {  	_ =	shalt  }
0x78: {  	_ =	shalt  }
0x79: {  	_ =	shalt  }
0x7a: {  	_ =	shalt  }
0x7b: {  	_ =	shalt  }
0x7c: {  	_ =	shalt  }
0x7d: {  	_ =	shalt  }
0x7e: {  	_ =	shalt  }
0x7f: {  	_ =	shalt  }
0x80: {  	_ =	shalt  }
0x81: {  	_ =	shalt  }
0x82: {  	_ =	shalt  }
0x83: {  	_ =	shalt  }
0x84: {  	_ =	shalt  }
0x85: {  	_ =	shalt  }
0x86: {  	_ =	shalt  }
0x87: {  	_ =	shalt  }
.Lfunc_end0:
.L_simem_size_0:
called_computation_lowered:
.L_overlay_start_0:
0x88: {  	s2 =	sld [smem:$0x3FD9]  }
0x89: {  	s3 =	sld [smem:$0x3FFE];
	_ =	sdelay $0x1  }
0x8a: {  	s1 =	srdreg.scid  }
0x8b: {  	s0 =	sand.u32 $0x1, s1  }
0x8c: {  	s17 =	sshll.u32 s0, $0xA;
	s2 =	sadd.s32 s3, s2  }
0x8d: {  	s2 =	sadd.s32 s2, s17  }
0x8e: {  	[smem:$0x3FC5] =	sst s2  }
0x8f: {  	_ = 	snop  }
0x90: {  	s2 =	sld [smem:$0x3FC9]  }
0x91: {  	s18 =	sld [smem:$0x3FC8]  }
0x92: {  	s4 =	sld [smem:$0x3FC7];
	(tm) =	ssettm $0x1  }
0x93: {  	s5 =	sld [smem:$0x3FFB];
	_ =	sdelay $0x3  }
0x94: {  	_ =	strace s5  }
0x95: {  	s5 =	sld [smem:$0x3FFC];
	_ =	sdelay $0x3  }
0x96: {  	_ =	strace s5  }
0x97: {  	s5 =	sld [smem:$0x3FFD];
	_ =	sdelay $0x3  }
0x98: {  	_ =	strace s5  }
0x99: {  	_ =	strace $0x8FFFFFFF  }
0x9a: {  	s19 =	sld [smem:$0x3FDB];
	_ =	sdelay $0x1  }
0x9b: {  	s6 =	simm.s32 $_scs_section_size  }
0x9c: {  	s7 =	simm.s32 $_size__tile_overlayer_lowered;
	s8 =	simm.s32 $_tile_overlayer_lowered  }
0x9d: {  	s22 =	simm.s32 $0x1BFF;
	s21 =	sshll.u32 s8, $0x1;
	s5 =	sadd.s32 s6, s19  }
0x9e: {  	s9 =	simm.s32 $0x0;
	s20 =	sshll.u32 s7, $0x1;
	s7 =	sadd.s32 s21, s5  }
0x9f: {  	[timem:s9], [sflag:s22] =	dma.local [hbm:s7], s20  }
0xa0: {  	_ =	swait.ge [sflag:s22], s20  }
0xa1: {  	s6 =	ssub.s32 $0x0, s20;
	[sflag:s22] =	ssyncset.done $0x0  }
0xa2: {  	[sflag:s22] =	ssyncadd.s32 s6;
	_ =	sdelay $0x1  }
0xa3: {  	s23 =	simm.s32 $0x1B8B  }
0xa4: {  	_ =	swait.ge [sflag:s23], $0x1  }
0xa5: {  	[sflag:s23] =	ssyncset.done $0x0  }
0xa6: {  	s25 =	simm.s32 $0x1B8E;
	s24 =	sld [smem:$0x3FFE];
	[sflag:s23] =	ssyncadd.s32 $0xFFFFFFFF  }
0xa7: {  	s26 =	simm.s32 $execute0_lowered;
	[smem:$0x3FD2] =	sst s25  }
0xa8: {  	s7 =	sshll.u32 s26, $0x1;
	_ =	strace $0x80000046;
	[dreg:$0x1] =	wrdreg $0xFFFFFFFF  }
0xa9: {  	s28 =	simm.s32 $_size_execute0_lowered;
	s5 =	sadd.s32 s5, s7;
	[dreg:$0x0] =	wrdreg $0x0  }
0xaa: {  	s7 =	sshll.u32 s28, $0x1;
	[dreg:$0x2] =	wrdreg s5  }
0xab: {  	[dreg:$0x3] =	wrdreg s7  }
0xac: {  	[dreg:$0x4] =	wrdreg $0xC0  }
0xad: {  	_ =	task [dreg:s9], $0x5FFFF  }
0xae: {  	[dreg:$0x1] =	wrdreg $0xFFFFFFFF  }
0xaf: {  	[dreg:$0x0] =	wrdreg $0x60  }
0xb0: {  	[dreg:$0x2] =	wrdreg s2  }
0xb1: {  	[dreg:$0x3] =	wrdreg s18  }
0xb2: {  	[dreg:$0x4] =	wrdreg s4  }
0xb3: {  	[dreg:$0x5] =	wrdreg s24  }
0xb4: {  	[dreg:$0x6] =	wrdreg $0x9  }
0xb5: {  	_ =	task.clear_ibuf [dreg:s9], $0x7FFFF;
	_ =	strace $0x90000046  }
0xb6: {  	s29 =	simm.s32 $0x9;
	_ =	strace $0x80000048  }
0xb7: {  	_ =	swait.ge [sflag:s29], $0x1  }
0xb8: {  	[sflag:s29] =	ssyncadd.s32 $0xFFFFFFFF  }
0xb9: {  	_ =	strace $0x90000048  }
0xba: {  	_ =	sfence  }
0xbb: {  	s30 =	sld [smem:$0x0];
	_ =	sdelay $0x2  }
0xbc: {  	s31 =	sshll.u32 s1, $0xD;
	s1 =	sshrl.u32 s1, $0x2  }
0xbd: {  	s3 =	sand.u32 $0x4000, s31;
	s1 =	sadd.s32 s1, s30  }
0xbe: {  	s0 =	sor.u32 s3, s0;
	s1 =	sshll.u32 s1, $0x11  }
0xbf: {  	s0 =	sor.u32 s1, s0  }
0xc0: {  	s0 =	sadd.s32 $0x8F2B, s0  }
0xc1: {  	[sflag:s0] =	ssyncadd.remote.s32 $0x1  }
0xc2: {  	_ =	sfence.sel $0xFFFF  }
0xc3: {  	[dreg:$0x0] =	wrdreg $0xFFFFFFFF;
	(pc) =	sbr.abs _section_cstart, $3  }
0xc4: {  	[dreg:$0x1] =	wrdreg $0xFFFFFFFF  }
0xc5: {  	_ =	task.clear_ibuf [dreg:s9], $0x2FFFF;
	_ =	strace $0x9FFFFFFF  }
0xc6: {  	(tm) =	ssettm $0x7FFFFFFF  }
0xc7: {  	_ =	shalt  }
tec
execute0_lowered:
.L_overlay_start_1:
0x0: {  	(tag) =	ssettag $0x1  }
0x1: {  	s0 =	rddreg [dreg:$0x0]  }
0x2: {  	s4 =	srdreg.scid;
	s5 =	stileid.u32  }
0x3: {  	s1 =	rddreg [dreg:$0x1];
	s4 =	sand.u32 $0x1, s4;
	s5 =	sshll.u32 s5, $0x1  }
0x4: {  	s2 =	rddreg [dreg:$0x2];
	s6 =	simm.s32 $0x0;
	s5 =	sor.u32 s4, s5  }
0x5: {  	[smem:$0x7FF] =	sst s6;
	s11 =	sshll.u32 s5, $0xA  }
0x6: {  	s3 =	rddreg [dreg:$0x3];
	_ =	strace $0x80000047;
	s1 =	sadd.s32 s1, s11  }
0x7: {  	s8 =	sshll.u32 s5, $0xD;
	s12 =	sadd.s32 s2, s11;
	[dreg:$0x7] =	wrdreg s1  }
0x8: {  	s6 =	sadd.s32 s0, s8;
	[dreg:$0x8] =	wrdreg s12  }
0x9: {  	s3 =	sadd.s32 s8, s3;
	s10 =	sadd.s32 $0x80, s6;
	[dreg:$0x5] =	wrdreg s6  }
0xa: {  	s13 =	sadd.s32 $0xA00, s3;
	[dreg:$0x6] =	wrdreg s10  }
0xb: {  	s14 =	sadd.s32 $0xA10, s3;
	[dreg:$0x9] =	wrdreg s13  }
0xc: {  	s15 =	sadd.s32 $0xA20, s3;
	[dreg:$0xa] =	wrdreg s14  }
0xd: {  	s16 =	sadd.s32 $0xA30, s3;
	[dreg:$0xb] =	wrdreg s15  }
0xe: {  	s30 =	simm.s32 $0x6080;
	s17 =	sadd.s32 $0xA40, s3;
	[dreg:$0xc] =	wrdreg s16  }
0xf: {  	s28 =	simm.s32 $0x3;
	s18 =	sadd.s32 $0xA50, s3;
	[dreg:$0xd] =	wrdreg s17  }
0x10: {  	s4 =	ssub.s32 $0x2, s4;
	s19 =	sadd.s32 $0xA60, s3;
	[dreg:$0xe] =	wrdreg s18  }
0x11: {  	s7 =	sshrl.u32 s4, $0x1;
	s20 =	sadd.s32 $0xA70, s3;
	[dreg:$0xf] =	wrdreg s19  }
0x12: {  	s5 =	simm.s32 $0xA080;
	s21 =	sadd.s32 $0x1A00, s3;
	[dreg:$0x10] =	wrdreg s20  }
0x13: {  	s9 =	ssub.s32 s4, s7;
	s22 =	sadd.s32 $0x1A10, s3;
	[dreg:$0x11] =	wrdreg s21  }
0x14: {  	s4 =	simm.s32 $0x4000;
	s23 =	sadd.s32 $0x1A20, s3;
	[dreg:$0x12] =	wrdreg s22  }
0x15: {  	s11 =	simm.s32 $0xC080;
	s24 =	sadd.s32 $0x1A30, s3;
	[dreg:$0x13] =	wrdreg s23  }
0x16: {  	s7 =	sadd.s32 $0x100, s6;
	s25 =	sadd.s32 $0x1A40, s3;
	[dreg:$0x14] =	wrdreg s24  }
0x17: {  	s8 =	sadd.s32 $0x180, s6;
	s26 =	sadd.s32 $0x1A50, s3;
	[dreg:$0x15] =	wrdreg s25  }
0x18: {  	s29 =	sadd.s32 $0x1A60, s3;
	s31 =	sadd.s32 $0x1A70, s3;
	[dreg:$0x16] =	wrdreg s26  }
0x19: {  	s0 =	smax.u32 s9, $0x1;
	s1 =	simm.s32 $0x1;
	[dreg:$0x17] =	wrdreg s29  }
0x1a: {  	s6 =	simm.s32 $0xE080;
	s9 =	simm.s32 $0xB080;
	[dreg:$0x18] =	wrdreg s31  }
0x1b: {  	v9 =	vlaneseq.u32;
	s12 =	simm.s32 $0x10080;
	s3 =	simm.s32 $0x0;
	[dreg:$0x19] =	wrdreg s0  }
.Ltmp0:
0x1c: {  	v0 =	vmul.u32 $0x41, v9;
	s24 =	simm.s32 $0x400;
	s0 =	simm.s32 $0x8080;
	(pc) =	sbr.rel .LBB2_1-.Ltmp0, $4  }
0x1d: {  	s10 =	simm.s32 $0xF080;
	s13 =	simm.s32 $0xD080;
	s14 =	simm.s32 $0x11080  }
0x1e: {  	v1 =	vimm.f32 $0.0e+00;
	v9 =	vmul.u32 $0x100, v9;
	v2 =	vadd.s32 $0x410, v0;
	s15 =	simm.s32 $0x12080;
	s16 =	simm.s32 $0x16080;
	s17 =	simm.s32 $0x13080  }
0x1f: {  	v3 =	vadd.s32 $0x820, v0;
	v4 =	vadd.s32 $0xC30, v0;
	v5 =	vadd.s32 $0x1040, v0;
	s18 =	simm.s32 $0x17080;
	s19 =	simm.s32 $0x14080;
	s20 =	simm.s32 $0x18080  }
0x20: {  	v6 =	vadd.s32 $0x1450, v0;
	v7 =	vadd.s32 $0x1860, v0;
	v8 =	vadd.s32 $0x1C70, v0;
	s21 =	simm.s32 $0x15080;
	s22 =	simm.s32 $0x19080;
	s23 =	simm.s32 $0x2  }
.LBB2_14:
0x21: {  	s2 =	rddreg [dreg:$0x9]  }
0x22: {  	s24 =	simm.s32 $0x400;
	s3 =	simm.s32 $0x80;
	s28 =	simm.s32 $0x3  }
0x23: {  	[hbm4b:s2+s3] =	stream.strided.scatter [tilespmem:s5], [sflag:$0x3], $0x1000, s24, s3, $0x38;
	[tilespmem:$0x1A080] =	vst v63  }
0x24: {  	_ =	swait.ge [sflag:s28], $0x1000  }
0x25: {  	[sflag:s28] =	ssyncset.done $0x0  }
0x26: {  	s31 =	rddreg [dreg:$0xa];
	[sflag:s28] =	ssyncadd.s32 $0xFFFFF000  }
0x27: {  	[hbm4b:s31+s3] =	stream.strided.scatter [tilespmem:s9], [sflag:$0x3], $0x1000, s24, s3, $0x38;
	[tilespmem:$0x1A080] =	vst v63  }
0x28: {  	_ =	swait.ge [sflag:s28], $0x1000  }
0x29: {  	[sflag:s28] =	ssyncset.done $0x0  }
0x2a: {  	s25 =	rddreg [dreg:$0xb];
	[sflag:s28] =	ssyncadd.s32 $0xFFFFF000  }
0x2b: {  	[hbm4b:s25+s3] =	stream.strided.scatter [tilespmem:s11], [sflag:$0x3], $0x1000, s24, s3, $0x38;
	[tilespmem:$0x1A080] =	vst v63  }
0x2c: {  	_ =	swait.ge [sflag:s28], $0x1000  }
0x2d: {  	[sflag:s28] =	ssyncset.done $0x0  }
0x2e: {  	s26 =	rddreg [dreg:$0xc];
	[sflag:s28] =	ssyncadd.s32 $0xFFFFF000  }
0x2f: {  	[hbm4b:s26+s3] =	stream.strided.scatter [tilespmem:s13], [sflag:$0x3], $0x1000, s24, s3, $0x38;
	[tilespmem:$0x1A080] =	vst v63  }
0x30: {  	_ =	swait.ge [sflag:s28], $0x1000  }
0x31: {  	[sflag:s28] =	ssyncset.done $0x0  }
0x32: {  	s29 =	rddreg [dreg:$0xd];
	[sflag:s28] =	ssyncadd.s32 $0xFFFFF000  }
0x33: {  	[hbm4b:s29+s3] =	stream.strided.scatter [tilespmem:s6], [sflag:$0x3], $0x1000, s24, s3, $0x38;
	[tilespmem:$0x1A080] =	vst v63  }
0x34: {  	_ =	swait.ge [sflag:s28], $0x1000  }
0x35: {  	[sflag:s28] =	ssyncset.done $0x0  }
0x36: {  	s31 =	rddreg [dreg:$0xe];
	[sflag:s28] =	ssyncadd.s32 $0xFFFFF000  }
0x37: {  	[hbm4b:s31+s3] =	stream.strided.scatter [tilespmem:s10], [sflag:$0x3], $0x1000, s24, s3, $0x38;
	[tilespmem:$0x1A080] =	vst v63  }
0x38: {  	_ =	swait.ge [sflag:s28], $0x1000  }
0x39: {  	[sflag:s28] =	ssyncset.done $0x0  }
0x3a: {  	s25 =	rddreg [dreg:$0xf];
	[sflag:s28] =	ssyncadd.s32 $0xFFFFF000  }
0x3b: {  	[hbm4b:s25+s3] =	stream.strided.scatter [tilespmem:s12], [sflag:$0x3], $0x1000, s24, s3, $0x38;
	[tilespmem:$0x1A080] =	vst v63  }
0x3c: {  	_ =	swait.ge [sflag:s28], $0x1000  }
0x3d: {  	[sflag:s28] =	ssyncset.done $0x0  }
0x3e: {  	s26 =	rddreg [dreg:$0x10];
	[sflag:s28] =	ssyncadd.s32 $0xFFFFF000  }
0x3f: {  	[hbm4b:s26+s3] =	stream.strided.scatter [tilespmem:s14], [sflag:$0x3], $0x1000, s24, s3, $0x38;
	[tilespmem:$0x1A080] =	vst v63  }
0x40: {  	_ =	swait.ge [sflag:s28], $0x1000  }
0x41: {  	[sflag:s28] =	ssyncset.done $0x0  }
0x42: {  	s29 =	rddreg [dreg:$0x11];
	[sflag:s28] =	ssyncadd.s32 $0xFFFFF000  }
0x43: {  	[hbm4b:s29+s3] =	stream.strided.scatter [tilespmem:s15], [sflag:$0x3], $0x1000, s24, s3, $0x38;
	[tilespmem:$0x1A080] =	vst v63  }
0x44: {  	_ =	swait.ge [sflag:s28], $0x1000  }
0x45: {  	[sflag:s28] =	ssyncset.done $0x0  }
0x46: {  	s31 =	rddreg [dreg:$0x12];
	[sflag:s28] =	ssyncadd.s32 $0xFFFFF000  }
0x47: {  	[hbm4b:s31+s3] =	stream.strided.scatter [tilespmem:s17], [sflag:$0x3], $0x1000, s24, s3, $0x38;
	[tilespmem:$0x1A080] =	vst v63  }
0x48: {  	_ =	swait.ge [sflag:s28], $0x1000  }
0x49: {  	[sflag:s28] =	ssyncset.done $0x0  }
0x4a: {  	s25 =	rddreg [dreg:$0x13];
	[sflag:s28] =	ssyncadd.s32 $0xFFFFF000  }
0x4b: {  	[hbm4b:s25+s3] =	stream.strided.scatter [tilespmem:s19], [sflag:$0x3], $0x1000, s24, s3, $0x38;
	[tilespmem:$0x1A080] =	vst v63  }
0x4c: {  	_ =	swait.ge [sflag:s28], $0x1000  }
0x4d: {  	[sflag:s28] =	ssyncset.done $0x0  }
0x4e: {  	s26 =	rddreg [dreg:$0x14];
	[sflag:s28] =	ssyncadd.s32 $0xFFFFF000  }
0x4f: {  	[hbm4b:s26+s3] =	stream.strided.scatter [tilespmem:s21], [sflag:$0x3], $0x1000, s24, s3, $0x38;
	[tilespmem:$0x1A080] =	vst v63  }
0x50: {  	_ =	swait.ge [sflag:s28], $0x1000  }
0x51: {  	[sflag:s28] =	ssyncset.done $0x0  }
0x52: {  	s29 =	rddreg [dreg:$0x15];
	[sflag:s28] =	ssyncadd.s32 $0xFFFFF000  }
0x53: {  	[hbm4b:s29+s3] =	stream.strided.scatter [tilespmem:s16], [sflag:$0x3], $0x1000, s24, s3, $0x38;
	[tilespmem:$0x1A080] =	vst v63  }
0x54: {  	_ =	swait.ge [sflag:s28], $0x1000  }
0x55: {  	[sflag:s28] =	ssyncset.done $0x0  }
0x56: {  	s31 =	rddreg [dreg:$0x16];
	[sflag:s28] =	ssyncadd.s32 $0xFFFFF000  }
0x57: {  	[hbm4b:s31+s3] =	stream.strided.scatter [tilespmem:s18], [sflag:$0x3], $0x1000, s24, s3, $0x38;
	[tilespmem:$0x1A080] =	vst v63  }
0x58: {  	_ =	swait.ge [sflag:s28], $0x1000  }
0x59: {  	[sflag:s28] =	ssyncset.done $0x0  }
0x5a: {  	s25 =	rddreg [dreg:$0x17];
	[sflag:s28] =	ssyncadd.s32 $0xFFFFF000  }
0x5b: {  	[hbm4b:s25+s3] =	stream.strided.scatter [tilespmem:s20], [sflag:$0x3], $0x1000, s24, s3, $0x38;
	[tilespmem:$0x1A080] =	vst v63  }
0x5c: {  	_ =	swait.ge [sflag:s28], $0x1000  }
0x5d: {  	[sflag:s28] =	ssyncset.done $0x0  }
0x5e: {  	s26 =	rddreg [dreg:$0x18];
	[sflag:s28] =	ssyncadd.s32 $0xFFFFF000  }
0x5f: {  	[hbm4b:s26+s3] =	stream.strided.scatter [tilespmem:s22], [sflag:$0x3], $0x1000, s24, s3, $0x38;
	[tilespmem:$0x1A080] =	vst v63  }
0x60: {  	_ =	swait.ge [sflag:s28], $0x1000  }
0x61: {  	s29 =	rddreg [dreg:$0x1a]  }
0x62: {  	s31 =	rddreg [dreg:$0x19];
	s3 =	sadd.s32 $0x1, s29  }
0x63: {  	p0 =	sne.s32 s3, s31  }
.Ltmp1:
0x64: {  	_ = 	snop;
	(pc) =	sbr.rel @!p0 .LBB2_15-.Ltmp1, $3  }
0x65: {  	_ =	sdelay $0x1  }
0x66: {  	[sflag:s28] =	ssyncset.done $0x0  }
0x67: {  	[sflag:s28] =	ssyncadd.s32 $0xFFFFF000  }
.LBB2_1:
0x68: {  	[dreg:$0x1a] =	wrdreg s3  }
0x69: {  	s2 =	simm.s32 $0x0;
	s29 =	rddreg [dreg:$0x5];
	s25 =	simm.s32 $0x200000  }
0x6a: {  	[tilespmem:s2], [sflag:$0x1] =	stream.strided.gather [hbm4b:s29+s24], $0x2000, s25, s24, $0x38;
	[tilespmem:$0x1A080] =	vst v63  }
0x6b: {  	s31 =	rddreg [dreg:$0x6];
	s26 =	simm.s32 $0x2000  }
0x6c: {  	[tilespmem:s26], [sflag:$0x2] =	stream.strided.gather [hbm4b:s31+s24], $0x2000, s25, s24, $0x38;
	[tilespmem:$0x1A080] =	vst v63  }
0x6d: {  	s29 =	rddreg [dreg:$0x7]  }
0x6e: {  	[tilespmem:s30], [sflag:$0x3] =	stream.linear.gather [hbm4b:s29+s2], $0x2000, $0x38;
	[tilespmem:$0x1A080] =	vst v63  }
0x6f: {  	_ =	swait.ge [sflag:s28], $0x2000  }
0x70: {  	[sflag:s28] =	ssyncset.done $0x0  }
0x71: {  	s31 =	rddreg [dreg:$0x8];
	[sflag:s28] =	ssyncadd.s32 $0xFFFFE000  }
0x72: {  	[tilespmem:s0], [sflag:$0x3] =	stream.linear.gather [hbm4b:s31+s2], $0x2000, $0x38;
	[tilespmem:$0x1A080] =	vst v63  }
0x73: {  	_ =	swait.ge [sflag:s28], $0x2000  }
0x74: {  	[sflag:s28] =	ssyncset.done $0x0  }
0x75: {  	s3 =	simm.s32 $0x40;
	s2 =	simm.s32 $0x0;
	[sflag:s28] =	ssyncadd.s32 $0xFFFFE000  }
.LBB2_2:
0x76: {  	p0 =	sne.s32 s3, $0x3FC0;
	[tilespmem:s2+$0x19080] =	vst v1  }
0x77: {  	[tilespmem:s2+$0xA080] =	vst v1  }
0x78: {  	[tilespmem:s2+$0xB080] =	vst v1  }
0x79: {  	[tilespmem:s2+$0xC080] =	vst v1  }
0x7a: {  	[tilespmem:s2+$0xD080] =	vst v1  }
0x7b: {  	[tilespmem:s2+$0xE080] =	vst v1  }
0x7c: {  	[tilespmem:s2+$0xF080] =	vst v1  }
0x7d: {  	[tilespmem:s2+$0x10080] =	vst v1  }
0x7e: {  	[tilespmem:s2+$0x11080] =	vst v1  }
0x7f: {  	[tilespmem:s2+$0x12080] =	vst v1  }
0x80: {  	[tilespmem:s2+$0x13080] =	vst v1  }
.Ltmp2:
0x81: {  	[tilespmem:s2+$0x14080] =	vst v1;
	(pc) =	sbr.rel @p0 .LBB2_2-.Ltmp2, $4  }
0x82: {  	[tilespmem:s2+$0x15080] =	vst v1  }
0x83: {  	[tilespmem:s2+$0x16080] =	vst v1  }
0x84: {  	[tilespmem:s2+$0x17080] =	vst v1  }
0x85: {  	[tilespmem:s2+$0x18080] =	vst v1;
	s2 =	sshra.s32 s3, $0x2;
	s3 =	sadd.s32 $0x40, s3  }
0x86: {  	[tilespmem:s2+$0x19080] =	vst v1  }
0x87: {  	[tilespmem:s2+$0xA080] =	vst v1  }
0x88: {  	[tilespmem:s2+$0xB080] =	vst v1  }
0x89: {  	[tilespmem:s2+$0xC080] =	vst v1  }
0x8a: {  	[tilespmem:s2+$0xD080] =	vst v1  }
0x8b: {  	[tilespmem:s2+$0xE080] =	vst v1  }
0x8c: {  	[tilespmem:s2+$0xF080] =	vst v1  }
0x8d: {  	[tilespmem:s2+$0x10080] =	vst v1  }
0x8e: {  	[tilespmem:s2+$0x11080] =	vst v1  }
0x8f: {  	[tilespmem:s2+$0x12080] =	vst v1  }
0x90: {  	[tilespmem:s2+$0x13080] =	vst v1  }
0x91: {  	[tilespmem:s2+$0x14080] =	vst v1  }
0x92: {  	[tilespmem:s2+$0x15080] =	vst v1  }
0x93: {  	[tilespmem:s2+$0x16080] =	vst v1  }
0x94: {  	[tilespmem:s2+$0x17080] =	vst v1  }
0x95: {  	s3 =	simm.s32 $0x0;
	[tilespmem:s2+$0x18080] =	vst v1;
	s2 =	simm.s32 $0x0;
	s25 =	simm.s32 $0x0  }
.LBB2_4:
0x96: {  	_ =	swait.ge [sflag:s1], $0x2000  }
0x97: {  	[sflag:s1] =	ssyncset.done $0x0  }
0x98: {  	s24 =	simm.s32 $0x80;
	[sflag:s1] =	ssyncadd.s32 $0xFFFFE000  }
0x99: {  	v10 =	vld [tilespmem:s24+$0xFFFFFFF0]  }
0x9a: {  	v11 =	vld [tilespmem:s24+$0xFFFFFFE0]  }
0x9b: {  	v14 =	vadd.s32 s3, v0;
	v13 =	vld [tilespmem:s24+$0xFFFFFF80]  }
0x9c: {  	v16 =	vadd.s32 s3, v2;
	v15 =	vld [tilespmem:s24+$0xFFFFFF90]  }
0x9d: {  	v18 =	vadd.s32 s3, v3;
	v17 =	vld [tilespmem:s24+$0xFFFFFFA0]  }
0x9e: {  	v20 =	vadd.s32 s3, v4;
	v19 =	vld [tilespmem:s24+$0xFFFFFFB0]  }
0x9f: {  	v22 =	vadd.s32 s3, v5;
	v21 =	vld [tilespmem:s24+$0xFFFFFFC0]  }
0xa0: {  	v23 =	vadd.s32 s3, v6;
	v12 =	vld [tilespmem:s24+$0xFFFFFFD0];
	[tilespmem:v14+s4+$0x0] =	vst.idx.msk $0xffff, v13  }
0xa1: {  	v13 =	vadd.s32 s3, v7;
	[tilespmem:v16+s4+$0x0] =	vst.idx.msk $0xffff, v15  }
0xa2: {  	v14 =	vadd.s32 s3, v8;
	[tilespmem:v18+s4+$0x0] =	vst.idx.msk $0xffff, v17  }
0xa3: {  	[tilespmem:v20+s4+$0x0] =	vst.idx.msk $0xffff, v19  }
0xa4: {  	[tilespmem:v22+s4+$0x0] =	vst.idx.msk $0xffff, v21  }
0xa5: {  	[tilespmem:v23+s4+$0x0] =	vst.idx.msk $0xffff, v12  }
0xa6: {  	[tilespmem:v13+s4+$0x0] =	vst.idx.msk $0xffff, v11  }
0xa7: {  	[tilespmem:v14+s4+$0x0] =	vst.idx.msk $0xffff, v10  }
0xa8: {  	v18 =	vld [tilespmem:s24+$0x30]  }
0xa9: {  	s26 =	simm.s32 $0x1;
	v15 =	vld [tilespmem:s24+$0x20]  }
0xaa: {  	v16 =	vadd.s32 s26, v0;
	v17 =	vld [tilespmem:s24+$0x0]  }
0xab: {  	v19 =	vadd.s32 s26, v2;
	v14 =	vld [tilespmem:s24+$0x10]  }
0xac: {  	v62 =	vadd.s32 s26, v3;
	v12 =	vld [tilespmem:s24+$0x40]  }
0xad: {  	v11 =	vld [tilespmem:s24+$0x50]  }
0xae: {  	v63 =	vadd.s32 s26, v4;
	v10 =	vld [tilespmem:s24+$0x70]  }
0xaf: {  	v13 =	vld [tilespmem:s24+$0x60];
	[tilespmem:v16+s4+$0x0] =	vst.idx.msk $0xffff, v17  }
0xb0: {  	[tilespmem:v19+s4+$0x0] =	vst.idx.msk $0xffff, v14;
	v14 =	vadd.s32 s26, v5  }
0xb1: {  	[tilespmem:v62+s4+$0x0] =	vst.idx.msk $0xffff, v15;
	v15 =	vadd.s32 s26, v6  }
0xb2: {  	v16 =	vadd.s32 s26, v7  }
0xb3: {  	s28 =	simm.s32 $0x2;
	v17 =	vadd.s32 s26, v8;
	[tilespmem:v63+s4+$0x0] =	vst.idx.msk $0xffff, v18  }
.LBB2_5:
0xb4: {  	p0 =	sne.s32 s28, $0x3E  }
0xb5: {  	[tilespmem:v14+s4+$0x0] =	vst.idx.msk $0xffff, v12;
	s24 =	sadd.s32 $0x100, s24;
	s26 =	smov.u32 s28;
	s28 =	sadd.s32 $0x2, s28  }
0xb6: {  	[tilespmem:v15+s4+$0x0] =	vst.idx.msk $0xffff, v11  }
0xb7: {  	[tilespmem:v16+s4+$0x0] =	vst.idx.msk $0xffff, v13  }
0xb8: {  	[tilespmem:v17+s4+$0x0] =	vst.idx.msk $0xffff, v10  }
0xb9: {  	v10 =	vld [tilespmem:s24+$0xFFFFFFF0]  }
0xba: {  	v11 =	vld [tilespmem:s24+$0xFFFFFFE0]  }
0xbb: {  	v12 =	vld [tilespmem:s24+$0xFFFFFFD0]  }
0xbc: {  	v14 =	vadd.s32 s26, v0;
	v13 =	vld [tilespmem:s24+$0xFFFFFF80]  }
0xbd: {  	v16 =	vadd.s32 s26, v2;
	v15 =	vld [tilespmem:s24+$0xFFFFFF90]  }
0xbe: {  	v18 =	vadd.s32 s26, v3;
	v17 =	vld [tilespmem:s24+$0xFFFFFFA0]  }
0xbf: {  	v20 =	vadd.s32 s26, v4;
	v19 =	vld [tilespmem:s24+$0xFFFFFFB0]  }
0xc0: {  	v22 =	vadd.s32 s26, v5;
	v21 =	vld [tilespmem:s24+$0xFFFFFFC0]  }
0xc1: {  	v23 =	vadd.s32 s26, v6;
	[tilespmem:v14+s4+$0x0] =	vst.idx.msk $0xffff, v13  }
0xc2: {  	v13 =	vadd.s32 s26, v7;
	[tilespmem:v16+s4+$0x0] =	vst.idx.msk $0xffff, v15  }
0xc3: {  	v14 =	vadd.s32 s26, v8;
	[tilespmem:v18+s4+$0x0] =	vst.idx.msk $0xffff, v17  }
0xc4: {  	[tilespmem:v20+s4+$0x0] =	vst.idx.msk $0xffff, v19  }
0xc5: {  	[tilespmem:v22+s4+$0x0] =	vst.idx.msk $0xffff, v21  }
0xc6: {  	[tilespmem:v23+s4+$0x0] =	vst.idx.msk $0xffff, v12  }
0xc7: {  	[tilespmem:v13+s4+$0x0] =	vst.idx.msk $0xffff, v11  }
0xc8: {  	[tilespmem:v14+s4+$0x0] =	vst.idx.msk $0xffff, v10  }
0xc9: {  	v18 =	vld [tilespmem:s24+$0x30]  }
0xca: {  	s26 =	sadd.s32 $0x1, s26;
	v19 =	vld [tilespmem:s24+$0x20]  }
0xcb: {  	v17 =	vadd.s32 s26, v0;
	v20 =	vld [tilespmem:s24+$0x10]  }
0xcc: {  	v22 =	vadd.s32 s26, v2;
	v21 =	vld [tilespmem:s24+$0x0]  }
0xcd: {  	v23 =	vadd.s32 s26, v3;
	v12 =	vld [tilespmem:s24+$0x40]  }
0xce: {  	v24 =	vadd.s32 s26, v4;
	v11 =	vld [tilespmem:s24+$0x50]  }
0xcf: {  	v14 =	vadd.s32 s26, v5;
	v10 =	vld [tilespmem:s24+$0x70]  }
.Ltmp3:
0xd0: {  	v15 =	vadd.s32 s26, v6;
	v13 =	vld [tilespmem:s24+$0x60];
	(pc) =	sbr.rel @p0 .LBB2_5-.Ltmp3, $4  }
0xd1: {  	v16 =	vadd.s32 s26, v7;
	[tilespmem:v17+s4+$0x0] =	vst.idx.msk $0xffff, v21  }
0xd2: {  	v17 =	vadd.s32 s26, v8;
	[tilespmem:v22+s4+$0x0] =	vst.idx.msk $0xffff, v20  }
0xd3: {  	[tilespmem:v23+s4+$0x0] =	vst.idx.msk $0xffff, v19  }
0xd4: {  	[tilespmem:v24+s4+$0x0] =	vst.idx.msk $0xffff, v18  }
0xd5: {  	_ =	sdelay $0x3  }
0xd6: {  	[tilespmem:v14+s4+$0x0] =	vst.idx.msk $0xffff, v12  }
0xd7: {  	[tilespmem:v15+s4+$0x0] =	vst.idx.msk $0xffff, v11  }
0xd8: {  	[tilespmem:v16+s4+$0x0] =	vst.idx.msk $0xffff, v13  }
0xd9: {  	s24 =	sshll.u32 s25, $0x8;
	s29 =	simm.s32 $0x0;
	s28 =	simm.s32 $0x4104;
	[tilespmem:v17+s4+$0x0] =	vst.idx.msk $0xffff, v10  }
.LBB2_7:
0xda: {  	v13 =	vld [tilespmem:s28+$0xFFFFFEFC]  }
0xdb: {  	v14 =	vld [tilespmem:s28+$0xFFFFFF0C]  }
0xdc: {  	v15 =	vld [tilespmem:s28+$0xFFFFFF1C]  }
0xdd: {  	v17 =	vld [tilespmem:s28+$0xFFFFFF2C]  }
0xde: {  	v19 =	vld [tilespmem:s28+$0xFFFFFF3D]  }
0xdf: {  	v20 =	vld [tilespmem:s28+$0xFFFFFF4D]  }
0xe0: {  	v21 =	vld [tilespmem:s28+$0xFFFFFF5D]  }
0xe1: {  	v23 =	vld [tilespmem:s28+$0xFFFFFF6D]  }
0xe2: {  	v25 =	vld [tilespmem:s28+$0xFFFFFF7E]  }
0xe3: {  	v26 =	vld [tilespmem:s28+$0xFFFFFF8E]  }
0xe4: {  	v27 =	vld [tilespmem:s28+$0xFFFFFF9E]  }
0xe5: {  	v29 =	vld [tilespmem:s28+$0xFFFFFFAE]  }
0xe6: {  	v31 =	vld [tilespmem:s28+$0xFFFFFFBF]  }
0xe7: {  	v32 =	vld [tilespmem:s28+$0xFFFFFFCF]  }
0xe8: {  	v33 =	vld [tilespmem:s28+$0xFFFFFFDF]  }
0xe9: {  	v35 =	vld [tilespmem:s28+$0xFFFFFFEF]  }
0xea: {  	v37 =	vld [tilespmem:s28+$0x0]  }
0xeb: {  	v38 =	vld [tilespmem:s28+$0x10]  }
0xec: {  	v39 =	vld [tilespmem:s28+$0x20]  }
0xed: {  	v41 =	vld [tilespmem:s28+$0x30]  }
0xee: {  	v43 =	vld [tilespmem:s28+$0x41]  }
0xef: {  	v44 =	vld [tilespmem:s28+$0x51]  }
0xf0: {  	v45 =	vld [tilespmem:s28+$0x61]  }
0xf1: {  	s26 =	sadd.s32 s29, s2;
	v46 =	vld [tilespmem:s28+$0x71]  }
0xf2: {  	v49 =	vld [tilespmem:s28+$0x82];
	v10 =	vmov s26  }
0xf3: {  	v50 =	vld [tilespmem:s28+$0x92];
	s31 =	sadd.s32 $0x1, s26;
	v10 =	vand.u32 $0xFFFFFFF8, v10  }
0xf4: {  	v51 =	vld [tilespmem:s28+$0xA2];
	v11 =	vmov s31;
	v10 =	vbroadcast v10, $0x0  }
0xf5: {  	v52 =	vld [tilespmem:s28+$0xB2];
	s31 =	sadd.s32 $0x2, s26;
	v11 =	vand.u32 $0xFFFFFFF9, v11  }
0xf6: {  	v54 =	vld [tilespmem:s28+$0xC3];
	v16 =	vmov s31;
	v11 =	vbroadcast v11, $0x0  }
0xf7: {  	v55 =	vld [tilespmem:s28+$0xD3];
	s31 =	sadd.s32 $0x3, s26;
	v16 =	vand.u32 $0xFFFFFFFA, v16  }
0xf8: {  	v56 =	vld [tilespmem:s28+$0xE3];
	v22 =	vmov s31;
	v16 =	vbroadcast v16, $0x0  }
0xf9: {  	v57 =	vld [tilespmem:s28+$0xF3];
	v22 =	vand.u32 $0xFFFFFFFB, v22  }
0xfa: {  	s31 =	sadd.s32 $0x4, s26;
	v22 =	vbroadcast v22, $0x0;
	v12 =	vld.idx.msk [tilespmem:v10+s30+$0x0], $0xffff  }
0xfb: {  	v28 =	vmov s31;
	s31 =	sadd.s32 $0x5, s26;
	v10 =	vld.idx.msk [tilespmem:v10+s0+$0x0], $0xffff  }
0xfc: {  	v34 =	vmov s31;
	s31 =	sadd.s32 $0x6, s26;
	s26 =	sadd.s32 $0x7, s26;
	v18 =	vld.idx.msk [tilespmem:v11+s30+$0x0], $0xffff  }
0xfd: {  	v28 =	vand.u32 $0xFFFFFFFC, v28;
	v48 =	vmov s26;
	v11 =	vld.idx.msk [tilespmem:v11+s0+$0x0], $0xffff  }
0xfe: {  	v28 =	vbroadcast v28, $0x0;
	v24 =	vld.idx.msk [tilespmem:v16+s30+$0x0], $0xffff  }
0xff: {  	v34 =	vand.u32 $0xFFFFFFFD, v34;
	v16 =	vld.idx.msk [tilespmem:v16+s0+$0x0], $0xffff  }
0x100: {  	v40 =	vmov s31;
	v34 =	vbroadcast v34, $0x0;
	v30 =	vld.idx.msk [tilespmem:v22+s30+$0x0], $0xffff  }
0x101: {  	v40 =	vand.u32 $0xFFFFFFFE, v40;
	v22 =	vld.idx.msk [tilespmem:v22+s0+$0x0], $0xffff  }
0x102: {  	v40 =	vbroadcast v40, $0x0;
	v53 =	vld.idx.msk [tilespmem:v48+s30+$0x0], $0xffff  }
0x103: {  	v48 =	vld.idx.msk [tilespmem:v48+s0+$0x0], $0xffff  }
0x104: {  	v36 =	vld.idx.msk [tilespmem:v28+s30+$0x0], $0xffff  }
0x105: {  	v13 =	vadd.s32 v9, v13;
	v28 =	vld.idx.msk [tilespmem:v28+s0+$0x0], $0xffff  }
0x106: {  	v42 =	vld.idx.msk [tilespmem:v34+s30+$0x0], $0xffff  }
0x107: {  	v14 =	vadd.s32 v9, v14;
	v34 =	vld.idx.msk [tilespmem:v34+s0+$0x0], $0xffff  }
0x108: {  	v47 =	vld.idx.msk [tilespmem:v40+s30+$0x0], $0xffff  }
0x109: {  	v15 =	vadd.s32 v9, v15;
	v40 =	vld.idx.msk [tilespmem:v40+s0+$0x0], $0xffff  }
0x10a: {  	[tilespmem:v13+s5+$0x0] =	vst.idx.add.f32.msk $0xffff, v12  }
0x10b: {  	v17 =	vadd.s32 v9, v17;
	[tilespmem:v13+s6+$0x0] =	vst.idx.add.f32.msk $0xffff, v10  }
0x10c: {  	[tilespmem:v14+s9+$0x0] =	vst.idx.add.f32.msk $0xffff, v12  }
0x10d: {  	v19 =	vadd.s32 v9, v19;
	[tilespmem:v14+s10+$0x0] =	vst.idx.add.f32.msk $0xffff, v10  }
0x10e: {  	[tilespmem:v15+s11+$0x0] =	vst.idx.add.f32.msk $0xffff, v12  }
0x10f: {  	v20 =	vadd.s32 v9, v20;
	[tilespmem:v15+s12+$0x0] =	vst.idx.add.f32.msk $0xffff, v10  }
0x110: {  	[tilespmem:v17+s13+$0x0] =	vst.idx.add.f32.msk $0xffff, v12  }
0x111: {  	v21 =	vadd.s32 v9, v21;
	[tilespmem:v17+s14+$0x0] =	vst.idx.add.f32.msk $0xffff, v10  }
0x112: {  	[tilespmem:v19+s15+$0x0] =	vst.idx.add.f32.msk $0xffff, v18  }
0x113: {  	v10 =	vadd.s32 v9, v23;
	[tilespmem:v19+s16+$0x0] =	vst.idx.add.f32.msk $0xffff, v11  }
0x114: {  	[tilespmem:v20+s17+$0x0] =	vst.idx.add.f32.msk $0xffff, v18  }
0x115: {  	v25 =	vadd.s32 v9, v25;
	[tilespmem:v20+s18+$0x0] =	vst.idx.add.f32.msk $0xffff, v11  }
0x116: {  	[tilespmem:v21+s19+$0x0] =	vst.idx.add.f32.msk $0xffff, v18  }
0x117: {  	v26 =	vadd.s32 v9, v26;
	[tilespmem:v21+s20+$0x0] =	vst.idx.add.f32.msk $0xffff, v11  }
0x118: {  	[tilespmem:v10+s21+$0x0] =	vst.idx.add.f32.msk $0xffff, v18  }
0x119: {  	v27 =	vadd.s32 v9, v27;
	[tilespmem:v10+s22+$0x0] =	vst.idx.add.f32.msk $0xffff, v11  }
0x11a: {  	[tilespmem:v25+s5+$0x0] =	vst.idx.add.f32.msk $0xffff, v24  }
0x11b: {  	v10 =	vadd.s32 v9, v29;
	[tilespmem:v25+s6+$0x0] =	vst.idx.add.f32.msk $0xffff, v16  }
0x11c: {  	[tilespmem:v26+s9+$0x0] =	vst.idx.add.f32.msk $0xffff, v24  }
0x11d: {  	v11 =	vadd.s32 v9, v31;
	[tilespmem:v26+s10+$0x0] =	vst.idx.add.f32.msk $0xffff, v16  }
0x11e: {  	[tilespmem:v27+s11+$0x0] =	vst.idx.add.f32.msk $0xffff, v24  }
0x11f: {  	v32 =	vadd.s32 v9, v32;
	[tilespmem:v27+s12+$0x0] =	vst.idx.add.f32.msk $0xffff, v16  }
0x120: {  	[tilespmem:v10+s13+$0x0] =	vst.idx.add.f32.msk $0xffff, v24  }
0x121: {  	v33 =	vadd.s32 v9, v33;
	[tilespmem:v10+s14+$0x0] =	vst.idx.add.f32.msk $0xffff, v16  }
0x122: {  	[tilespmem:v11+s15+$0x0] =	vst.idx.add.f32.msk $0xffff, v30  }
0x123: {  	v10 =	vadd.s32 v9, v35;
	[tilespmem:v11+s16+$0x0] =	vst.idx.add.f32.msk $0xffff, v22  }
0x124: {  	[tilespmem:v32+s17+$0x0] =	vst.idx.add.f32.msk $0xffff, v30  }
0x125: {  	v11 =	vadd.s32 v9, v37;
	[tilespmem:v32+s18+$0x0] =	vst.idx.add.f32.msk $0xffff, v22  }
0x126: {  	[tilespmem:v33+s19+$0x0] =	vst.idx.add.f32.msk $0xffff, v30  }
0x127: {  	v38 =	vadd.s32 v9, v38;
	[tilespmem:v33+s20+$0x0] =	vst.idx.add.f32.msk $0xffff, v22  }
0x128: {  	[tilespmem:v10+s21+$0x0] =	vst.idx.add.f32.msk $0xffff, v30  }
0x129: {  	v39 =	vadd.s32 v9, v39;
	[tilespmem:v10+s22+$0x0] =	vst.idx.add.f32.msk $0xffff, v22  }
0x12a: {  	[tilespmem:v11+s5+$0x0] =	vst.idx.add.f32.msk $0xffff, v36  }
0x12b: {  	v10 =	vadd.s32 v9, v41;
	[tilespmem:v11+s6+$0x0] =	vst.idx.add.f32.msk $0xffff, v28  }
0x12c: {  	[tilespmem:v38+s9+$0x0] =	vst.idx.add.f32.msk $0xffff, v36  }
0x12d: {  	v11 =	vadd.s32 v9, v43;
	[tilespmem:v38+s10+$0x0] =	vst.idx.add.f32.msk $0xffff, v28  }
0x12e: {  	[tilespmem:v39+s11+$0x0] =	vst.idx.add.f32.msk $0xffff, v36  }
0x12f: {  	v58 =	vadd.s32 v9, v44;
	[tilespmem:v39+s12+$0x0] =	vst.idx.add.f32.msk $0xffff, v28  }
0x130: {  	[tilespmem:v10+s13+$0x0] =	vst.idx.add.f32.msk $0xffff, v36  }
0x131: {  	v59 =	vadd.s32 v9, v45;
	[tilespmem:v10+s14+$0x0] =	vst.idx.add.f32.msk $0xffff, v28  }
0x132: {  	[tilespmem:v11+s15+$0x0] =	vst.idx.add.f32.msk $0xffff, v42  }
0x133: {  	v10 =	vadd.s32 v9, v46;
	[tilespmem:v11+s16+$0x0] =	vst.idx.add.f32.msk $0xffff, v34  }
0x134: {  	[tilespmem:v58+s17+$0x0] =	vst.idx.add.f32.msk $0xffff, v42  }
0x135: {  	v11 =	vadd.s32 v9, v49;
	[tilespmem:v58+s18+$0x0] =	vst.idx.add.f32.msk $0xffff, v34  }
0x136: {  	[tilespmem:v59+s19+$0x0] =	vst.idx.add.f32.msk $0xffff, v42  }
0x137: {  	v60 =	vadd.s32 v9, v50;
	[tilespmem:v59+s20+$0x0] =	vst.idx.add.f32.msk $0xffff, v34  }
0x138: {  	[tilespmem:v10+s21+$0x0] =	vst.idx.add.f32.msk $0xffff, v42  }
0x139: {  	v61 =	vadd.s32 v9, v51;
	[tilespmem:v10+s22+$0x0] =	vst.idx.add.f32.msk $0xffff, v34  }
0x13a: {  	[tilespmem:v11+s5+$0x0] =	vst.idx.add.f32.msk $0xffff, v47  }
0x13b: {  	v10 =	vadd.s32 v9, v52;
	[tilespmem:v11+s6+$0x0] =	vst.idx.add.f32.msk $0xffff, v40  }
0x13c: {  	[tilespmem:v60+s9+$0x0] =	vst.idx.add.f32.msk $0xffff, v47  }
0x13d: {  	v11 =	vadd.s32 v9, v54;
	[tilespmem:v60+s10+$0x0] =	vst.idx.add.f32.msk $0xffff, v40  }
0x13e: {  	[tilespmem:v61+s11+$0x0] =	vst.idx.add.f32.msk $0xffff, v47  }
0x13f: {  	v62 =	vadd.s32 v9, v55;
	[tilespmem:v61+s12+$0x0] =	vst.idx.add.f32.msk $0xffff, v40  }
0x140: {  	[tilespmem:v10+s13+$0x0] =	vst.idx.add.f32.msk $0xffff, v47  }
0x141: {  	v63 =	vadd.s32 v9, v56;
	[tilespmem:v10+s14+$0x0] =	vst.idx.add.f32.msk $0xffff, v40  }
0x142: {  	[tilespmem:v11+s15+$0x0] =	vst.idx.add.f32.msk $0xffff, v53  }
0x143: {  	v10 =	vadd.s32 v9, v57;
	[tilespmem:v11+s16+$0x0] =	vst.idx.add.f32.msk $0xffff, v48  }
0x144: {  	p0 =	sne.s32 s29, $0x78;
	[tilespmem:v62+s17+$0x0] =	vst.idx.add.f32.msk $0xffff, v53  }
.Ltmp4:
0x145: {  	[tilespmem:v62+s18+$0x0] =	vst.idx.add.f32.msk $0xffff, v48;
	(pc) =	sbr.rel @p0 .LBB2_7-.Ltmp4, $4  }
0x146: {  	[tilespmem:v63+s19+$0x0] =	vst.idx.add.f32.msk $0xffff, v53  }
0x147: {  	[tilespmem:v63+s20+$0x0] =	vst.idx.add.f32.msk $0xffff, v48  }
0x148: {  	[tilespmem:v10+s21+$0x0] =	vst.idx.add.f32.msk $0xffff, v53  }
0x149: {  	s28 =	sadd.s32 $0x208, s28;
	s29 =	sadd.s32 $0x8, s29;
	[tilespmem:v10+s22+$0x0] =	vst.idx.add.f32.msk $0xffff, v48  }
0x14a: {  	p0 =	seq.s32 s25, $0x1F  }
0x14b: {  	s26 =	sadd.s32 @!p0 s24, s7  }
0x14c: {  	s28 =	simm.s32 @!p0 $0x400;
	s29 =	simm.s32 @!p0 $0x200000;
	s31 =	simm.s32 @!p0 $0x0  }
0x14d: {  	[tilespmem:s31], [sflag:$0x1] =	stream.strided.gather @!p0 [hbm4b:s26+s28], $0x2000, s29, s28, $0x38;
	[tilespmem:$0x1A080] =	vst v63  }
0x14e: {  	_ =	swait.ge [sflag:s23], $0x2000  }
0x14f: {  	s29 =	simm.s32 $0x0;
	[sflag:s23] =	ssyncset.done $0x0  }
0x150: {  	s26 =	simm.s32 $0x20F0;
	s28 =	simm.s32 $0x0;
	[sflag:s23] =	ssyncadd.s32 $0xFFFFE000  }
.LBB2_9:
0x151: {  	v10 =	vld [tilespmem:s26+$0xFFFFFF10]  }
0x152: {  	v11 =	vld [tilespmem:s26+$0xFFFFFF20]  }
0x153: {  	v12 =	vld [tilespmem:s26+$0xFFFFFF30];
	v14 =	vadd.s32 s28, v0  }
0x154: {  	v13 =	vld [tilespmem:s26+$0xFFFFFF40];
	v16 =	vadd.s32 s28, v2  }
0x155: {  	v15 =	vld [tilespmem:s26+$0xFFFFFF50];
	v18 =	vadd.s32 s28, v3  }
0x156: {  	v17 =	vld [tilespmem:s26+$0xFFFFFF60];
	v20 =	vadd.s32 s28, v4  }
0x157: {  	v19 =	vld [tilespmem:s26+$0xFFFFFF70];
	v22 =	vadd.s32 s28, v5  }
0x158: {  	v21 =	vld [tilespmem:s26+$0xFFFFFF80];
	v23 =	vadd.s32 s28, v6;
	[tilespmem:v14+s4+$0x0] =	vst.idx.msk $0xffff, v10  }
0x159: {  	v10 =	vadd.s32 s28, v7;
	[tilespmem:v16+s4+$0x0] =	vst.idx.msk $0xffff, v11  }
0x15a: {  	v11 =	vadd.s32 s28, v8;
	[tilespmem:v18+s4+$0x0] =	vst.idx.msk $0xffff, v12  }
0x15b: {  	[tilespmem:v20+s4+$0x0] =	vst.idx.msk $0xffff, v13  }
0x15c: {  	[tilespmem:v22+s4+$0x0] =	vst.idx.msk $0xffff, v15  }
0x15d: {  	[tilespmem:v23+s4+$0x0] =	vst.idx.msk $0xffff, v17  }
0x15e: {  	[tilespmem:v10+s4+$0x0] =	vst.idx.msk $0xffff, v19  }
0x15f: {  	[tilespmem:v11+s4+$0x0] =	vst.idx.msk $0xffff, v21  }
0x160: {  	v10 =	vld [tilespmem:s26+$0xFFFFFF90]  }
0x161: {  	s31 =	sadd.s32 $0x1, s28;
	v11 =	vld [tilespmem:s26+$0xFFFFFFA0]  }
0x162: {  	v58 =	vadd.s32 s31, v0;
	v12 =	vld [tilespmem:s26+$0xFFFFFFB0]  }
0x163: {  	v59 =	vadd.s32 s31, v2;
	v13 =	vld [tilespmem:s26+$0xFFFFFFC0]  }
0x164: {  	v60 =	vadd.s32 s31, v3;
	v15 =	vld [tilespmem:s26+$0xFFFFFFD0]  }
0x165: {  	v61 =	vadd.s32 s31, v4;
	v17 =	vld [tilespmem:s26+$0xFFFFFFE0]  }
0x166: {  	v62 =	vadd.s32 s31, v5;
	v19 =	vld [tilespmem:s26+$0xFFFFFFF0]  }
0x167: {  	v63 =	vadd.s32 s31, v6;
	v21 =	vld [tilespmem:s26+$0x0];
	[tilespmem:v58+s4+$0x0] =	vst.idx.msk $0xffff, v10  }
0x168: {  	v10 =	vadd.s32 s31, v7;
	[tilespmem:v59+s4+$0x0] =	vst.idx.msk $0xffff, v11  }
0x169: {  	p1 =	sne.s32 s28, $0x3E;
	v11 =	vadd.s32 s31, v8;
	[tilespmem:v60+s4+$0x0] =	vst.idx.msk $0xffff, v12  }
.Ltmp5:
0x16a: {  	[tilespmem:v61+s4+$0x0] =	vst.idx.msk $0xffff, v13;
	(pc) =	sbr.rel @p1 .LBB2_9-.Ltmp5, $4  }
0x16b: {  	[tilespmem:v62+s4+$0x0] =	vst.idx.msk $0xffff, v15  }
0x16c: {  	[tilespmem:v63+s4+$0x0] =	vst.idx.msk $0xffff, v17  }
0x16d: {  	[tilespmem:v10+s4+$0x0] =	vst.idx.msk $0xffff, v19  }
0x16e: {  	s28 =	sadd.s32 $0x2, s28;
	s26 =	sadd.s32 $0x100, s26;
	[tilespmem:v11+s4+$0x0] =	vst.idx.msk $0xffff, v21  }
0x16f: {  	s28 =	simm.s32 $0x4104  }
.LBB2_11:
0x170: {  	v13 =	vld [tilespmem:s28+$0xFFFFFEFC]  }
0x171: {  	v14 =	vld [tilespmem:s28+$0xFFFFFF0C]  }
0x172: {  	v15 =	vld [tilespmem:s28+$0xFFFFFF1C]  }
0x173: {  	v17 =	vld [tilespmem:s28+$0xFFFFFF2C]  }
0x174: {  	v19 =	vld [tilespmem:s28+$0xFFFFFF3D]  }
0x175: {  	v20 =	vld [tilespmem:s28+$0xFFFFFF4D]  }
0x176: {  	v21 =	vld [tilespmem:s28+$0xFFFFFF5D]  }
0x177: {  	v23 =	vld [tilespmem:s28+$0xFFFFFF6D]  }
0x178: {  	v25 =	vld [tilespmem:s28+$0xFFFFFF7E]  }
0x179: {  	v26 =	vld [tilespmem:s28+$0xFFFFFF8E]  }
0x17a: {  	v27 =	vld [tilespmem:s28+$0xFFFFFF9E]  }
0x17b: {  	v29 =	vld [tilespmem:s28+$0xFFFFFFAE]  }
0x17c: {  	v31 =	vld [tilespmem:s28+$0xFFFFFFBF]  }
0x17d: {  	v32 =	vld [tilespmem:s28+$0xFFFFFFCF]  }
0x17e: {  	v33 =	vld [tilespmem:s28+$0xFFFFFFDF]  }
0x17f: {  	v35 =	vld [tilespmem:s28+$0xFFFFFFEF]  }
0x180: {  	v37 =	vld [tilespmem:s28+$0x0]  }
0x181: {  	v38 =	vld [tilespmem:s28+$0x10]  }
0x182: {  	v39 =	vld [tilespmem:s28+$0x20]  }
0x183: {  	v41 =	vld [tilespmem:s28+$0x30]  }
0x184: {  	v43 =	vld [tilespmem:s28+$0x41]  }
0x185: {  	v44 =	vld [tilespmem:s28+$0x51]  }
0x186: {  	s26 =	sadd.s32 s29, s2;
	v45 =	vld [tilespmem:s28+$0x61]  }
0x187: {  	v46 =	vld [tilespmem:s28+$0x71];
	s31 =	sadd.s32 $0x80, s26  }
0x188: {  	v49 =	vld [tilespmem:s28+$0x82];
	v10 =	vmov s31  }
0x189: {  	v50 =	vld [tilespmem:s28+$0x92];
	s31 =	sadd.s32 $0x81, s26;
	v10 =	vand.u32 $0xFFFFFFF8, v10  }
0x18a: {  	v51 =	vld [tilespmem:s28+$0xA2];
	v11 =	vmov s31;
	v10 =	vbroadcast v10, $0x0  }
0x18b: {  	v52 =	vld [tilespmem:s28+$0xB2];
	s31 =	sadd.s32 $0x82, s26;
	v11 =	vand.u32 $0xFFFFFFF9, v11  }
0x18c: {  	v54 =	vld [tilespmem:s28+$0xC3];
	v16 =	vmov s31;
	v11 =	vbroadcast v11, $0x0  }
0x18d: {  	v55 =	vld [tilespmem:s28+$0xD3];
	s31 =	sadd.s32 $0x83, s26;
	v16 =	vand.u32 $0xFFFFFFFA, v16  }
0x18e: {  	v56 =	vld [tilespmem:s28+$0xE3];
	v22 =	vmov s31;
	v16 =	vbroadcast v16, $0x0  }
0x18f: {  	v57 =	vld [tilespmem:s28+$0xF3];
	v22 =	vand.u32 $0xFFFFFFFB, v22  }
0x190: {  	s31 =	sadd.s32 $0x84, s26;
	v22 =	vbroadcast v22, $0x0;
	v12 =	vld.idx.msk [tilespmem:v10+s30+$0x0], $0xffff  }
0x191: {  	v28 =	vmov s31;
	s31 =	sadd.s32 $0x85, s26;
	v10 =	vld.idx.msk [tilespmem:v10+s0+$0x0], $0xffff  }
0x192: {  	v34 =	vmov s31;
	s31 =	sadd.s32 $0x86, s26;
	s26 =	sadd.s32 $0x87, s26;
	v18 =	vld.idx.msk [tilespmem:v11+s30+$0x0], $0xffff  }
0x193: {  	v28 =	vand.u32 $0xFFFFFFFC, v28;
	v48 =	vmov s26;
	v11 =	vld.idx.msk [tilespmem:v11+s0+$0x0], $0xffff  }
0x194: {  	v28 =	vbroadcast v28, $0x0;
	v24 =	vld.idx.msk [tilespmem:v16+s30+$0x0], $0xffff  }
0x195: {  	v34 =	vand.u32 $0xFFFFFFFD, v34;
	v16 =	vld.idx.msk [tilespmem:v16+s0+$0x0], $0xffff  }
0x196: {  	v40 =	vmov s31;
	v34 =	vbroadcast v34, $0x0;
	v30 =	vld.idx.msk [tilespmem:v22+s30+$0x0], $0xffff  }
0x197: {  	v40 =	vand.u32 $0xFFFFFFFE, v40;
	v22 =	vld.idx.msk [tilespmem:v22+s0+$0x0], $0xffff  }
0x198: {  	v40 =	vbroadcast v40, $0x0;
	v53 =	vld.idx.msk [tilespmem:v48+s30+$0x0], $0xffff  }
0x199: {  	v48 =	vld.idx.msk [tilespmem:v48+s0+$0x0], $0xffff  }
0x19a: {  	v36 =	vld.idx.msk [tilespmem:v28+s30+$0x0], $0xffff  }
0x19b: {  	v13 =	vadd.s32 v9, v13;
	v28 =	vld.idx.msk [tilespmem:v28+s0+$0x0], $0xffff  }
0x19c: {  	v42 =	vld.idx.msk [tilespmem:v34+s30+$0x0], $0xffff  }
0x19d: {  	v14 =	vadd.s32 v9, v14;
	v34 =	vld.idx.msk [tilespmem:v34+s0+$0x0], $0xffff  }
0x19e: {  	v47 =	vld.idx.msk [tilespmem:v40+s30+$0x0], $0xffff  }
0x19f: {  	v15 =	vadd.s32 v9, v15;
	v40 =	vld.idx.msk [tilespmem:v40+s0+$0x0], $0xffff  }
0x1a0: {  	[tilespmem:v13+s5+$0x0] =	vst.idx.add.f32.msk $0xffff, v12  }
0x1a1: {  	v17 =	vadd.s32 v9, v17;
	[tilespmem:v13+s6+$0x0] =	vst.idx.add.f32.msk $0xffff, v10  }
0x1a2: {  	[tilespmem:v14+s9+$0x0] =	vst.idx.add.f32.msk $0xffff, v12  }
0x1a3: {  	v19 =	vadd.s32 v9, v19;
	[tilespmem:v14+s10+$0x0] =	vst.idx.add.f32.msk $0xffff, v10  }
0x1a4: {  	[tilespmem:v15+s11+$0x0] =	vst.idx.add.f32.msk $0xffff, v12  }
0x1a5: {  	v20 =	vadd.s32 v9, v20;
	[tilespmem:v15+s12+$0x0] =	vst.idx.add.f32.msk $0xffff, v10  }
0x1a6: {  	[tilespmem:v17+s13+$0x0] =	vst.idx.add.f32.msk $0xffff, v12  }
0x1a7: {  	v21 =	vadd.s32 v9, v21;
	[tilespmem:v17+s14+$0x0] =	vst.idx.add.f32.msk $0xffff, v10  }
0x1a8: {  	[tilespmem:v19+s15+$0x0] =	vst.idx.add.f32.msk $0xffff, v18  }
0x1a9: {  	v10 =	vadd.s32 v9, v23;
	[tilespmem:v19+s16+$0x0] =	vst.idx.add.f32.msk $0xffff, v11  }
0x1aa: {  	[tilespmem:v20+s17+$0x0] =	vst.idx.add.f32.msk $0xffff, v18  }
0x1ab: {  	v25 =	vadd.s32 v9, v25;
	[tilespmem:v20+s18+$0x0] =	vst.idx.add.f32.msk $0xffff, v11  }
0x1ac: {  	[tilespmem:v21+s19+$0x0] =	vst.idx.add.f32.msk $0xffff, v18  }
0x1ad: {  	v26 =	vadd.s32 v9, v26;
	[tilespmem:v21+s20+$0x0] =	vst.idx.add.f32.msk $0xffff, v11  }
0x1ae: {  	[tilespmem:v10+s21+$0x0] =	vst.idx.add.f32.msk $0xffff, v18  }
0x1af: {  	v27 =	vadd.s32 v9, v27;
	[tilespmem:v10+s22+$0x0] =	vst.idx.add.f32.msk $0xffff, v11  }
0x1b0: {  	[tilespmem:v25+s5+$0x0] =	vst.idx.add.f32.msk $0xffff, v24  }
0x1b1: {  	v10 =	vadd.s32 v9, v29;
	[tilespmem:v25+s6+$0x0] =	vst.idx.add.f32.msk $0xffff, v16  }
0x1b2: {  	[tilespmem:v26+s9+$0x0] =	vst.idx.add.f32.msk $0xffff, v24  }
0x1b3: {  	v11 =	vadd.s32 v9, v31;
	[tilespmem:v26+s10+$0x0] =	vst.idx.add.f32.msk $0xffff, v16  }
0x1b4: {  	[tilespmem:v27+s11+$0x0] =	vst.idx.add.f32.msk $0xffff, v24  }
0x1b5: {  	v32 =	vadd.s32 v9, v32;
	[tilespmem:v27+s12+$0x0] =	vst.idx.add.f32.msk $0xffff, v16  }
0x1b6: {  	[tilespmem:v10+s13+$0x0] =	vst.idx.add.f32.msk $0xffff, v24  }
0x1b7: {  	v33 =	vadd.s32 v9, v33;
	[tilespmem:v10+s14+$0x0] =	vst.idx.add.f32.msk $0xffff, v16  }
0x1b8: {  	[tilespmem:v11+s15+$0x0] =	vst.idx.add.f32.msk $0xffff, v30  }
0x1b9: {  	v10 =	vadd.s32 v9, v35;
	[tilespmem:v11+s16+$0x0] =	vst.idx.add.f32.msk $0xffff, v22  }
0x1ba: {  	[tilespmem:v32+s17+$0x0] =	vst.idx.add.f32.msk $0xffff, v30  }
0x1bb: {  	v11 =	vadd.s32 v9, v37;
	[tilespmem:v32+s18+$0x0] =	vst.idx.add.f32.msk $0xffff, v22  }
0x1bc: {  	[tilespmem:v33+s19+$0x0] =	vst.idx.add.f32.msk $0xffff, v30  }
0x1bd: {  	v38 =	vadd.s32 v9, v38;
	[tilespmem:v33+s20+$0x0] =	vst.idx.add.f32.msk $0xffff, v22  }
0x1be: {  	[tilespmem:v10+s21+$0x0] =	vst.idx.add.f32.msk $0xffff, v30  }
0x1bf: {  	v39 =	vadd.s32 v9, v39;
	[tilespmem:v10+s22+$0x0] =	vst.idx.add.f32.msk $0xffff, v22  }
0x1c0: {  	[tilespmem:v11+s5+$0x0] =	vst.idx.add.f32.msk $0xffff, v36  }
0x1c1: {  	v10 =	vadd.s32 v9, v41;
	[tilespmem:v11+s6+$0x0] =	vst.idx.add.f32.msk $0xffff, v28  }
0x1c2: {  	[tilespmem:v38+s9+$0x0] =	vst.idx.add.f32.msk $0xffff, v36  }
0x1c3: {  	v11 =	vadd.s32 v9, v43;
	[tilespmem:v38+s10+$0x0] =	vst.idx.add.f32.msk $0xffff, v28  }
0x1c4: {  	[tilespmem:v39+s11+$0x0] =	vst.idx.add.f32.msk $0xffff, v36  }
0x1c5: {  	v58 =	vadd.s32 v9, v44;
	[tilespmem:v39+s12+$0x0] =	vst.idx.add.f32.msk $0xffff, v28  }
0x1c6: {  	[tilespmem:v10+s13+$0x0] =	vst.idx.add.f32.msk $0xffff, v36  }
0x1c7: {  	v59 =	vadd.s32 v9, v45;
	[tilespmem:v10+s14+$0x0] =	vst.idx.add.f32.msk $0xffff, v28  }
0x1c8: {  	[tilespmem:v11+s15+$0x0] =	vst.idx.add.f32.msk $0xffff, v42  }
0x1c9: {  	v10 =	vadd.s32 v9, v46;
	[tilespmem:v11+s16+$0x0] =	vst.idx.add.f32.msk $0xffff, v34  }
0x1ca: {  	[tilespmem:v58+s17+$0x0] =	vst.idx.add.f32.msk $0xffff, v42  }
0x1cb: {  	v11 =	vadd.s32 v9, v49;
	[tilespmem:v58+s18+$0x0] =	vst.idx.add.f32.msk $0xffff, v34  }
0x1cc: {  	[tilespmem:v59+s19+$0x0] =	vst.idx.add.f32.msk $0xffff, v42  }
0x1cd: {  	v60 =	vadd.s32 v9, v50;
	[tilespmem:v59+s20+$0x0] =	vst.idx.add.f32.msk $0xffff, v34  }
0x1ce: {  	[tilespmem:v10+s21+$0x0] =	vst.idx.add.f32.msk $0xffff, v42  }
0x1cf: {  	v61 =	vadd.s32 v9, v51;
	[tilespmem:v10+s22+$0x0] =	vst.idx.add.f32.msk $0xffff, v34  }
0x1d0: {  	[tilespmem:v11+s5+$0x0] =	vst.idx.add.f32.msk $0xffff, v47  }
0x1d1: {  	v10 =	vadd.s32 v9, v52;
	[tilespmem:v11+s6+$0x0] =	vst.idx.add.f32.msk $0xffff, v40  }
0x1d2: {  	[tilespmem:v60+s9+$0x0] =	vst.idx.add.f32.msk $0xffff, v47  }
0x1d3: {  	v11 =	vadd.s32 v9, v54;
	[tilespmem:v60+s10+$0x0] =	vst.idx.add.f32.msk $0xffff, v40  }
0x1d4: {  	[tilespmem:v61+s11+$0x0] =	vst.idx.add.f32.msk $0xffff, v47  }
0x1d5: {  	v62 =	vadd.s32 v9, v55;
	[tilespmem:v61+s12+$0x0] =	vst.idx.add.f32.msk $0xffff, v40  }
0x1d6: {  	[tilespmem:v10+s13+$0x0] =	vst.idx.add.f32.msk $0xffff, v47  }
0x1d7: {  	v63 =	vadd.s32 v9, v56;
	[tilespmem:v10+s14+$0x0] =	vst.idx.add.f32.msk $0xffff, v40  }
0x1d8: {  	[tilespmem:v11+s15+$0x0] =	vst.idx.add.f32.msk $0xffff, v53  }
0x1d9: {  	v10 =	vadd.s32 v9, v57;
	[tilespmem:v11+s16+$0x0] =	vst.idx.add.f32.msk $0xffff, v48  }
0x1da: {  	p1 =	sne.s32 s29, $0x78;
	[tilespmem:v62+s17+$0x0] =	vst.idx.add.f32.msk $0xffff, v53  }
.Ltmp6:
0x1db: {  	[tilespmem:v62+s18+$0x0] =	vst.idx.add.f32.msk $0xffff, v48;
	(pc) =	sbr.rel @p1 .LBB2_11-.Ltmp6, $4  }
0x1dc: {  	[tilespmem:v63+s19+$0x0] =	vst.idx.add.f32.msk $0xffff, v53  }
0x1dd: {  	[tilespmem:v63+s20+$0x0] =	vst.idx.add.f32.msk $0xffff, v48  }
0x1de: {  	[tilespmem:v10+s21+$0x0] =	vst.idx.add.f32.msk $0xffff, v53  }
0x1df: {  	s28 =	sadd.s32 $0x208, s28;
	s29 =	sadd.s32 $0x8, s29;
	[tilespmem:v10+s22+$0x0] =	vst.idx.add.f32.msk $0xffff, v48  }
.Ltmp7:
0x1e0: {  	(pc) =	sbr.rel @p0 .LBB2_14-.Ltmp7, $1  }
0x1e1: {  	_ =	sdelay $0x3  }
.Ltmp8:
0x1e2: {  	(pc) =	sbr.rel .LBB2_4-.Ltmp8, $4  }
0x1e3: {  	_ = 	snop  }
0x1e4: {  	s24 =	sadd.s32 s24, s8;
	s26 =	simm.s32 $0x400;
	s28 =	simm.s32 $0x200000  }
0x1e5: {  	s29 =	simm.s32 $0x2000;
	s25 =	sadd.s32 $0x1, s25;
	s2 =	sadd.s32 $0x100, s2  }
0x1e6: {  	[tilespmem:s29], [sflag:$0x2] =	stream.strided.gather [hbm4b:s24+s26], $0x2000, s28, s26, $0x38;
	[tilespmem:$0x1A080] =	vst v63  }
.LBB2_15:
0x1e7: {  	_ =	sfence.sel $0x180000  }
0x1e8: {  	[bflag:$0x0] =	sbarrier.arrive $0xFFFF  }
0x1e9: {  	_ =	strace $0x90000047  }
0x1ea: {  	s0 =	stileid.u32;
	[bflag:$0x2] =	sbarrier.arrive $0xFFFF  }
0x1eb: {  	p0 =	sne.s32 s0, $0x0;
	s0 =	rddreg [dreg:$0x4]  }
0x1ec: {  	s0 =	sadd.s32 @!p0 $0x100000, s0  }
0x1ed: {  	[sflag:s0] =	ssyncadd.tile.s32 @!p0 $0x1;
	_ =	shalt  }
.Lfunc_end2:
_tile_overlayer_lowered:
.L_overlay_start_2:
0x1ee: {  	(tag) =	ssettag $0x2  }
0x1ef: {  	s0 =	rddreg [dreg:$0x0];
	s2 =	stileid.u32  }
0x1f0: {  	s1 =	rddreg [dreg:$0x1];
	p0 =	sne.s32 s2, $0x0  }
0x1f1: {  	s3 =	rddreg [dreg:$0x2];
	[bflag:$0x3] =	sbarrier.arrive $0xFFFF;
	s2 =	simm.s32 @!p0 $0x1C03  }
0x1f2: {  	[timem:s3], [sflag:s2] =	dma.local @!p0 [hbm:s0], s1  }
0x1f3: {  	s0 =	simm.s32 @!p0 $0x3  }
0x1f4: {  	_ =	swait.ge @!p0 [sflag:s0], s1  }
0x1f5: {  	s1 =	ssub.s32 @!p0 $0x0, s1;
	[sflag:s0] =	ssyncset.done @!p0 $0x0  }
0x1f6: {  	[sflag:s0] =	ssyncadd.s32 @!p0 s1  }
0x1f7: {  	[bflag:$0x3] =	sbarrier.arrive $0xFFFF  }
0x1f8: {  	_ =	shalt  }

</sc_bundles>
